<compile_context>
chip_gen: v7x
topology: tpu7x:2x2x1
jax: 0.10.2.dev20260603
libtpu: 0.0.44.dev20260713+nightly
codegen_flags: <defaults>
</compile_context>

<pallas_src>
import functools

import jax
import jax.numpy as jnp
from jax import lax
from jax.experimental import pallas as pl
from jax.experimental.pallas import tpu as pltpu
from jax.experimental.pallas import tpu_sc as plsc

NC, NS = 2, 16
NW = NC * NS
CHUNK = 128
K = 8
PW = 128


def _t1_precompute(v2e, w1t, b1):
    n, v = v2e.shape
    blk = 2000
    def body(v_ref, w_ref, b_ref, o_ref):
        o_ref[...] = jnp.dot(v_ref[...], w_ref[...],
                             preferred_element_type=jnp.float32) + b_ref[...]
    return pl.pallas_call(
        body,
        grid=(n // blk,),
        in_specs=[pl.BlockSpec((blk, v), lambda i: (i, 0)),
                  pl.BlockSpec((v, v), lambda i: (0, 0)),
                  pl.BlockSpec((1, v), lambda i: (0, 0))],
        out_specs=pl.BlockSpec((blk, v), lambda i: (i, 0)),
        out_shape=jax.ShapeDtypeStruct((n, v), jnp.float32),
    )(v2e, w1t, b1)


def _sc_gather(t1, hv, seg_b0, bs, v, u2e=None, nodes=None):
    b, ll = hv.shape
    c0 = 104
    c1 = ll - c0
    rows_b = bs // NW
    rows_per_w = rows_b * ll
    kp = 4
    bursts = rows_b // kp
    with_u = u2e is not None
    mesh = plsc.VectorSubcoreMesh(core_axis_name="c", subcore_axis_name="s")

    out_type = [jax.ShapeDtypeStruct((bs * ll, v), jnp.float32)]
    scratch = [
        pltpu.VMEM((rows_b, ll), jnp.int32),
        pltpu.VMEM((kp * ll, v), jnp.float32),
        pltpu.SemaphoreType.DMA,
    ]
    if with_u:
        u_per_w = b // NW
        out_type.append(jax.ShapeDtypeStruct((b, v), jnp.float32))
        scratch += [pltpu.VMEM((u_per_w,), jnp.int32),
                    pltpu.VMEM((u_per_w, v), jnp.float32)]

    @functools.partial(
        pl.kernel, mesh=mesh,
        compiler_params=pltpu.CompilerParams(use_tc_tiling_on_sc=False),
        out_type=tuple(out_type), scratch_types=scratch,
    )
    def k(*refs):
        if with_u:
            (t1_hbm, u2e_hbm, hv_hbm, nodes_hbm, g_hbm, uv_hbm,
             idx_v, rows_v, sem, idxu_v, urows_v) = refs
        else:
            t1_hbm, hv_hbm, g_hbm, idx_v, rows_v, sem = refs
        wid = lax.axis_index("s") * NC + lax.axis_index("c")
        base = wid * rows_per_w
        pltpu.sync_copy(hv_hbm.at[pl.ds(seg_b0 + wid * rows_b, rows_b)], idx_v)

        def burst(i, carry):
            cps = []
            for j in range(kp):
                row = i * kp + j
                cps.append(pltpu.async_copy(
                    t1_hbm.at[idx_v.at[row, pl.ds(0, c0)]],
                    rows_v.at[pl.ds(j * ll, c0)], sem))
                cps.append(pltpu.async_copy(
                    t1_hbm.at[idx_v.at[row, pl.ds(c0, c1)]],
                    rows_v.at[pl.ds(j * ll + c0, c1)], sem))
            for cp in cps:
                cp.wait()
            pltpu.sync_copy(rows_v,
                            g_hbm.at[pl.ds(base + i * (kp * ll), kp * ll)])
            return carry
        lax.fori_loop(0, bursts, burst, 0)

        if with_u:
            u_per_w = b // NW
            pltpu.sync_copy(nodes_hbm.at[pl.ds(wid * u_per_w, u_per_w)], idxu_v)
            pltpu.async_copy(u2e_hbm.at[idxu_v], urows_v, sem).wait()
            pltpu.sync_copy(urows_v, uv_hbm.at[pl.ds(wid * u_per_w, u_per_w)])

    if with_u:
        return k(t1, u2e, hv, nodes)
    return k(t1, hv)[0]


def _blockdiag(w):
    v = w.shape[0]
    z = jnp.zeros((v, v), w.dtype)
    return jnp.block([[w, z], [z, w]])


def _fused_mlp_call(g2, r_e, r_o, uv, c2, w2p, b2p, a1op, a1utp, ba1p,
                    a2p, ba2p, m3, nb, v):
    bn = uv.shape[0]
    hl = r_e.shape[1]
    rows = nb * hl

    def body(g_ref, re_ref, ro_ref, uv_ref, c_ref, w2_ref, b2_ref,
             a1o_ref, a1u_ref, ba1_ref, a2_ref, ba2_ref, m3_ref, o_ref):
        gp = g_ref[...]
        re3 = jnp.broadcast_to(re_ref[...][..., None], (nb, hl, v))
        ro3 = jnp.broadcast_to(ro_ref[...][..., None], (nb, hl, v))
        rp = jnp.concatenate([re3, ro3], axis=2).reshape(rows, 2 * v)
        x = jnp.maximum(gp + rp * c_ref[...], 0.0)
        o2 = jnp.maximum(jnp.dot(x, w2_ref[...],
                                 preferred_element_type=jnp.float32)
                         + b2_ref[...], 0.0)
        ucp = jnp.dot(uv_ref[...], a1u_ref[...],
                      preferred_element_type=jnp.float32) + ba1_ref[...]
        a1 = jnp.maximum((jnp.dot(o2, a1o_ref[...],
                                  preferred_element_type=jnp.float32)
                          .reshape(nb, hl, 2 * v)
                          + ucp[:, None, :]).reshape(rows, 2 * v), 0.0)
        a2 = jnp.maximum(jnp.dot(a1, a2_ref[...],
                                 preferred_element_type=jnp.float32)
                         + ba2_ref[...], 0.0)
        sp = jnp.dot(a2, m3_ref[...],
                     preferred_element_type=jnp.float32)
        sp3 = sp.reshape(nb, hl, 2 * v)
        m2 = jnp.max(sp3, axis=1)
        m = jnp.max(m2, axis=1, keepdims=True)
        e3 = jnp.exp(sp3 - m[:, None, :])
        ze = jnp.sum(e3, axis=1)
        den = jnp.sum(ze, axis=1, keepdims=True)
        w3 = o2.reshape(nb, hl, 2 * v) * e3
        z = jnp.sum(w3, axis=1)
        zh = z[:, :v] + z[:, v:]
        o_ref[...] = zh * (float(v) / den)

    return pl.pallas_call(
        body,
        grid=(bn // nb,),
        in_specs=[
            pl.BlockSpec((rows, 2 * v), lambda i: (i, 0)),
            pl.BlockSpec((nb, hl), lambda i: (i, 0)),
            pl.BlockSpec((nb, hl), lambda i: (i, 0)),
            pl.BlockSpec((nb, v), lambda i: (i, 0)),
            pl.BlockSpec((1, 2 * v), lambda i: (0, 0)),
            pl.BlockSpec((2 * v, 2 * v), lambda i: (0, 0)),
            pl.BlockSpec((1, 2 * v), lambda i: (0, 0)),
            pl.BlockSpec((2 * v, 2 * v), lambda i: (0, 0)),
            pl.BlockSpec((v, 2 * v), lambda i: (0, 0)),
            pl.BlockSpec((1, 2 * v), lambda i: (0, 0)),
            pl.BlockSpec((2 * v, 2 * v), lambda i: (0, 0)),
            pl.BlockSpec((1, 2 * v), lambda i: (0, 0)),
            pl.BlockSpec((2 * v, 2 * v), lambda i: (0, 0)),
        ],
        out_specs=pl.BlockSpec((nb, v), lambda i: (i, 0)),
        out_shape=jax.ShapeDtypeStruct((bn, v), jnp.float32),
    )(g2, r_e, r_o, uv, c2, w2p, b2p, a1op, a1utp, ba1p, a2p, ba2p, m3)


def kernel(nodes, history_uv, history_r, v2e, u2e, w_r1_w, w_r1_b, w_r2_w,
           w_r2_b, att1_w, att1_b, att2_w, att2_b, att3_w, att3_b):
    b, ll = history_uv.shape
    v = v2e.shape[1]
    nseg = 4
    bs = b // nseg

    t1 = _t1_precompute(v2e, w_r1_w[:, :v].T, w_r1_b.reshape(1, v))

    hv = history_uv.astype(jnp.int32)
    nd = nodes.astype(jnp.int32)

    gs, uv = [], None
    for s in range(nseg):
        if s == 0:
            g_s, uv = _sc_gather(t1, hv, 0, bs, v, u2e, nd)
        else:
            g_s = _sc_gather(t1, hv, s * bs, bs, v)
        gs.append(g_s)

    tile2 = lambda x: jnp.concatenate([x, x]).reshape(1, 2 * v)
    b3 = jnp.broadcast_to(att3_w.reshape(v, 1), (v, v))
    wargs = (tile2(w_r1_w[:, v]),
             _blockdiag(w_r2_w.T), tile2(w_r2_b),
             _blockdiag(att1_w[:, :v].T),
             jnp.concatenate([att1_w[:, v:].T, att1_w[:, v:].T], axis=1),
             tile2(att1_b),
             _blockdiag(att2_w.T), tile2(att2_b),
             _blockdiag(b3))
    outs = []
    for s in range(nseg):
        sl = slice(s * bs, (s + 1) * bs)
        outs.append(_fused_mlp_call(
            gs[s].reshape((bs * ll) // 2, 2 * v),
            history_r[sl, 0::2], history_r[sl, 1::2], uv[sl],
            *wargs, nb=64, v=v))
    return jnp.concatenate(outs, axis=0)

# --- scband reference (transcript-rebuilt; emitter-appended) ---
"""Pipeline reference for scband-uv-aggregator-14422500180541 (READ-ONLY COPY).

The authoritative reference and input builder live on the scoring server;
editing this copy changes nothing except your own understanding.
"""

import jax, jax.numpy as jnp
import numpy as np

B, L = 4096, 200
N_ITEMS = 100000
N_USERS = 100000
U_DIM = 64
V_DIM = 64

def setup_inputs(seed: int = 0):
    key = jax.random.key(seed)
    ks = jax.random.split(key, 16)
    nodes = jax.random.randint(ks[0], (B,), 0, N_USERS)
    history_uv = jax.random.randint(ks[1], (B, L), 0, N_ITEMS)
    history_r = jax.random.uniform(ks[2], (B, L), dtype=jnp.float32)
    v2e = jax.random.normal(ks[3], (N_ITEMS, V_DIM), jnp.float32) * 0.05
    u2e = jax.random.normal(ks[4], (N_USERS, U_DIM), jnp.float32) * 0.05
    w_r1_w = jax.random.normal(ks[5], (V_DIM, V_DIM + 1), jnp.float32) * (1.0 / np.sqrt(V_DIM + 1))
    w_r1_b = jnp.zeros((V_DIM,), jnp.float32)
    w_r2_w = jax.random.normal(ks[6], (V_DIM, V_DIM), jnp.float32) * (1.0 / np.sqrt(V_DIM))
    w_r2_b = jnp.zeros((V_DIM,), jnp.float32)
    att1_w = jax.random.normal(ks[7], (V_DIM, V_DIM + U_DIM), jnp.float32) * (1.0 / np.sqrt(V_DIM + U_DIM))
    att1_b = jnp.zeros((V_DIM,), jnp.float32)
    att2_w = jax.random.normal(ks[8], (V_DIM, V_DIM), jnp.float32) * (1.0 / np.sqrt(V_DIM))
    att2_b = jnp.zeros((V_DIM,), jnp.float32)
    att3_w = jax.random.normal(ks[9], (1, V_DIM), jnp.float32) * (1.0 / np.sqrt(V_DIM))
    att3_b = jnp.zeros((1,), jnp.float32)
    return {"nodes": nodes, "history_uv": history_uv, "history_r": history_r,
            "v2e": v2e, "u2e": u2e,
            "w_r1_w": w_r1_w, "w_r1_b": w_r1_b, "w_r2_w": w_r2_w, "w_r2_b": w_r2_b,
            "att1_w": att1_w, "att1_b": att1_b, "att2_w": att2_w, "att2_b": att2_b,
            "att3_w": att3_w, "att3_b": att3_b}

def reference(nodes, history_uv, history_r, v2e, u2e,
              w_r1_w, w_r1_b, w_r2_w, w_r2_b,
              att1_w, att1_b, att2_w, att2_b, att3_w, att3_b):
    # gather item embeddings for each node's history: [B, L, V]
    e_uv = jnp.take(v2e, history_uv, axis=0)
    # gather user embeddings: [B, U]
    uv_rep = jnp.take(u2e, nodes, axis=0)
    # concat rating scalar: [B, L, V+1]
    x = jnp.concatenate([e_uv, history_r[..., None]], axis=-1)
    x = jax.nn.relu(jnp.einsum('bld,od->blo', x, w_r1_w) + w_r1_b)
    o_history = jax.nn.relu(jnp.einsum('bld,od->blo', x, w_r2_w) + w_r2_b)
    # attention: concat each history item rep with the user rep
    uv_reps = jnp.broadcast_to(uv_rep[:, None, :], (o_history.shape[0], o_history.shape[1], uv_rep.shape[-1]))
    a = jnp.concatenate([o_history, uv_reps], axis=-1)
    a = jax.nn.relu(jnp.einsum('bld,od->blo', a, att1_w) + att1_b)
    # dropout is identity in eval mode
    a = jax.nn.relu(jnp.einsum('bld,od->blo', a, att2_w) + att2_b)
    a = jnp.einsum('bld,od->blo', a, att3_w) + att3_b  # [B, L, 1]
    att = jax.nn.softmax(a, axis=1)
    # weighted sum over history: [B, V]
    to_feats = jnp.sum(o_history * att, axis=1)
    return to_feats

if __name__ == "__main__":
    import jax
    _d = setup_inputs()
    print(jax.jit(kernel)(*tuple(_d.values())))

</pallas_src>

<mosaic_0001>
#map = affine_map<(d0, d1) -> (0, 0)>
module attributes {stable_mosaic.version = 14 : i64} {
  func.func @k(%arg0: i32, %arg1: i32, %arg2: memref<100000x64xf32, #tpu.memory_space<hbm>>, %arg3: memref<4096x200xi32, #tpu.memory_space<hbm>>, %arg4: memref<204800x64xf32, #tpu.memory_space<hbm>>, %arg5: memref<32x200xi32, #tpu.memory_space<vmem>>, %arg6: memref<800x64xf32, #tpu.memory_space<vmem>>, %arg7: memref<!tpu.dma_semaphore, #tpu.memory_space<semaphore_mem>>) attributes {dimension_semantics = [#tpu.dimension_semantics<core_parallel>, #tpu.dimension_semantics<subcore_parallel>], iteration_bounds = array<i64: 2, 16>, scalar_prefetch = 0 : i64, scratch_operands = 3 : i64, tpu.core_type = #tpu.core_type<sc_vector_subcore>, window_params = [{transform_indices = #map}, {transform_indices = #map}, {transform_indices = #map}]} {
    %mul3A = arith.constant 2 : i32
    %mul3A_0 = arith.muli %arg1, %mul3A : i32
    %add3A = arith.addi %mul3A_0, %arg0 : i32
    %mul3A_1 = arith.constant 6400 : i32
    %mul3A_2 = arith.muli %add3A, %mul3A_1 : i32
    %mul3A_3 = arith.constant 32 : i32
    %mul3A_4 = arith.muli %add3A, %mul3A_3 : i32
    %add3A_5 = arith.constant 1024 : i32
    %add3A_6 = arith.addi %add3A_5, %mul3A_4 : i32
    "tpu.region"() ({
      %run_scoped3A = tpu.sem_alloc : memref<!tpu.dma_semaphore, #tpu.memory_space<semaphore_mem>>
      %dma_start3A = arith.constant 0 : i32
      %dma_start3A_12 = tpu.memref_slice %arg3[%add3A_6, %dma_start3A] : memref<4096x200xi32, #tpu.memory_space<hbm>> -> memref<32x200xi32, #tpu.memory_space<hbm>>
      %dma_start3A_13 = arith.constant 0 : i32
      %dma_start3A_14 = tpu.memref_slice %arg3[%add3A_6, %dma_start3A_13] : memref<4096x200xi32, #tpu.memory_space<hbm>> -> memref<32x200xi32, #tpu.memory_space<hbm>>
      tpu.enqueue_dma source(%dma_start3A_14 : memref<32x200xi32, #tpu.memory_space<hbm>>) target(%arg5 : memref<32x200xi32, #tpu.memory_space<vmem>>) target_semaphore(%run_scoped3A : memref<!tpu.dma_semaphore, #tpu.memory_space<semaphore_mem>>)
      %dma_wait3A = arith.constant 0 : i32
      %dma_wait3A_15 = tpu.memref_slice %arg3[%add3A_6, %dma_wait3A] : memref<4096x200xi32, #tpu.memory_space<hbm>> -> memref<32x200xi32, #tpu.memory_space<hbm>>
      %dma_wait3A_16 = arith.constant 0 : i32
      %dma_wait3A_17 = tpu.memref_slice %arg3[%add3A_6, %dma_wait3A_16] : memref<4096x200xi32, #tpu.memory_space<hbm>> -> memref<32x200xi32, #tpu.memory_space<hbm>>
      tpu.wait_dma2 semaphore(%run_scoped3A : memref<!tpu.dma_semaphore, #tpu.memory_space<semaphore_mem>>) src(%dma_wait3A_17 : memref<32x200xi32, #tpu.memory_space<hbm>>) dst(%arg5 : memref<32x200xi32, #tpu.memory_space<vmem>>)
      tpu.yield
    }) : () -> ()
    %scan3A = arith.constant 0 : i32
    %scan3A_7 = arith.constant 0 : i32
    %scan3A_8 = arith.constant 8 : i32
    %scan3A_9 = arith.addi %scan3A_7, %scan3A_8 : i32
    %scan3A_10 = arith.constant 1 : i32
    scf.for %scan3A_12 = %scan3A_7 to %scan3A_9 step %scan3A_10  : i32 {
      %mul3A_13 = arith.constant 4 : i32
      %mul3A_14 = arith.muli %scan3A_12, %mul3A_13 : i32
      %add3A_15 = arith.constant 0 : i32
      %add3A_16 = arith.addi %mul3A_14, %add3A_15 : i32
      %dma_start3A = arith.constant 0 : i32
      %dma_start3A_17 = arith.constant 0 : i32
      %dma_start3A_18 = tpu.memref_slice %arg6[%dma_start3A, %dma_start3A_17] : memref<800x64xf32, #tpu.memory_space<vmem>> -> memref<104x64xf32, #tpu.memory_space<vmem>>
      %dma_start3A_19 = arith.constant 0 : i32
      %dma_start3A_20 = tpu.memref_slice %arg5[%add3A_16, %dma_start3A_19] : memref<32x200xi32, #tpu.memory_space<vmem>> -> memref<1x104xi32, #tpu.memory_space<vmem>>
      %dma_start3A_21 = tpu.memref_squeeze %dma_start3A_20 : memref<1x104xi32, #tpu.memory_space<vmem>> -> memref<104xi32, #tpu.memory_space<vmem>>
      %dma_start3A_22 = arith.constant 0 : i32
      %dma_start3A_23 = arith.constant 0 : i32
      %dma_start3A_24 = tpu.memref_slice %arg2[%dma_start3A_22, %dma_start3A_23] : memref<100000x64xf32, #tpu.memory_space<hbm>> -> memref<100000x64xf32, #tpu.memory_space<hbm>>
      tpu.enqueue_indirect_dma source(%dma_start3A_24 : memref<100000x64xf32, #tpu.memory_space<hbm>>) target(%dma_start3A_18 : memref<104x64xf32, #tpu.memory_space<vmem>>) offsets(%dma_start3A_21 : memref<104xi32, #tpu.memory_space<vmem>>) semaphore(%arg7 : memref<!tpu.dma_semaphore, #tpu.memory_space<semaphore_mem>>)
      %dma_start3A_25 = arith.constant 104 : i32
      %dma_start3A_26 = arith.constant 0 : i32
      %dma_start3A_27 = tpu.memref_slice %arg6[%dma_start3A_25, %dma_start3A_26] : memref<800x64xf32, #tpu.memory_space<vmem>> -> memref<96x64xf32, #tpu.memory_space<vmem>>
      %dma_start3A_28 = arith.constant 104 : i32
      %dma_start3A_29 = tpu.memref_slice %arg5[%add3A_16, %dma_start3A_28] : memref<32x200xi32, #tpu.memory_space<vmem>> -> memref<1x96xi32, #tpu.memory_space<vmem>>
      %dma_start3A_30 = tpu.memref_squeeze %dma_start3A_29 : memref<1x96xi32, #tpu.memory_space<vmem>> -> memref<96xi32, #tpu.memory_space<vmem>>
      %dma_start3A_31 = arith.constant 0 : i32
      %dma_start3A_32 = arith.constant 0 : i32
      %dma_start3A_33 = tpu.memref_slice %arg2[%dma_start3A_31, %dma_start3A_32] : memref<100000x64xf32, #tpu.memory_space<hbm>> -> memref<100000x64xf32, #tpu.memory_space<hbm>>
      tpu.enqueue_indirect_dma source(%dma_start3A_33 : memref<100000x64xf32, #tpu.memory_space<hbm>>) target(%dma_start3A_27 : memref<96x64xf32, #tpu.memory_space<vmem>>) offsets(%dma_start3A_30 : memref<96xi32, #tpu.memory_space<vmem>>) semaphore(%arg7 : memref<!tpu.dma_semaphore, #tpu.memory_space<semaphore_mem>>)
      %mul3A_34 = arith.constant 4 : i32
      %mul3A_35 = arith.muli %scan3A_12, %mul3A_34 : i32
      %add3A_36 = arith.constant 1 : i32
      %add3A_37 = arith.addi %mul3A_35, %add3A_36 : i32
      %dma_start3A_38 = arith.constant 200 : i32
      %dma_start3A_39 = arith.constant 0 : i32
      %dma_start3A_40 = tpu.memref_slice %arg6[%dma_start3A_38, %dma_start3A_39] : memref<800x64xf32, #tpu.memory_space<vmem>> -> memref<104x64xf32, #tpu.memory_space<vmem>>
      %dma_start3A_41 = arith.constant 0 : i32
      %dma_start3A_42 = tpu.memref_slice %arg5[%add3A_37, %dma_start3A_41] : memref<32x200xi32, #tpu.memory_space<vmem>> -> memref<1x104xi32, #tpu.memory_space<vmem>>
      %dma_start3A_43 = tpu.memref_squeeze %dma_start3A_42 : memref<1x104xi32, #tpu.memory_space<vmem>> -> memref<104xi32, #tpu.memory_space<vmem>>
      %dma_start3A_44 = arith.constant 0 : i32
      %dma_start3A_45 = arith.constant 0 : i32
      %dma_start3A_46 = tpu.memref_slice %arg2[%dma_start3A_44, %dma_start3A_45] : memref<100000x64xf32, #tpu.memory_space<hbm>> -> memref<100000x64xf32, #tpu.memory_space<hbm>>
      tpu.enqueue_indirect_dma source(%dma_start3A_46 : memref<100000x64xf32, #tpu.memory_space<hbm>>) target(%dma_start3A_40 : memref<104x64xf32, #tpu.memory_space<vmem>>) offsets(%dma_start3A_43 : memref<104xi32, #tpu.memory_space<vmem>>) semaphore(%arg7 : memref<!tpu.dma_semaphore, #tpu.memory_space<semaphore_mem>>)
      %dma_start3A_47 = arith.constant 304 : i32
      %dma_start3A_48 = arith.constant 0 : i32
      %dma_start3A_49 = tpu.memref_slice %arg6[%dma_start3A_47, %dma_start3A_48] : memref<800x64xf32, #tpu.memory_space<vmem>> -> memref<96x64xf32, #tpu.memory_space<vmem>>
      %dma_start3A_50 = arith.constant 104 : i32
      %dma_start3A_51 = tpu.memref_slice %arg5[%add3A_37, %dma_start3A_50] : memref<32x200xi32, #tpu.memory_space<vmem>> -> memref<1x96xi32, #tpu.memory_space<vmem>>
      %dma_start3A_52 = tpu.memref_squeeze %dma_start3A_51 : memref<1x96xi32, #tpu.memory_space<vmem>> -> memref<96xi32, #tpu.memory_space<vmem>>
      %dma_start3A_53 = arith.constant 0 : i32
      %dma_start3A_54 = arith.constant 0 : i32
      %dma_start3A_55 = tpu.memref_slice %arg2[%dma_start3A_53, %dma_start3A_54] : memref<100000x64xf32, #tpu.memory_space<hbm>> -> memref<100000x64xf32, #tpu.memory_space<hbm>>
      tpu.enqueue_indirect_dma source(%dma_start3A_55 : memref<100000x64xf32, #tpu.memory_space<hbm>>) target(%dma_start3A_49 : memref<96x64xf32, #tpu.memory_space<vmem>>) offsets(%dma_start3A_52 : memref<96xi32, #tpu.memory_space<vmem>>) semaphore(%arg7 : memref<!tpu.dma_semaphore, #tpu.memory_space<semaphore_mem>>)
      %mul3A_56 = arith.constant 4 : i32
      %mul3A_57 = arith.muli %scan3A_12, %mul3A_56 : i32
      %add3A_58 = arith.constant 2 : i32
      %add3A_59 = arith.addi %mul3A_57, %add3A_58 : i32
      %dma_start3A_60 = arith.constant 400 : i32
      %dma_start3A_61 = arith.constant 0 : i32
      %dma_start3A_62 = tpu.memref_slice %arg6[%dma_start3A_60, %dma_start3A_61] : memref<800x64xf32, #tpu.memory_space<vmem>> -> memref<104x64xf32, #tpu.memory_space<vmem>>
      %dma_start3A_63 = arith.constant 0 : i32
      %dma_start3A_64 = tpu.memref_slice %arg5[%add3A_59, %dma_start3A_63] : memref<32x200xi32, #tpu.memory_space<vmem>> -> memref<1x104xi32, #tpu.memory_space<vmem>>
      %dma_start3A_65 = tpu.memref_squeeze %dma_start3A_64 : memref<1x104xi32, #tpu.memory_space<vmem>> -> memref<104xi32, #tpu.memory_space<vmem>>
      %dma_start3A_66 = arith.constant 0 : i32
      %dma_start3A_67 = arith.constant 0 : i32
      %dma_start3A_68 = tpu.memref_slice %arg2[%dma_start3A_66, %dma_start3A_67] : memref<100000x64xf32, #tpu.memory_space<hbm>> -> memref<100000x64xf32, #tpu.memory_space<hbm>>
      tpu.enqueue_indirect_dma source(%dma_start3A_68 : memref<100000x64xf32, #tpu.memory_space<hbm>>) target(%dma_start3A_62 : memref<104x64xf32, #tpu.memory_space<vmem>>) offsets(%dma_start3A_65 : memref<104xi32, #tpu.memory_space<vmem>>) semaphore(%arg7 : memref<!tpu.dma_semaphore, #tpu.memory_space<semaphore_mem>>)
      %dma_start3A_69 = arith.constant 504 : i32
      %dma_start3A_70 = arith.constant 0 : i32
      %dma_start3A_71 = tpu.memref_slice %arg6[%dma_start3A_69, %dma_start3A_70] : memref<800x64xf32, #tpu.memory_space<vmem>> -> memref<96x64xf32, #tpu.memory_space<vmem>>
      %dma_start3A_72 = arith.constant 104 : i32
      %dma_start3A_73 = tpu.memref_slice %arg5[%add3A_59, %dma_start3A_72] : memref<32x200xi32, #tpu.memory_space<vmem>> -> memref<1x96xi32, #tpu.memory_space<vmem>>
      %dma_start3A_74 = tpu.memref_squeeze %dma_start3A_73 : memref<1x96xi32, #tpu.memory_space<vmem>> -> memref<96xi32, #tpu.memory_space<vmem>>
      %dma_start3A_75 = arith.constant 0 : i32
      %dma_start3A_76 = arith.constant 0 : i32
      %dma_start3A_77 = tpu.memref_slice %arg2[%dma_start3A_75, %dma_start3A_76] : memref<100000x64xf32, #tpu.memory_space<hbm>> -> memref<100000x64xf32, #tpu.memory_space<hbm>>
      tpu.enqueue_indirect_dma source(%dma_start3A_77 : memref<100000x64xf32, #tpu.memory_space<hbm>>) target(%dma_start3A_71 : memref<96x64xf32, #tpu.memory_space<vmem>>) offsets(%dma_start3A_74 : memref<96xi32, #tpu.memory_space<vmem>>) semaphore(%arg7 : memref<!tpu.dma_semaphore, #tpu.memory_space<semaphore_mem>>)
      %mul3A_78 = arith.constant 4 : i32
      %mul3A_79 = arith.muli %scan3A_12, %mul3A_78 : i32
      %add3A_80 = arith.constant 3 : i32
      %add3A_81 = arith.addi %mul3A_79, %add3A_80 : i32
      %dma_start3A_82 = arith.constant 600 : i32
      %dma_start3A_83 = arith.constant 0 : i32
      %dma_start3A_84 = tpu.memref_slice %arg6[%dma_start3A_82, %dma_start3A_83] : memref<800x64xf32, #tpu.memory_space<vmem>> -> memref<104x64xf32, #tpu.memory_space<vmem>>
      %dma_start3A_85 = arith.constant 0 : i32
      %dma_start3A_86 = tpu.memref_slice %arg5[%add3A_81, %dma_start3A_85] : memref<32x200xi32, #tpu.memory_space<vmem>> -> memref<1x104xi32, #tpu.memory_space<vmem>>
      %dma_start3A_87 = tpu.memref_squeeze %dma_start3A_86 : memref<1x104xi32, #tpu.memory_space<vmem>> -> memref<104xi32, #tpu.memory_space<vmem>>
      %dma_start3A_88 = arith.constant 0 : i32
      %dma_start3A_89 = arith.constant 0 : i32
      %dma_start3A_90 = tpu.memref_slice %arg2[%dma_start3A_88, %dma_start3A_89] : memref<100000x64xf32, #tpu.memory_space<hbm>> -> memref<100000x64xf32, #tpu.memory_space<hbm>>
      tpu.enqueue_indirect_dma source(%dma_start3A_90 : memref<100000x64xf32, #tpu.memory_space<hbm>>) target(%dma_start3A_84 : memref<104x64xf32, #tpu.memory_space<vmem>>) offsets(%dma_start3A_87 : memref<104xi32, #tpu.memory_space<vmem>>) semaphore(%arg7 : memref<!tpu.dma_semaphore, #tpu.memory_space<semaphore_mem>>)
      %dma_start3A_91 = arith.constant 704 : i32
      %dma_start3A_92 = arith.constant 0 : i32
      %dma_start3A_93 = tpu.memref_slice %arg6[%dma_start3A_91, %dma_start3A_92] : memref<800x64xf32, #tpu.memory_space<vmem>> -> memref<96x64xf32, #tpu.memory_space<vmem>>
      %dma_start3A_94 = arith.constant 104 : i32
      %dma_start3A_95 = tpu.memref_slice %arg5[%add3A_81, %dma_start3A_94] : memref<32x200xi32, #tpu.memory_space<vmem>> -> memref<1x96xi32, #tpu.memory_space<vmem>>
      %dma_start3A_96 = tpu.memref_squeeze %dma_start3A_95 : memref<1x96xi32, #tpu.memory_space<vmem>> -> memref<96xi32, #tpu.memory_space<vmem>>
      %dma_start3A_97 = arith.constant 0 : i32
      %dma_start3A_98 = arith.constant 0 : i32
      %dma_start3A_99 = tpu.memref_slice %arg2[%dma_start3A_97, %dma_start3A_98] : memref<100000x64xf32, #tpu.memory_space<hbm>> -> memref<100000x64xf32, #tpu.memory_space<hbm>>
      tpu.enqueue_indirect_dma source(%dma_start3A_99 : memref<100000x64xf32, #tpu.memory_space<hbm>>) target(%dma_start3A_93 : memref<96x64xf32, #tpu.memory_space<vmem>>) offsets(%dma_start3A_96 : memref<96xi32, #tpu.memory_space<vmem>>) semaphore(%arg7 : memref<!tpu.dma_semaphore, #tpu.memory_space<semaphore_mem>>)
      %dma_wait3A = arith.constant 0 : i32
      %dma_wait3A_100 = arith.constant 0 : i32
      %dma_wait3A_101 = tpu.memref_slice %arg6[%dma_wait3A, %dma_wait3A_100] : memref<800x64xf32, #tpu.memory_space<vmem>> -> memref<104x64xf32, #tpu.memory_space<vmem>>
      %dma_wait3A_102 = arith.constant 0 : i32
      %dma_wait3A_103 = tpu.memref_slice %arg5[%add3A_16, %dma_wait3A_102] : memref<32x200xi32, #tpu.memory_space<vmem>> -> memref<1x104xi32, #tpu.memory_space<vmem>>
      %dma_wait3A_104 = tpu.memref_squeeze %dma_wait3A_103 : memref<1x104xi32, #tpu.memory_space<vmem>> -> memref<104xi32, #tpu.memory_space<vmem>>
      %dma_wait3A_105 = arith.constant 0 : i32
      %dma_wait3A_106 = arith.constant 0 : i32
      %dma_wait3A_107 = tpu.memref_slice %arg2[%dma_wait3A_105, %dma_wait3A_106] : memref<100000x64xf32, #tpu.memory_space<hbm>> -> memref<100000x64xf32, #tpu.memory_space<hbm>>
      tpu.wait_indirect_dma semaphore(%arg7 : memref<!tpu.dma_semaphore, #tpu.memory_space<semaphore_mem>>) src(%dma_wait3A_107 : memref<100000x64xf32, #tpu.memory_space<hbm>>) dst(%dma_wait3A_101 : memref<104x64xf32, #tpu.memory_space<vmem>>)
      %dma_wait3A_108 = arith.constant 104 : i32
      %dma_wait3A_109 = arith.constant 0 : i32
      %dma_wait3A_110 = tpu.memref_slice %arg6[%dma_wait3A_108, %dma_wait3A_109] : memref<800x64xf32, #tpu.memory_space<vmem>> -> memref<96x64xf32, #tpu.memory_space<vmem>>
      %dma_wait3A_111 = arith.constant 104 : i32
      %dma_wait3A_112 = tpu.memref_slice %arg5[%add3A_16, %dma_wait3A_111] : memref<32x200xi32, #tpu.memory_space<vmem>> -> memref<1x96xi32, #tpu.memory_space<vmem>>
      %dma_wait3A_113 = tpu.memref_squeeze %dma_wait3A_112 : memref<1x96xi32, #tpu.memory_space<vmem>> -> memref<96xi32, #tpu.memory_space<vmem>>
      %dma_wait3A_114 = arith.constant 0 : i32
      %dma_wait3A_115 = arith.constant 0 : i32
      %dma_wait3A_116 = tpu.memref_slice %arg2[%dma_wait3A_114, %dma_wait3A_115] : memref<100000x64xf32, #tpu.memory_space<hbm>> -> memref<100000x64xf32, #tpu.memory_space<hbm>>
      tpu.wait_indirect_dma semaphore(%arg7 : memref<!tpu.dma_semaphore, #tpu.memory_space<semaphore_mem>>) src(%dma_wait3A_116 : memref<100000x64xf32, #tpu.memory_space<hbm>>) dst(%dma_wait3A_110 : memref<96x64xf32, #tpu.memory_space<vmem>>)
      %dma_wait3A_117 = arith.constant 200 : i32
      %dma_wait3A_118 = arith.constant 0 : i32
      %dma_wait3A_119 = tpu.memref_slice %arg6[%dma_wait3A_117, %dma_wait3A_118] : memref<800x64xf32, #tpu.memory_space<vmem>> -> memref<104x64xf32, #tpu.memory_space<vmem>>
      %dma_wait3A_120 = arith.constant 0 : i32
      %dma_wait3A_121 = tpu.memref_slice %arg5[%add3A_37, %dma_wait3A_120] : memref<32x200xi32, #tpu.memory_space<vmem>> -> memref<1x104xi32, #tpu.memory_space<vmem>>
      %dma_wait3A_122 = tpu.memref_squeeze %dma_wait3A_121 : memref<1x104xi32, #tpu.memory_space<vmem>> -> memref<104xi32, #tpu.memory_space<vmem>>
      %dma_wait3A_123 = arith.constant 0 : i32
      %dma_wait3A_124 = arith.constant 0 : i32
      %dma_wait3A_125 = tpu.memref_slice %arg2[%dma_wait3A_123, %dma_wait3A_124] : memref<100000x64xf32, #tpu.memory_space<hbm>> -> memref<100000x64xf32, #tpu.memory_space<hbm>>
      tpu.wait_indirect_dma semaphore(%arg7 : memref<!tpu.dma_semaphore, #tpu.memory_space<semaphore_mem>>) src(%dma_wait3A_125 : memref<100000x64xf32, #tpu.memory_space<hbm>>) dst(%dma_wait3A_119 : memref<104x64xf32, #tpu.memory_space<vmem>>)
      %dma_wait3A_126 = arith.constant 304 : i32
      %dma_wait3A_127 = arith.constant 0 : i32
      %dma_wait3A_128 = tpu.memref_slice %arg6[%dma_wait3A_126, %dma_wait3A_127] : memref<800x64xf32, #tpu.memory_space<vmem>> -> memref<96x64xf32, #tpu.memory_space<vmem>>
      %dma_wait3A_129 = arith.constant 104 : i32
      %dma_wait3A_130 = tpu.memref_slice %arg5[%add3A_37, %dma_wait3A_129] : memref<32x200xi32, #tpu.memory_space<vmem>> -> memref<1x96xi32, #tpu.memory_space<vmem>>
      %dma_wait3A_131 = tpu.memref_squeeze %dma_wait3A_130 : memref<1x96xi32, #tpu.memory_space<vmem>> -> memref<96xi32, #tpu.memory_space<vmem>>
      %dma_wait3A_132 = arith.constant 0 : i32
      %dma_wait3A_133 = arith.constant 0 : i32
      %dma_wait3A_134 = tpu.memref_slice %arg2[%dma_wait3A_132, %dma_wait3A_133] : memref<100000x64xf32, #tpu.memory_space<hbm>> -> memref<100000x64xf32, #tpu.memory_space<hbm>>
      tpu.wait_indirect_dma semaphore(%arg7 : memref<!tpu.dma_semaphore, #tpu.memory_space<semaphore_mem>>) src(%dma_wait3A_134 : memref<100000x64xf32, #tpu.memory_space<hbm>>) dst(%dma_wait3A_128 : memref<96x64xf32, #tpu.memory_space<vmem>>)
      %dma_wait3A_135 = arith.constant 400 : i32
      %dma_wait3A_136 = arith.constant 0 : i32
      %dma_wait3A_137 = tpu.memref_slice %arg6[%dma_wait3A_135, %dma_wait3A_136] : memref<800x64xf32, #tpu.memory_space<vmem>> -> memref<104x64xf32, #tpu.memory_space<vmem>>
      %dma_wait3A_138 = arith.constant 0 : i32
      %dma_wait3A_139 = tpu.memref_slice %arg5[%add3A_59, %dma_wait3A_138] : memref<32x200xi32, #tpu.memory_space<vmem>> -> memref<1x104xi32, #tpu.memory_space<vmem>>
      %dma_wait3A_140 = tpu.memref_squeeze %dma_wait3A_139 : memref<1x104xi32, #tpu.memory_space<vmem>> -> memref<104xi32, #tpu.memory_space<vmem>>
      %dma_wait3A_141 = arith.constant 0 : i32
      %dma_wait3A_142 = arith.constant 0 : i32
      %dma_wait3A_143 = tpu.memref_slice %arg2[%dma_wait3A_141, %dma_wait3A_142] : memref<100000x64xf32, #tpu.memory_space<hbm>> -> memref<100000x64xf32, #tpu.memory_space<hbm>>
      tpu.wait_indirect_dma semaphore(%arg7 : memref<!tpu.dma_semaphore, #tpu.memory_space<semaphore_mem>>) src(%dma_wait3A_143 : memref<100000x64xf32, #tpu.memory_space<hbm>>) dst(%dma_wait3A_137 : memref<104x64xf32, #tpu.memory_space<vmem>>)
      %dma_wait3A_144 = arith.constant 504 : i32
      %dma_wait3A_145 = arith.constant 0 : i32
      %dma_wait3A_146 = tpu.memref_slice %arg6[%dma_wait3A_144, %dma_wait3A_145] : memref<800x64xf32, #tpu.memory_space<vmem>> -> memref<96x64xf32, #tpu.memory_space<vmem>>
      %dma_wait3A_147 = arith.constant 104 : i32
      %dma_wait3A_148 = tpu.memref_slice %arg5[%add3A_59, %dma_wait3A_147] : memref<32x200xi32, #tpu.memory_space<vmem>> -> memref<1x96xi32, #tpu.memory_space<vmem>>
      %dma_wait3A_149 = tpu.memref_squeeze %dma_wait3A_148 : memref<1x96xi32, #tpu.memory_space<vmem>> -> memref<96xi32, #tpu.memory_space<vmem>>
      %dma_wait3A_150 = arith.constant 0 : i32
      %dma_wait3A_151 = arith.constant 0 : i32
      %dma_wait3A_152 = tpu.memref_slice %arg2[%dma_wait3A_150, %dma_wait3A_151] : memref<100000x64xf32, #tpu.memory_space<hbm>> -> memref<100000x64xf32, #tpu.memory_space<hbm>>
      tpu.wait_indirect_dma semaphore(%arg7 : memref<!tpu.dma_semaphore, #tpu.memory_space<semaphore_mem>>) src(%dma_wait3A_152 : memref<100000x64xf32, #tpu.memory_space<hbm>>) dst(%dma_wait3A_146 : memref<96x64xf32, #tpu.memory_space<vmem>>)
      %dma_wait3A_153 = arith.constant 600 : i32
      %dma_wait3A_154 = arith.constant 0 : i32
      %dma_wait3A_155 = tpu.memref_slice %arg6[%dma_wait3A_153, %dma_wait3A_154] : memref<800x64xf32, #tpu.memory_space<vmem>> -> memref<104x64xf32, #tpu.memory_space<vmem>>
      %dma_wait3A_156 = arith.constant 0 : i32
      %dma_wait3A_157 = tpu.memref_slice %arg5[%add3A_81, %dma_wait3A_156] : memref<32x200xi32, #tpu.memory_space<vmem>> -> memref<1x104xi32, #tpu.memory_space<vmem>>
      %dma_wait3A_158 = tpu.memref_squeeze %dma_wait3A_157 : memref<1x104xi32, #tpu.memory_space<vmem>> -> memref<104xi32, #tpu.memory_space<vmem>>
      %dma_wait3A_159 = arith.constant 0 : i32
      %dma_wait3A_160 = arith.constant 0 : i32
      %dma_wait3A_161 = tpu.memref_slice %arg2[%dma_wait3A_159, %dma_wait3A_160] : memref<100000x64xf32, #tpu.memory_space<hbm>> -> memref<100000x64xf32, #tpu.memory_space<hbm>>
      tpu.wait_indirect_dma semaphore(%arg7 : memref<!tpu.dma_semaphore, #tpu.memory_space<semaphore_mem>>) src(%dma_wait3A_161 : memref<100000x64xf32, #tpu.memory_space<hbm>>) dst(%dma_wait3A_155 : memref<104x64xf32, #tpu.memory_space<vmem>>)
      %dma_wait3A_162 = arith.constant 704 : i32
      %dma_wait3A_163 = arith.constant 0 : i32
      %dma_wait3A_164 = tpu.memref_slice %arg6[%dma_wait3A_162, %dma_wait3A_163] : memref<800x64xf32, #tpu.memory_space<vmem>> -> memref<96x64xf32, #tpu.memory_space<vmem>>
      %dma_wait3A_165 = arith.constant 104 : i32
      %dma_wait3A_166 = tpu.memref_slice %arg5[%add3A_81, %dma_wait3A_165] : memref<32x200xi32, #tpu.memory_space<vmem>> -> memref<1x96xi32, #tpu.memory_space<vmem>>
      %dma_wait3A_167 = tpu.memref_squeeze %dma_wait3A_166 : memref<1x96xi32, #tpu.memory_space<vmem>> -> memref<96xi32, #tpu.memory_space<vmem>>
      %dma_wait3A_168 = arith.constant 0 : i32
      %dma_wait3A_169 = arith.constant 0 : i32
      %dma_wait3A_170 = tpu.memref_slice %arg2[%dma_wait3A_168, %dma_wait3A_169] : memref<100000x64xf32, #tpu.memory_space<hbm>> -> memref<100000x64xf32, #tpu.memory_space<hbm>>
      tpu.wait_indirect_dma semaphore(%arg7 : memref<!tpu.dma_semaphore, #tpu.memory_space<semaphore_mem>>) src(%dma_wait3A_170 : memref<100000x64xf32, #tpu.memory_space<hbm>>) dst(%dma_wait3A_164 : memref<96x64xf32, #tpu.memory_space<vmem>>)
      %mul3A_171 = arith.constant 800 : i32
      %mul3A_172 = arith.muli %scan3A_12, %mul3A_171 : i32
      %add3A_173 = arith.addi %mul3A_2, %mul3A_172 : i32
      "tpu.region"() ({
        %run_scoped3A = tpu.sem_alloc : memref<!tpu.dma_semaphore, #tpu.memory_space<semaphore_mem>>
        %dma_start3A_174 = arith.constant 0 : i32
        %dma_start3A_175 = tpu.memref_slice %arg4[%add3A_173, %dma_start3A_174] : memref<204800x64xf32, #tpu.memory_space<hbm>> -> memref<800x64xf32, #tpu.memory_space<hbm>>
        %dma_start3A_176 = arith.constant 0 : i32
        %dma_start3A_177 = tpu.memref_slice %arg4[%add3A_173, %dma_start3A_176] : memref<204800x64xf32, #tpu.memory_space<hbm>> -> memref<800x64xf32, #tpu.memory_space<hbm>>
        tpu.enqueue_dma source(%arg6 : memref<800x64xf32, #tpu.memory_space<vmem>>) target(%dma_start3A_177 : memref<800x64xf32, #tpu.memory_space<hbm>>) target_semaphore(%run_scoped3A : memref<!tpu.dma_semaphore, #tpu.memory_space<semaphore_mem>>)
        %dma_wait3A_178 = arith.constant 0 : i32
        %dma_wait3A_179 = tpu.memref_slice %arg4[%add3A_173, %dma_wait3A_178] : memref<204800x64xf32, #tpu.memory_space<hbm>> -> memref<800x64xf32, #tpu.memory_space<hbm>>
        %dma_wait3A_180 = arith.constant 0 : i32
        %dma_wait3A_181 = tpu.memref_slice %arg4[%add3A_173, %dma_wait3A_180] : memref<204800x64xf32, #tpu.memory_space<hbm>> -> memref<800x64xf32, #tpu.memory_space<hbm>>
        tpu.wait_dma2 semaphore(%run_scoped3A : memref<!tpu.dma_semaphore, #tpu.memory_space<semaphore_mem>>) src(%arg6 : memref<800x64xf32, #tpu.memory_space<vmem>>) dst(%dma_wait3A_181 : memref<800x64xf32, #tpu.memory_space<hbm>>)
        tpu.yield
      }) : () -> ()
    }
    %scan3A_11 = arith.constant 8 : i32
    return
  }
}

#map = affine_map<(d0, d1) -> (0, 0)>
#map1 = affine_map<(d0, d1) -> (0)>
module attributes {stable_mosaic.version = 14 : i64} {
  func.func @k(%arg0: i32, %arg1: i32, %arg2: memref<100000x64xf32, #tpu.memory_space<hbm>>, %arg3: memref<100000x64xf32, #tpu.memory_space<hbm>>, %arg4: memref<4096x200xi32, #tpu.memory_space<hbm>>, %arg5: memref<4096xi32, #tpu.memory_space<hbm>>, %arg6: memref<204800x64xf32, #tpu.memory_space<hbm>>, %arg7: memref<4096x64xf32, #tpu.memory_space<hbm>>, %arg8: memref<32x200xi32, #tpu.memory_space<vmem>>, %arg9: memref<800x64xf32, #tpu.memory_space<vmem>>, %arg10: memref<!tpu.dma_semaphore, #tpu.memory_space<semaphore_mem>>, %arg11: memref<128xi32, #tpu.memory_space<vmem>>, %arg12: memref<128x64xf32, #tpu.memory_space<vmem>>) attributes {dimension_semantics = [#tpu.dimension_semantics<core_parallel>, #tpu.dimension_semantics<subcore_parallel>], iteration_bounds = array<i64: 2, 16>, scalar_prefetch = 0 : i64, scratch_operands = 5 : i64, tpu.core_type = #tpu.core_type<sc_vector_subcore>, window_params = [{transform_indices = #map}, {transform_indices = #map}, {transform_indices = #map}, {transform_indices = #map1}, {transform_indices = #map}, {transform_indices = #map}]} {
    %mul3A = arith.constant 2 : i32
    %mul3A_0 = arith.muli %arg1, %mul3A : i32
    %add3A = arith.addi %mul3A_0, %arg0 : i32
    %mul3A_1 = arith.constant 6400 : i32
    %mul3A_2 = arith.muli %add3A, %mul3A_1 : i32
    %mul3A_3 = arith.constant 32 : i32
    %mul3A_4 = arith.muli %add3A, %mul3A_3 : i32
    %add3A_5 = arith.constant 0 : i32
    %add3A_6 = arith.addi %add3A_5, %mul3A_4 : i32
    "tpu.region"() ({
      %run_scoped3A = tpu.sem_alloc : memref<!tpu.dma_semaphore, #tpu.memory_space<semaphore_mem>>
      %dma_start3A_20 = arith.constant 0 : i32
      %dma_start3A_21 = tpu.memref_slice %arg4[%add3A_6, %dma_start3A_20] : memref<4096x200xi32, #tpu.memory_space<hbm>> -> memref<32x200xi32, #tpu.memory_space<hbm>>
      %dma_start3A_22 = arith.constant 0 : i32
      %dma_start3A_23 = tpu.memref_slice %arg4[%add3A_6, %dma_start3A_22] : memref<4096x200xi32, #tpu.memory_space<hbm>> -> memref<32x200xi32, #tpu.memory_space<hbm>>
      tpu.enqueue_dma source(%dma_start3A_23 : memref<32x200xi32, #tpu.memory_space<hbm>>) target(%arg8 : memref<32x200xi32, #tpu.memory_space<vmem>>) target_semaphore(%run_scoped3A : memref<!tpu.dma_semaphore, #tpu.memory_space<semaphore_mem>>)
      %dma_wait3A_24 = arith.constant 0 : i32
      %dma_wait3A_25 = tpu.memref_slice %arg4[%add3A_6, %dma_wait3A_24] : memref<4096x200xi32, #tpu.memory_space<hbm>> -> memref<32x200xi32, #tpu.memory_space<hbm>>
      %dma_wait3A_26 = arith.constant 0 : i32
      %dma_wait3A_27 = tpu.memref_slice %arg4[%add3A_6, %dma_wait3A_26] : memref<4096x200xi32, #tpu.memory_space<hbm>> -> memref<32x200xi32, #tpu.memory_space<hbm>>
      tpu.wait_dma2 semaphore(%run_scoped3A : memref<!tpu.dma_semaphore, #tpu.memory_space<semaphore_mem>>) src(%dma_wait3A_27 : memref<32x200xi32, #tpu.memory_space<hbm>>) dst(%arg8 : memref<32x200xi32, #tpu.memory_space<vmem>>)
      tpu.yield
    }) : () -> ()
    %scan3A = arith.constant 0 : i32
    %scan3A_7 = arith.constant 0 : i32
    %scan3A_8 = arith.constant 8 : i32
    %scan3A_9 = arith.addi %scan3A_7, %scan3A_8 : i32
    %scan3A_10 = arith.constant 1 : i32
    scf.for %scan3A_20 = %scan3A_7 to %scan3A_9 step %scan3A_10  : i32 {
      %mul3A_21 = arith.constant 4 : i32
      %mul3A_22 = arith.muli %scan3A_20, %mul3A_21 : i32
      %add3A_23 = arith.constant 0 : i32
      %add3A_24 = arith.addi %mul3A_22, %add3A_23 : i32
      %dma_start3A_25 = arith.constant 0 : i32
      %dma_start3A_26 = arith.constant 0 : i32
      %dma_start3A_27 = tpu.memref_slice %arg9[%dma_start3A_25, %dma_start3A_26] : memref<800x64xf32, #tpu.memory_space<vmem>> -> memref<104x64xf32, #tpu.memory_space<vmem>>
      %dma_start3A_28 = arith.constant 0 : i32
      %dma_start3A_29 = tpu.memref_slice %arg8[%add3A_24, %dma_start3A_28] : memref<32x200xi32, #tpu.memory_space<vmem>> -> memref<1x104xi32, #tpu.memory_space<vmem>>
      %dma_start3A_30 = tpu.memref_squeeze %dma_start3A_29 : memref<1x104xi32, #tpu.memory_space<vmem>> -> memref<104xi32, #tpu.memory_space<vmem>>
      %dma_start3A_31 = arith.constant 0 : i32
      %dma_start3A_32 = arith.constant 0 : i32
      %dma_start3A_33 = tpu.memref_slice %arg2[%dma_start3A_31, %dma_start3A_32] : memref<100000x64xf32, #tpu.memory_space<hbm>> -> memref<100000x64xf32, #tpu.memory_space<hbm>>
      tpu.enqueue_indirect_dma source(%dma_start3A_33 : memref<100000x64xf32, #tpu.memory_space<hbm>>) target(%dma_start3A_27 : memref<104x64xf32, #tpu.memory_space<vmem>>) offsets(%dma_start3A_30 : memref<104xi32, #tpu.memory_space<vmem>>) semaphore(%arg10 : memref<!tpu.dma_semaphore, #tpu.memory_space<semaphore_mem>>)
      %dma_start3A_34 = arith.constant 104 : i32
      %dma_start3A_35 = arith.constant 0 : i32
      %dma_start3A_36 = tpu.memref_slice %arg9[%dma_start3A_34, %dma_start3A_35] : memref<800x64xf32, #tpu.memory_space<vmem>> -> memref<96x64xf32, #tpu.memory_space<vmem>>
      %dma_start3A_37 = arith.constant 104 : i32
      %dma_start3A_38 = tpu.memref_slice %arg8[%add3A_24, %dma_start3A_37] : memref<32x200xi32, #tpu.memory_space<vmem>> -> memref<1x96xi32, #tpu.memory_space<vmem>>
      %dma_start3A_39 = tpu.memref_squeeze %dma_start3A_38 : memref<1x96xi32, #tpu.memory_space<vmem>> -> memref<96xi32, #tpu.memory_space<vmem>>
      %dma_start3A_40 = arith.constant 0 : i32
      %dma_start3A_41 = arith.constant 0 : i32
      %dma_start3A_42 = tpu.memref_slice %arg2[%dma_start3A_40, %dma_start3A_41] : memref<100000x64xf32, #tpu.memory_space<hbm>> -> memref<100000x64xf32, #tpu.memory_space<hbm>>
      tpu.enqueue_indirect_dma source(%dma_start3A_42 : memref<100000x64xf32, #tpu.memory_space<hbm>>) target(%dma_start3A_36 : memref<96x64xf32, #tpu.memory_space<vmem>>) offsets(%dma_start3A_39 : memref<96xi32, #tpu.memory_space<vmem>>) semaphore(%arg10 : memref<!tpu.dma_semaphore, #tpu.memory_space<semaphore_mem>>)
      %mul3A_43 = arith.constant 4 : i32
      %mul3A_44 = arith.muli %scan3A_20, %mul3A_43 : i32
      %add3A_45 = arith.constant 1 : i32
      %add3A_46 = arith.addi %mul3A_44, %add3A_45 : i32
      %dma_start3A_47 = arith.constant 200 : i32
      %dma_start3A_48 = arith.constant 0 : i32
      %dma_start3A_49 = tpu.memref_slice %arg9[%dma_start3A_47, %dma_start3A_48] : memref<800x64xf32, #tpu.memory_space<vmem>> -> memref<104x64xf32, #tpu.memory_space<vmem>>
      %dma_start3A_50 = arith.constant 0 : i32
      %dma_start3A_51 = tpu.memref_slice %arg8[%add3A_46, %dma_start3A_50] : memref<32x200xi32, #tpu.memory_space<vmem>> -> memref<1x104xi32, #tpu.memory_space<vmem>>
      %dma_start3A_52 = tpu.memref_squeeze %dma_start3A_51 : memref<1x104xi32, #tpu.memory_space<vmem>> -> memref<104xi32, #tpu.memory_space<vmem>>
      %dma_start3A_53 = arith.constant 0 : i32
      %dma_start3A_54 = arith.constant 0 : i32
      %dma_start3A_55 = tpu.memref_slice %arg2[%dma_start3A_53, %dma_start3A_54] : memref<100000x64xf32, #tpu.memory_space<hbm>> -> memref<100000x64xf32, #tpu.memory_space<hbm>>
      tpu.enqueue_indirect_dma source(%dma_start3A_55 : memref<100000x64xf32, #tpu.memory_space<hbm>>) target(%dma_start3A_49 : memref<104x64xf32, #tpu.memory_space<vmem>>) offsets(%dma_start3A_52 : memref<104xi32, #tpu.memory_space<vmem>>) semaphore(%arg10 : memref<!tpu.dma_semaphore, #tpu.memory_space<semaphore_mem>>)
      %dma_start3A_56 = arith.constant 304 : i32
      %dma_start3A_57 = arith.constant 0 : i32
      %dma_start3A_58 = tpu.memref_slice %arg9[%dma_start3A_56, %dma_start3A_57] : memref<800x64xf32, #tpu.memory_space<vmem>> -> memref<96x64xf32, #tpu.memory_space<vmem>>
      %dma_start3A_59 = arith.constant 104 : i32
      %dma_start3A_60 = tpu.memref_slice %arg8[%add3A_46, %dma_start3A_59] : memref<32x200xi32, #tpu.memory_space<vmem>> -> memref<1x96xi32, #tpu.memory_space<vmem>>
      %dma_start3A_61 = tpu.memref_squeeze %dma_start3A_60 : memref<1x96xi32, #tpu.memory_space<vmem>> -> memref<96xi32, #tpu.memory_space<vmem>>
      %dma_start3A_62 = arith.constant 0 : i32
      %dma_start3A_63 = arith.constant 0 : i32
      %dma_start3A_64 = tpu.memref_slice %arg2[%dma_start3A_62, %dma_start3A_63] : memref<100000x64xf32, #tpu.memory_space<hbm>> -> memref<100000x64xf32, #tpu.memory_space<hbm>>
      tpu.enqueue_indirect_dma source(%dma_start3A_64 : memref<100000x64xf32, #tpu.memory_space<hbm>>) target(%dma_start3A_58 : memref<96x64xf32, #tpu.memory_space<vmem>>) offsets(%dma_start3A_61 : memref<96xi32, #tpu.memory_space<vmem>>) semaphore(%arg10 : memref<!tpu.dma_semaphore, #tpu.memory_space<semaphore_mem>>)
      %mul3A_65 = arith.constant 4 : i32
      %mul3A_66 = arith.muli %scan3A_20, %mul3A_65 : i32
      %add3A_67 = arith.constant 2 : i32
      %add3A_68 = arith.addi %mul3A_66, %add3A_67 : i32
      %dma_start3A_69 = arith.constant 400 : i32
      %dma_start3A_70 = arith.constant 0 : i32
      %dma_start3A_71 = tpu.memref_slice %arg9[%dma_start3A_69, %dma_start3A_70] : memref<800x64xf32, #tpu.memory_space<vmem>> -> memref<104x64xf32, #tpu.memory_space<vmem>>
      %dma_start3A_72 = arith.constant 0 : i32
      %dma_start3A_73 = tpu.memref_slice %arg8[%add3A_68, %dma_start3A_72] : memref<32x200xi32, #tpu.memory_space<vmem>> -> memref<1x104xi32, #tpu.memory_space<vmem>>
      %dma_start3A_74 = tpu.memref_squeeze %dma_start3A_73 : memref<1x104xi32, #tpu.memory_space<vmem>> -> memref<104xi32, #tpu.memory_space<vmem>>
      %dma_start3A_75 = arith.constant 0 : i32
      %dma_start3A_76 = arith.constant 0 : i32
      %dma_start3A_77 = tpu.memref_slice %arg2[%dma_start3A_75, %dma_start3A_76] : memref<100000x64xf32, #tpu.memory_space<hbm>> -> memref<100000x64xf32, #tpu.memory_space<hbm>>
      tpu.enqueue_indirect_dma source(%dma_start3A_77 : memref<100000x64xf32, #tpu.memory_space<hbm>>) target(%dma_start3A_71 : memref<104x64xf32, #tpu.memory_space<vmem>>) offsets(%dma_start3A_74 : memref<104xi32, #tpu.memory_space<vmem>>) semaphore(%arg10 : memref<!tpu.dma_semaphore, #tpu.memory_space<semaphore_mem>>)
      %dma_start3A_78 = arith.constant 504 : i32
      %dma_start3A_79 = arith.constant 0 : i32
      %dma_start3A_80 = tpu.memref_slice %arg9[%dma_start3A_78, %dma_start3A_79] : memref<800x64xf32, #tpu.memory_space<vmem>> -> memref<96x64xf32, #tpu.memory_space<vmem>>
      %dma_start3A_81 = arith.constant 104 : i32
      %dma_start3A_82 = tpu.memref_slice %arg8[%add3A_68, %dma_start3A_81] : memref<32x200xi32, #tpu.memory_space<vmem>> -> memref<1x96xi32, #tpu.memory_space<vmem>>
      %dma_start3A_83 = tpu.memref_squeeze %dma_start3A_82 : memref<1x96xi32, #tpu.memory_space<vmem>> -> memref<96xi32, #tpu.memory_space<vmem>>
      %dma_start3A_84 = arith.constant 0 : i32
      %dma_start3A_85 = arith.constant 0 : i32
      %dma_start3A_86 = tpu.memref_slice %arg2[%dma_start3A_84, %dma_start3A_85] : memref<100000x64xf32, #tpu.memory_space<hbm>> -> memref<100000x64xf32, #tpu.memory_space<hbm>>
      tpu.enqueue_indirect_dma source(%dma_start3A_86 : memref<100000x64xf32, #tpu.memory_space<hbm>>) target(%dma_start3A_80 : memref<96x64xf32, #tpu.memory_space<vmem>>) offsets(%dma_start3A_83 : memref<96xi32, #tpu.memory_space<vmem>>) semaphore(%arg10 : memref<!tpu.dma_semaphore, #tpu.memory_space<semaphore_mem>>)
      %mul3A_87 = arith.constant 4 : i32
      %mul3A_88 = arith.muli %scan3A_20, %mul3A_87 : i32
      %add3A_89 = arith.constant 3 : i32
      %add3A_90 = arith.addi %mul3A_88, %add3A_89 : i32
      %dma_start3A_91 = arith.constant 600 : i32
      %dma_start3A_92 = arith.constant 0 : i32
      %dma_start3A_93 = tpu.memref_slice %arg9[%dma_start3A_91, %dma_start3A_92] : memref<800x64xf32, #tpu.memory_space<vmem>> -> memref<104x64xf32, #tpu.memory_space<vmem>>
      %dma_start3A_94 = arith.constant 0 : i32
      %dma_start3A_95 = tpu.memref_slice %arg8[%add3A_90, %dma_start3A_94] : memref<32x200xi32, #tpu.memory_space<vmem>> -> memref<1x104xi32, #tpu.memory_space<vmem>>
      %dma_start3A_96 = tpu.memref_squeeze %dma_start3A_95 : memref<1x104xi32, #tpu.memory_space<vmem>> -> memref<104xi32, #tpu.memory_space<vmem>>
      %dma_start3A_97 = arith.constant 0 : i32
      %dma_start3A_98 = arith.constant 0 : i32
      %dma_start3A_99 = tpu.memref_slice %arg2[%dma_start3A_97, %dma_start3A_98] : memref<100000x64xf32, #tpu.memory_space<hbm>> -> memref<100000x64xf32, #tpu.memory_space<hbm>>
      tpu.enqueue_indirect_dma source(%dma_start3A_99 : memref<100000x64xf32, #tpu.memory_space<hbm>>) target(%dma_start3A_93 : memref<104x64xf32, #tpu.memory_space<vmem>>) offsets(%dma_start3A_96 : memref<104xi32, #tpu.memory_space<vmem>>) semaphore(%arg10 : memref<!tpu.dma_semaphore, #tpu.memory_space<semaphore_mem>>)
      %dma_start3A_100 = arith.constant 704 : i32
      %dma_start3A_101 = arith.constant 0 : i32
      %dma_start3A_102 = tpu.memref_slice %arg9[%dma_start3A_100, %dma_start3A_101] : memref<800x64xf32, #tpu.memory_space<vmem>> -> memref<96x64xf32, #tpu.memory_space<vmem>>
      %dma_start3A_103 = arith.constant 104 : i32
      %dma_start3A_104 = tpu.memref_slice %arg8[%add3A_90, %dma_start3A_103] : memref<32x200xi32, #tpu.memory_space<vmem>> -> memref<1x96xi32, #tpu.memory_space<vmem>>
      %dma_start3A_105 = tpu.memref_squeeze %dma_start3A_104 : memref<1x96xi32, #tpu.memory_space<vmem>> -> memref<96xi32, #tpu.memory_space<vmem>>
      %dma_start3A_106 = arith.constant 0 : i32
      %dma_start3A_107 = arith.constant 0 : i32
      %dma_start3A_108 = tpu.memref_slice %arg2[%dma_start3A_106, %dma_start3A_107] : memref<100000x64xf32, #tpu.memory_space<hbm>> -> memref<100000x64xf32, #tpu.memory_space<hbm>>
      tpu.enqueue_indirect_dma source(%dma_start3A_108 : memref<100000x64xf32, #tpu.memory_space<hbm>>) target(%dma_start3A_102 : memref<96x64xf32, #tpu.memory_space<vmem>>) offsets(%dma_start3A_105 : memref<96xi32, #tpu.memory_space<vmem>>) semaphore(%arg10 : memref<!tpu.dma_semaphore, #tpu.memory_space<semaphore_mem>>)
      %dma_wait3A_109 = arith.constant 0 : i32
      %dma_wait3A_110 = arith.constant 0 : i32
      %dma_wait3A_111 = tpu.memref_slice %arg9[%dma_wait3A_109, %dma_wait3A_110] : memref<800x64xf32, #tpu.memory_space<vmem>> -> memref<104x64xf32, #tpu.memory_space<vmem>>
      %dma_wait3A_112 = arith.constant 0 : i32
      %dma_wait3A_113 = tpu.memref_slice %arg8[%add3A_24, %dma_wait3A_112] : memref<32x200xi32, #tpu.memory_space<vmem>> -> memref<1x104xi32, #tpu.memory_space<vmem>>
      %dma_wait3A_114 = tpu.memref_squeeze %dma_wait3A_113 : memref<1x104xi32, #tpu.memory_space<vmem>> -> memref<104xi32, #tpu.memory_space<vmem>>
      %dma_wait3A_115 = arith.constant 0 : i32
      %dma_wait3A_116 = arith.constant 0 : i32
      %dma_wait3A_117 = tpu.memref_slice %arg2[%dma_wait3A_115, %dma_wait3A_116] : memref<100000x64xf32, #tpu.memory_space<hbm>> -> memref<100000x64xf32, #tpu.memory_space<hbm>>
      tpu.wait_indirect_dma semaphore(%arg10 : memref<!tpu.dma_semaphore, #tpu.memory_space<semaphore_mem>>) src(%dma_wait3A_117 : memref<100000x64xf32, #tpu.memory_space<hbm>>) dst(%dma_wait3A_111 : memref<104x64xf32, #tpu.memory_space<vmem>>)
      %dma_wait3A_118 = arith.constant 104 : i32
      %dma_wait3A_119 = arith.constant 0 : i32
      %dma_wait3A_120 = tpu.memref_slice %arg9[%dma_wait3A_118, %dma_wait3A_119] : memref<800x64xf32, #tpu.memory_space<vmem>> -> memref<96x64xf32, #tpu.memory_space<vmem>>
      %dma_wait3A_121 = arith.constant 104 : i32
      %dma_wait3A_122 = tpu.memref_slice %arg8[%add3A_24, %dma_wait3A_121] : memref<32x200xi32, #tpu.memory_space<vmem>> -> memref<1x96xi32, #tpu.memory_space<vmem>>
      %dma_wait3A_123 = tpu.memref_squeeze %dma_wait3A_122 : memref<1x96xi32, #tpu.memory_space<vmem>> -> memref<96xi32, #tpu.memory_space<vmem>>
      %dma_wait3A_124 = arith.constant 0 : i32
      %dma_wait3A_125 = arith.constant 0 : i32
      %dma_wait3A_126 = tpu.memref_slice %arg2[%dma_wait3A_124, %dma_wait3A_125] : memref<100000x64xf32, #tpu.memory_space<hbm>> -> memref<100000x64xf32, #tpu.memory_space<hbm>>
      tpu.wait_indirect_dma semaphore(%arg10 : memref<!tpu.dma_semaphore, #tpu.memory_space<semaphore_mem>>) src(%dma_wait3A_126 : memref<100000x64xf32, #tpu.memory_space<hbm>>) dst(%dma_wait3A_120 : memref<96x64xf32, #tpu.memory_space<vmem>>)
      %dma_wait3A_127 = arith.constant 200 : i32
      %dma_wait3A_128 = arith.constant 0 : i32
      %dma_wait3A_129 = tpu.memref_slice %arg9[%dma_wait3A_127, %dma_wait3A_128] : memref<800x64xf32, #tpu.memory_space<vmem>> -> memref<104x64xf32, #tpu.memory_space<vmem>>
      %dma_wait3A_130 = arith.constant 0 : i32
      %dma_wait3A_131 = tpu.memref_slice %arg8[%add3A_46, %dma_wait3A_130] : memref<32x200xi32, #tpu.memory_space<vmem>> -> memref<1x104xi32, #tpu.memory_space<vmem>>
      %dma_wait3A_132 = tpu.memref_squeeze %dma_wait3A_131 : memref<1x104xi32, #tpu.memory_space<vmem>> -> memref<104xi32, #tpu.memory_space<vmem>>
      %dma_wait3A_133 = arith.constant 0 : i32
      %dma_wait3A_134 = arith.constant 0 : i32
      %dma_wait3A_135 = tpu.memref_slice %arg2[%dma_wait3A_133, %dma_wait3A_134] : memref<100000x64xf32, #tpu.memory_space<hbm>> -> memref<100000x64xf32, #tpu.memory_space<hbm>>
      tpu.wait_indirect_dma semaphore(%arg10 : memref<!tpu.dma_semaphore, #tpu.memory_space<semaphore_mem>>) src(%dma_wait3A_135 : memref<100000x64xf32, #tpu.memory_space<hbm>>) dst(%dma_wait3A_129 : memref<104x64xf32, #tpu.memory_space<vmem>>)
      %dma_wait3A_136 = arith.constant 304 : i32
      %dma_wait3A_137 = arith.constant 0 : i32
      %dma_wait3A_138 = tpu.memref_slice %arg9[%dma_wait3A_136, %dma_wait3A_137] : memref<800x64xf32, #tpu.memory_space<vmem>> -> memref<96x64xf32, #tpu.memory_space<vmem>>
      %dma_wait3A_139 = arith.constant 104 : i32
      %dma_wait3A_140 = tpu.memref_slice %arg8[%add3A_46, %dma_wait3A_139] : memref<32x200xi32, #tpu.memory_space<vmem>> -> memref<1x96xi32, #tpu.memory_space<vmem>>
      %dma_wait3A_141 = tpu.memref_squeeze %dma_wait3A_140 : memref<1x96xi32, #tpu.memory_space<vmem>> -> memref<96xi32, #tpu.memory_space<vmem>>
      %dma_wait3A_142 = arith.constant 0 : i32
      %dma_wait3A_143 = arith.constant 0 : i32
      %dma_wait3A_144 = tpu.memref_slice %arg2[%dma_wait3A_142, %dma_wait3A_143] : memref<100000x64xf32, #tpu.memory_space<hbm>> -> memref<100000x64xf32, #tpu.memory_space<hbm>>
      tpu.wait_indirect_dma semaphore(%arg10 : memref<!tpu.dma_semaphore, #tpu.memory_space<semaphore_mem>>) src(%dma_wait3A_144 : memref<100000x64xf32, #tpu.memory_space<hbm>>) dst(%dma_wait3A_138 : memref<96x64xf32, #tpu.memory_space<vmem>>)
      %dma_wait3A_145 = arith.constant 400 : i32
      %dma_wait3A_146 = arith.constant 0 : i32
      %dma_wait3A_147 = tpu.memref_slice %arg9[%dma_wait3A_145, %dma_wait3A_146] : memref<800x64xf32, #tpu.memory_space<vmem>> -> memref<104x64xf32, #tpu.memory_space<vmem>>
      %dma_wait3A_148 = arith.constant 0 : i32
      %dma_wait3A_149 = tpu.memref_slice %arg8[%add3A_68, %dma_wait3A_148] : memref<32x200xi32, #tpu.memory_space<vmem>> -> memref<1x104xi32, #tpu.memory_space<vmem>>
      %dma_wait3A_150 = tpu.memref_squeeze %dma_wait3A_149 : memref<1x104xi32, #tpu.memory_space<vmem>> -> memref<104xi32, #tpu.memory_space<vmem>>
      %dma_wait3A_151 = arith.constant 0 : i32
      %dma_wait3A_152 = arith.constant 0 : i32
      %dma_wait3A_153 = tpu.memref_slice %arg2[%dma_wait3A_151, %dma_wait3A_152] : memref<100000x64xf32, #tpu.memory_space<hbm>> -> memref<100000x64xf32, #tpu.memory_space<hbm>>
      tpu.wait_indirect_dma semaphore(%arg10 : memref<!tpu.dma_semaphore, #tpu.memory_space<semaphore_mem>>) src(%dma_wait3A_153 : memref<100000x64xf32, #tpu.memory_space<hbm>>) dst(%dma_wait3A_147 : memref<104x64xf32, #tpu.memory_space<vmem>>)
      %dma_wait3A_154 = arith.constant 504 : i32
      %dma_wait3A_155 = arith.constant 0 : i32
      %dma_wait3A_156 = tpu.memref_slice %arg9[%dma_wait3A_154, %dma_wait3A_155] : memref<800x64xf32, #tpu.memory_space<vmem>> -> memref<96x64xf32, #tpu.memory_space<vmem>>
      %dma_wait3A_157 = arith.constant 104 : i32
      %dma_wait3A_158 = tpu.memref_slice %arg8[%add3A_68, %dma_wait3A_157] : memref<32x200xi32, #tpu.memory_space<vmem>> -> memref<1x96xi32, #tpu.memory_space<vmem>>
      %dma_wait3A_159 = tpu.memref_squeeze %dma_wait3A_158 : memref<1x96xi32, #tpu.memory_space<vmem>> -> memref<96xi32, #tpu.memory_space<vmem>>
      %dma_wait3A_160 = arith.constant 0 : i32
      %dma_wait3A_161 = arith.constant 0 : i32
      %dma_wait3A_162 = tpu.memref_slice %arg2[%dma_wait3A_160, %dma_wait3A_161] : memref<100000x64xf32, #tpu.memory_space<hbm>> -> memref<100000x64xf32, #tpu.memory_space<hbm>>
      tpu.wait_indirect_dma semaphore(%arg10 : memref<!tpu.dma_semaphore, #tpu.memory_space<semaphore_mem>>) src(%dma_wait3A_162 : memref<100000x64xf32, #tpu.memory_space<hbm>>) dst(%dma_wait3A_156 : memref<96x64xf32, #tpu.memory_space<vmem>>)
      %dma_wait3A_163 = arith.constant 600 : i32
      %dma_wait3A_164 = arith.constant 0 : i32
      %dma_wait3A_165 = tpu.memref_slice %arg9[%dma_wait3A_163, %dma_wait3A_164] : memref<800x64xf32, #tpu.memory_space<vmem>> -> memref<104x64xf32, #tpu.memory_space<vmem>>
      %dma_wait3A_166 = arith.constant 0 : i32
      %dma_wait3A_167 = tpu.memref_slice %arg8[%add3A_90, %dma_wait3A_166] : memref<32x200xi32, #tpu.memory_space<vmem>> -> memref<1x104xi32, #tpu.memory_space<vmem>>
      %dma_wait3A_168 = tpu.memref_squeeze %dma_wait3A_167 : memref<1x104xi32, #tpu.memory_space<vmem>> -> memref<104xi32, #tpu.memory_space<vmem>>
      %dma_wait3A_169 = arith.constant 0 : i32
      %dma_wait3A_170 = arith.constant 0 : i32
      %dma_wait3A_171 = tpu.memref_slice %arg2[%dma_wait3A_169, %dma_wait3A_170] : memref<100000x64xf32, #tpu.memory_space<hbm>> -> memref<100000x64xf32, #tpu.memory_space<hbm>>
      tpu.wait_indirect_dma semaphore(%arg10 : memref<!tpu.dma_semaphore, #tpu.memory_space<semaphore_mem>>) src(%dma_wait3A_171 : memref<100000x64xf32, #tpu.memory_space<hbm>>) dst(%dma_wait3A_165 : memref<104x64xf32, #tpu.memory_space<vmem>>)
      %dma_wait3A_172 = arith.constant 704 : i32
      %dma_wait3A_173 = arith.constant 0 : i32
      %dma_wait3A_174 = tpu.memref_slice %arg9[%dma_wait3A_172, %dma_wait3A_173] : memref<800x64xf32, #tpu.memory_space<vmem>> -> memref<96x64xf32, #tpu.memory_space<vmem>>
      %dma_wait3A_175 = arith.constant 104 : i32
      %dma_wait3A_176 = tpu.memref_slice %arg8[%add3A_90, %dma_wait3A_175] : memref<32x200xi32, #tpu.memory_space<vmem>> -> memref<1x96xi32, #tpu.memory_space<vmem>>
      %dma_wait3A_177 = tpu.memref_squeeze %dma_wait3A_176 : memref<1x96xi32, #tpu.memory_space<vmem>> -> memref<96xi32, #tpu.memory_space<vmem>>
      %dma_wait3A_178 = arith.constant 0 : i32
      %dma_wait3A_179 = arith.constant 0 : i32
      %dma_wait3A_180 = tpu.memref_slice %arg2[%dma_wait3A_178, %dma_wait3A_179] : memref<100000x64xf32, #tpu.memory_space<hbm>> -> memref<100000x64xf32, #tpu.memory_space<hbm>>
      tpu.wait_indirect_dma semaphore(%arg10 : memref<!tpu.dma_semaphore, #tpu.memory_space<semaphore_mem>>) src(%dma_wait3A_180 : memref<100000x64xf32, #tpu.memory_space<hbm>>) dst(%dma_wait3A_174 : memref<96x64xf32, #tpu.memory_space<vmem>>)
      %mul3A_181 = arith.constant 800 : i32
      %mul3A_182 = arith.muli %scan3A_20, %mul3A_181 : i32
      %add3A_183 = arith.addi %mul3A_2, %mul3A_182 : i32
      "tpu.region"() ({
        %run_scoped3A = tpu.sem_alloc : memref<!tpu.dma_semaphore, #tpu.memory_space<semaphore_mem>>
        %dma_start3A_184 = arith.constant 0 : i32
        %dma_start3A_185 = tpu.memref_slice %arg6[%add3A_183, %dma_start3A_184] : memref<204800x64xf32, #tpu.memory_space<hbm>> -> memref<800x64xf32, #tpu.memory_space<hbm>>
        %dma_start3A_186 = arith.constant 0 : i32
        %dma_start3A_187 = tpu.memref_slice %arg6[%add3A_183, %dma_start3A_186] : memref<204800x64xf32, #tpu.memory_space<hbm>> -> memref<800x64xf32, #tpu.memory_space<hbm>>
        tpu.enqueue_dma source(%arg9 : memref<800x64xf32, #tpu.memory_space<vmem>>) target(%dma_start3A_187 : memref<800x64xf32, #tpu.memory_space<hbm>>) target_semaphore(%run_scoped3A : memref<!tpu.dma_semaphore, #tpu.memory_space<semaphore_mem>>)
        %dma_wait3A_188 = arith.constant 0 : i32
        %dma_wait3A_189 = tpu.memref_slice %arg6[%add3A_183, %dma_wait3A_188] : memref<204800x64xf32, #tpu.memory_space<hbm>> -> memref<800x64xf32, #tpu.memory_space<hbm>>
        %dma_wait3A_190 = arith.constant 0 : i32
        %dma_wait3A_191 = tpu.memref_slice %arg6[%add3A_183, %dma_wait3A_190] : memref<204800x64xf32, #tpu.memory_space<hbm>> -> memref<800x64xf32, #tpu.memory_space<hbm>>
        tpu.wait_dma2 semaphore(%run_scoped3A : memref<!tpu.dma_semaphore, #tpu.memory_space<semaphore_mem>>) src(%arg9 : memref<800x64xf32, #tpu.memory_space<vmem>>) dst(%dma_wait3A_191 : memref<800x64xf32, #tpu.memory_space<hbm>>)
        tpu.yield
      }) : () -> ()
    }
    %scan3A_11 = arith.constant 8 : i32
    %mul3A_12 = arith.constant 128 : i32
    %mul3A_13 = arith.muli %add3A, %mul3A_12 : i32
    "tpu.region"() ({
      %run_scoped3A = tpu.sem_alloc : memref<!tpu.dma_semaphore, #tpu.memory_space<semaphore_mem>>
      %dma_start3A_20 = tpu.memref_slice %arg5[%mul3A_13] : memref<4096xi32, #tpu.memory_space<hbm>> -> memref<128xi32, #tpu.memory_space<hbm>>
      %dma_start3A_21 = tpu.memref_slice %arg5[%mul3A_13] : memref<4096xi32, #tpu.memory_space<hbm>> -> memref<128xi32, #tpu.memory_space<hbm>>
      tpu.enqueue_dma source(%dma_start3A_21 : memref<128xi32, #tpu.memory_space<hbm>>) target(%arg11 : memref<128xi32, #tpu.memory_space<vmem>>) target_semaphore(%run_scoped3A : memref<!tpu.dma_semaphore, #tpu.memory_space<semaphore_mem>>)
      %dma_wait3A_22 = tpu.memref_slice %arg5[%mul3A_13] : memref<4096xi32, #tpu.memory_space<hbm>> -> memref<128xi32, #tpu.memory_space<hbm>>
      %dma_wait3A_23 = tpu.memref_slice %arg5[%mul3A_13] : memref<4096xi32, #tpu.memory_space<hbm>> -> memref<128xi32, #tpu.memory_space<hbm>>
      tpu.wait_dma2 semaphore(%run_scoped3A : memref<!tpu.dma_semaphore, #tpu.memory_space<semaphore_mem>>) src(%dma_wait3A_23 : memref<128xi32, #tpu.memory_space<hbm>>) dst(%arg11 : memref<128xi32, #tpu.memory_space<vmem>>)
      tpu.yield
    }) : () -> ()
    %dma_start3A = arith.constant 0 : i32
    %dma_start3A_14 = arith.constant 0 : i32
    %dma_start3A_15 = tpu.memref_slice %arg3[%dma_start3A, %dma_start3A_14] : memref<100000x64xf32, #tpu.memory_space<hbm>> -> memref<100000x64xf32, #tpu.memory_space<hbm>>
    tpu.enqueue_indirect_dma source(%dma_start3A_15 : memref<100000x64xf32, #tpu.memory_space<hbm>>) target(%arg12 : memref<128x64xf32, #tpu.memory_space<vmem>>) offsets(%arg11 : memref<128xi32, #tpu.memory_space<vmem>>) semaphore(%arg10 : memref<!tpu.dma_semaphore, #tpu.memory_space<semaphore_mem>>)
    %dma_wait3A = arith.constant 0 : i32
    %dma_wait3A_16 = arith.constant 0 : i32
    %dma_wait3A_17 = tpu.memref_slice %arg3[%dma_wait3A, %dma_wait3A_16] : memref<100000x64xf32, #tpu.memory_space<hbm>> -> memref<100000x64xf32, #tpu.memory_space<hbm>>
    tpu.wait_indirect_dma semaphore(%arg10 : memref<!tpu.dma_semaphore, #tpu.memory_space<semaphore_mem>>) src(%dma_wait3A_17 : memref<100000x64xf32, #tpu.memory_space<hbm>>) dst(%arg12 : memref<128x64xf32, #tpu.memory_space<vmem>>)
    %mul3A_18 = arith.constant 128 : i32
    %mul3A_19 = arith.muli %add3A, %mul3A_18 : i32
    "tpu.region"() ({
      %run_scoped3A = tpu.sem_alloc : memref<!tpu.dma_semaphore, #tpu.memory_space<semaphore_mem>>
      %dma_start3A_20 = arith.constant 0 : i32
      %dma_start3A_21 = tpu.memref_slice %arg7[%mul3A_19, %dma_start3A_20] : memref<4096x64xf32, #tpu.memory_space<hbm>> -> memref<128x64xf32, #tpu.memory_space<hbm>>
      %dma_start3A_22 = arith.constant 0 : i32
      %dma_start3A_23 = tpu.memref_slice %arg7[%mul3A_19, %dma_start3A_22] : memref<4096x64xf32, #tpu.memory_space<hbm>> -> memref<128x64xf32, #tpu.memory_space<hbm>>
      tpu.enqueue_dma source(%arg12 : memref<128x64xf32, #tpu.memory_space<vmem>>) target(%dma_start3A_23 : memref<128x64xf32, #tpu.memory_space<hbm>>) target_semaphore(%run_scoped3A : memref<!tpu.dma_semaphore, #tpu.memory_space<semaphore_mem>>)
      %dma_wait3A_24 = arith.constant 0 : i32
      %dma_wait3A_25 = tpu.memref_slice %arg7[%mul3A_19, %dma_wait3A_24] : memref<4096x64xf32, #tpu.memory_space<hbm>> -> memref<128x64xf32, #tpu.memory_space<hbm>>
      %dma_wait3A_26 = arith.constant 0 : i32
      %dma_wait3A_27 = tpu.memref_slice %arg7[%mul3A_19, %dma_wait3A_26] : memref<4096x64xf32, #tpu.memory_space<hbm>> -> memref<128x64xf32, #tpu.memory_space<hbm>>
      tpu.wait_dma2 semaphore(%run_scoped3A : memref<!tpu.dma_semaphore, #tpu.memory_space<semaphore_mem>>) src(%arg12 : memref<128x64xf32, #tpu.memory_space<vmem>>) dst(%dma_wait3A_27 : memref<128x64xf32, #tpu.memory_space<hbm>>)
      tpu.yield
    }) : () -> ()
    return
  }
}

#map = affine_map<(d0, d1) -> (0, 0)>
module attributes {stable_mosaic.version = 14 : i64} {
  func.func @k(%arg0: i32, %arg1: i32, %arg2: memref<100000x64xf32, #tpu.memory_space<hbm>>, %arg3: memref<4096x200xi32, #tpu.memory_space<hbm>>, %arg4: memref<204800x64xf32, #tpu.memory_space<hbm>>, %arg5: memref<32x200xi32, #tpu.memory_space<vmem>>, %arg6: memref<800x64xf32, #tpu.memory_space<vmem>>, %arg7: memref<!tpu.dma_semaphore, #tpu.memory_space<semaphore_mem>>) attributes {dimension_semantics = [#tpu.dimension_semantics<core_parallel>, #tpu.dimension_semantics<subcore_parallel>], iteration_bounds = array<i64: 2, 16>, scalar_prefetch = 0 : i64, scratch_operands = 3 : i64, tpu.core_type = #tpu.core_type<sc_vector_subcore>, window_params = [{transform_indices = #map}, {transform_indices = #map}, {transform_indices = #map}]} {
    %mul3A = arith.constant 2 : i32
    %mul3A_0 = arith.muli %arg1, %mul3A : i32
    %add3A = arith.addi %mul3A_0, %arg0 : i32
    %mul3A_1 = arith.constant 6400 : i32
    %mul3A_2 = arith.muli %add3A, %mul3A_1 : i32
    %mul3A_3 = arith.constant 32 : i32
    %mul3A_4 = arith.muli %add3A, %mul3A_3 : i32
    %add3A_5 = arith.constant 3072 : i32
    %add3A_6 = arith.addi %add3A_5, %mul3A_4 : i32
    "tpu.region"() ({
      %run_scoped3A = tpu.sem_alloc : memref<!tpu.dma_semaphore, #tpu.memory_space<semaphore_mem>>
      %dma_start3A = arith.constant 0 : i32
      %dma_start3A_12 = tpu.memref_slice %arg3[%add3A_6, %dma_start3A] : memref<4096x200xi32, #tpu.memory_space<hbm>> -> memref<32x200xi32, #tpu.memory_space<hbm>>
      %dma_start3A_13 = arith.constant 0 : i32
      %dma_start3A_14 = tpu.memref_slice %arg3[%add3A_6, %dma_start3A_13] : memref<4096x200xi32, #tpu.memory_space<hbm>> -> memref<32x200xi32, #tpu.memory_space<hbm>>
      tpu.enqueue_dma source(%dma_start3A_14 : memref<32x200xi32, #tpu.memory_space<hbm>>) target(%arg5 : memref<32x200xi32, #tpu.memory_space<vmem>>) target_semaphore(%run_scoped3A : memref<!tpu.dma_semaphore, #tpu.memory_space<semaphore_mem>>)
      %dma_wait3A = arith.constant 0 : i32
      %dma_wait3A_15 = tpu.memref_slice %arg3[%add3A_6, %dma_wait3A] : memref<4096x200xi32, #tpu.memory_space<hbm>> -> memref<32x200xi32, #tpu.memory_space<hbm>>
      %dma_wait3A_16 = arith.constant 0 : i32
      %dma_wait3A_17 = tpu.memref_slice %arg3[%add3A_6, %dma_wait3A_16] : memref<4096x200xi32, #tpu.memory_space<hbm>> -> memref<32x200xi32, #tpu.memory_space<hbm>>
      tpu.wait_dma2 semaphore(%run_scoped3A : memref<!tpu.dma_semaphore, #tpu.memory_space<semaphore_mem>>) src(%dma_wait3A_17 : memref<32x200xi32, #tpu.memory_space<hbm>>) dst(%arg5 : memref<32x200xi32, #tpu.memory_space<vmem>>)
      tpu.yield
    }) : () -> ()
    %scan3A = arith.constant 0 : i32
    %scan3A_7 = arith.constant 0 : i32
    %scan3A_8 = arith.constant 8 : i32
    %scan3A_9 = arith.addi %scan3A_7, %scan3A_8 : i32
    %scan3A_10 = arith.constant 1 : i32
    scf.for %scan3A_12 = %scan3A_7 to %scan3A_9 step %scan3A_10  : i32 {
      %mul3A_13 = arith.constant 4 : i32
      %mul3A_14 = arith.muli %scan3A_12, %mul3A_13 : i32
      %add3A_15 = arith.constant 0 : i32
      %add3A_16 = arith.addi %mul3A_14, %add3A_15 : i32
      %dma_start3A = arith.constant 0 : i32
      %dma_start3A_17 = arith.constant 0 : i32
      %dma_start3A_18 = tpu.memref_slice %arg6[%dma_start3A, %dma_start3A_17] : memref<800x64xf32, #tpu.memory_space<vmem>> -> memref<104x64xf32, #tpu.memory_space<vmem>>
      %dma_start3A_19 = arith.constant 0 : i32
      %dma_start3A_20 = tpu.memref_slice %arg5[%add3A_16, %dma_start3A_19] : memref<32x200xi32, #tpu.memory_space<vmem>> -> memref<1x104xi32, #tpu.memory_space<vmem>>
      %dma_start3A_21 = tpu.memref_squeeze %dma_start3A_20 : memref<1x104xi32, #tpu.memory_space<vmem>> -> memref<104xi32, #tpu.memory_space<vmem>>
      %dma_start3A_22 = arith.constant 0 : i32
      %dma_start3A_23 = arith.constant 0 : i32
      %dma_start3A_24 = tpu.memref_slice %arg2[%dma_start3A_22, %dma_start3A_23] : memref<100000x64xf32, #tpu.memory_space<hbm>> -> memref<100000x64xf32, #tpu.memory_space<hbm>>
      tpu.enqueue_indirect_dma source(%dma_start3A_24 : memref<100000x64xf32, #tpu.memory_space<hbm>>) target(%dma_start3A_18 : memref<104x64xf32, #tpu.memory_space<vmem>>) offsets(%dma_start3A_21 : memref<104xi32, #tpu.memory_space<vmem>>) semaphore(%arg7 : memref<!tpu.dma_semaphore, #tpu.memory_space<semaphore_mem>>)
      %dma_start3A_25 = arith.constant 104 : i32
      %dma_start3A_26 = arith.constant 0 : i32
      %dma_start3A_27 = tpu.memref_slice %arg6[%dma_start3A_25, %dma_start3A_26] : memref<800x64xf32, #tpu.memory_space<vmem>> -> memref<96x64xf32, #tpu.memory_space<vmem>>
      %dma_start3A_28 = arith.constant 104 : i32
      %dma_start3A_29 = tpu.memref_slice %arg5[%add3A_16, %dma_start3A_28] : memref<32x200xi32, #tpu.memory_space<vmem>> -> memref<1x96xi32, #tpu.memory_space<vmem>>
      %dma_start3A_30 = tpu.memref_squeeze %dma_start3A_29 : memref<1x96xi32, #tpu.memory_space<vmem>> -> memref<96xi32, #tpu.memory_space<vmem>>
      %dma_start3A_31 = arith.constant 0 : i32
      %dma_start3A_32 = arith.constant 0 : i32
      %dma_start3A_33 = tpu.memref_slice %arg2[%dma_start3A_31, %dma_start3A_32] : memref<100000x64xf32, #tpu.memory_space<hbm>> -> memref<100000x64xf32, #tpu.memory_space<hbm>>
      tpu.enqueue_indirect_dma source(%dma_start3A_33 : memref<100000x64xf32, #tpu.memory_space<hbm>>) target(%dma_start3A_27 : memref<96x64xf32, #tpu.memory_space<vmem>>) offsets(%dma_start3A_30 : memref<96xi32, #tpu.memory_space<vmem>>) semaphore(%arg7 : memref<!tpu.dma_semaphore, #tpu.memory_space<semaphore_mem>>)
      %mul3A_34 = arith.constant 4 : i32
      %mul3A_35 = arith.muli %scan3A_12, %mul3A_34 : i32
      %add3A_36 = arith.constant 1 : i32
      %add3A_37 = arith.addi %mul3A_35, %add3A_36 : i32
      %dma_start3A_38 = arith.constant 200 : i32
      %dma_start3A_39 = arith.constant 0 : i32
      %dma_start3A_40 = tpu.memref_slice %arg6[%dma_start3A_38, %dma_start3A_39] : memref<800x64xf32, #tpu.memory_space<vmem>> -> memref<104x64xf32, #tpu.memory_space<vmem>>
      %dma_start3A_41 = arith.constant 0 : i32
      %dma_start3A_42 = tpu.memref_slice %arg5[%add3A_37, %dma_start3A_41] : memref<32x200xi32, #tpu.memory_space<vmem>> -> memref<1x104xi32, #tpu.memory_space<vmem>>
      %dma_start3A_43 = tpu.memref_squeeze %dma_start3A_42 : memref<1x104xi32, #tpu.memory_space<vmem>> -> memref<104xi32, #tpu.memory_space<vmem>>
      %dma_start3A_44 = arith.constant 0 : i32
      %dma_start3A_45 = arith.constant 0 : i32
      %dma_start3A_46 = tpu.memref_slice %arg2[%dma_start3A_44, %dma_start3A_45] : memref<100000x64xf32, #tpu.memory_space<hbm>> -> memref<100000x64xf32, #tpu.memory_space<hbm>>
      tpu.enqueue_indirect_dma source(%dma_start3A_46 : memref<100000x64xf32, #tpu.memory_space<hbm>>) target(%dma_start3A_40 : memref<104x64xf32, #tpu.memory_space<vmem>>) offsets(%dma_start3A_43 : memref<104xi32, #tpu.memory_space<vmem>>) semaphore(%arg7 : memref<!tpu.dma_semaphore, #tpu.memory_space<semaphore_mem>>)
      %dma_start3A_47 = arith.constant 304 : i32
      %dma_start3A_48 = arith.constant 0 : i32
      %dma_start3A_49 = tpu.memref_slice %arg6[%dma_start3A_47, %dma_start3A_48] : memref<800x64xf32, #tpu.memory_space<vmem>> -> memref<96x64xf32, #tpu.memory_space<vmem>>
      %dma_start3A_50 = arith.constant 104 : i32
      %dma_start3A_51 = tpu.memref_slice %arg5[%add3A_37, %dma_start3A_50] : memref<32x200xi32, #tpu.memory_space<vmem>> -> memref<1x96xi32, #tpu.memory_space<vmem>>
      %dma_start3A_52 = tpu.memref_squeeze %dma_start3A_51 : memref<1x96xi32, #tpu.memory_space<vmem>> -> memref<96xi32, #tpu.memory_space<vmem>>
      %dma_start3A_53 = arith.constant 0 : i32
      %dma_start3A_54 = arith.constant 0 : i32
      %dma_start3A_55 = tpu.memref_slice %arg2[%dma_start3A_53, %dma_start3A_54] : memref<100000x64xf32, #tpu.memory_space<hbm>> -> memref<100000x64xf32, #tpu.memory_space<hbm>>
      tpu.enqueue_indirect_dma source(%dma_start3A_55 : memref<100000x64xf32, #tpu.memory_space<hbm>>) target(%dma_start3A_49 : memref<96x64xf32, #tpu.memory_space<vmem>>) offsets(%dma_start3A_52 : memref<96xi32, #tpu.memory_space<vmem>>) semaphore(%arg7 : memref<!tpu.dma_semaphore, #tpu.memory_space<semaphore_mem>>)
      %mul3A_56 = arith.constant 4 : i32
      %mul3A_57 = arith.muli %scan3A_12, %mul3A_56 : i32
      %add3A_58 = arith.constant 2 : i32
      %add3A_59 = arith.addi %mul3A_57, %add3A_58 : i32
      %dma_start3A_60 = arith.constant 400 : i32
      %dma_start3A_61 = arith.constant 0 : i32
      %dma_start3A_62 = tpu.memref_slice %arg6[%dma_start3A_60, %dma_start3A_61] : memref<800x64xf32, #tpu.memory_space<vmem>> -> memref<104x64xf32, #tpu.memory_space<vmem>>
      %dma_start3A_63 = arith.constant 0 : i32
      %dma_start3A_64 = tpu.memref_slice %arg5[%add3A_59, %dma_start3A_63] : memref<32x200xi32, #tpu.memory_space<vmem>> -> memref<1x104xi32, #tpu.memory_space<vmem>>
      %dma_start3A_65 = tpu.memref_squeeze %dma_start3A_64 : memref<1x104xi32, #tpu.memory_space<vmem>> -> memref<104xi32, #tpu.memory_space<vmem>>
      %dma_start3A_66 = arith.constant 0 : i32
      %dma_start3A_67 = arith.constant 0 : i32
      %dma_start3A_68 = tpu.memref_slice %arg2[%dma_start3A_66, %dma_start3A_67] : memref<100000x64xf32, #tpu.memory_space<hbm>> -> memref<100000x64xf32, #tpu.memory_space<hbm>>
      tpu.enqueue_indirect_dma source(%dma_start3A_68 : memref<100000x64xf32, #tpu.memory_space<hbm>>) target(%dma_start3A_62 : memref<104x64xf32, #tpu.memory_space<vmem>>) offsets(%dma_start3A_65 : memref<104xi32, #tpu.memory_space<vmem>>) semaphore(%arg7 : memref<!tpu.dma_semaphore, #tpu.memory_space<semaphore_mem>>)
      %dma_start3A_69 = arith.constant 504 : i32
      %dma_start3A_70 = arith.constant 0 : i32
      %dma_start3A_71 = tpu.memref_slice %arg6[%dma_start3A_69, %dma_start3A_70] : memref<800x64xf32, #tpu.memory_space<vmem>> -> memref<96x64xf32, #tpu.memory_space<vmem>>
      %dma_start3A_72 = arith.constant 104 : i32
      %dma_start3A_73 = tpu.memref_slice %arg5[%add3A_59, %dma_start3A_72] : memref<32x200xi32, #tpu.memory_space<vmem>> -> memref<1x96xi32, #tpu.memory_space<vmem>>
      %dma_start3A_74 = tpu.memref_squeeze %dma_start3A_73 : memref<1x96xi32, #tpu.memory_space<vmem>> -> memref<96xi32, #tpu.memory_space<vmem>>
      %dma_start3A_75 = arith.constant 0 : i32
      %dma_start3A_76 = arith.constant 0 : i32
      %dma_start3A_77 = tpu.memref_slice %arg2[%dma_start3A_75, %dma_start3A_76] : memref<100000x64xf32, #tpu.memory_space<hbm>> -> memref<100000x64xf32, #tpu.memory_space<hbm>>
      tpu.enqueue_indirect_dma source(%dma_start3A_77 : memref<100000x64xf32, #tpu.memory_space<hbm>>) target(%dma_start3A_71 : memref<96x64xf32, #tpu.memory_space<vmem>>) offsets(%dma_start3A_74 : memref<96xi32, #tpu.memory_space<vmem>>) semaphore(%arg7 : memref<!tpu.dma_semaphore, #tpu.memory_space<semaphore_mem>>)
      %mul3A_78 = arith.constant 4 : i32
      %mul3A_79 = arith.muli %scan3A_12, %mul3A_78 : i32
      %add3A_80 = arith.constant 3 : i32
      %add3A_81 = arith.addi %mul3A_79, %add3A_80 : i32
      %dma_start3A_82 = arith.constant 600 : i32
      %dma_start3A_83 = arith.constant 0 : i32
      %dma_start3A_84 = tpu.memref_slice %arg6[%dma_start3A_82, %dma_start3A_83] : memref<800x64xf32, #tpu.memory_space<vmem>> -> memref<104x64xf32, #tpu.memory_space<vmem>>
      %dma_start3A_85 = arith.constant 0 : i32
      %dma_start3A_86 = tpu.memref_slice %arg5[%add3A_81, %dma_start3A_85] : memref<32x200xi32, #tpu.memory_space<vmem>> -> memref<1x104xi32, #tpu.memory_space<vmem>>
      %dma_start3A_87 = tpu.memref_squeeze %dma_start3A_86 : memref<1x104xi32, #tpu.memory_space<vmem>> -> memref<104xi32, #tpu.memory_space<vmem>>
      %dma_start3A_88 = arith.constant 0 : i32
      %dma_start3A_89 = arith.constant 0 : i32
      %dma_start3A_90 = tpu.memref_slice %arg2[%dma_start3A_88, %dma_start3A_89] : memref<100000x64xf32, #tpu.memory_space<hbm>> -> memref<100000x64xf32, #tpu.memory_space<hbm>>
      tpu.enqueue_indirect_dma source(%dma_start3A_90 : memref<100000x64xf32, #tpu.memory_space<hbm>>) target(%dma_start3A_84 : memref<104x64xf32, #tpu.memory_space<vmem>>) offsets(%dma_start3A_87 : memref<104xi32, #tpu.memory_space<vmem>>) semaphore(%arg7 : memref<!tpu.dma_semaphore, #tpu.memory_space<semaphore_mem>>)
      %dma_start3A_91 = arith.constant 704 : i32
      %dma_start3A_92 = arith.constant 0 : i32
      %dma_start3A_93 = tpu.memref_slice %arg6[%dma_start3A_91, %dma_start3A_92] : memref<800x64xf32, #tpu.memory_space<vmem>> -> memref<96x64xf32, #tpu.memory_space<vmem>>
      %dma_start3A_94 = arith.constant 104 : i32
      %dma_start3A_95 = tpu.memref_slice %arg5[%add3A_81, %dma_start3A_94] : memref<32x200xi32, #tpu.memory_space<vmem>> -> memref<1x96xi32, #tpu.memory_space<vmem>>
      %dma_start3A_96 = tpu.memref_squeeze %dma_start3A_95 : memref<1x96xi32, #tpu.memory_space<vmem>> -> memref<96xi32, #tpu.memory_space<vmem>>
      %dma_start3A_97 = arith.constant 0 : i32
      %dma_start3A_98 = arith.constant 0 : i32
      %dma_start3A_99 = tpu.memref_slice %arg2[%dma_start3A_97, %dma_start3A_98] : memref<100000x64xf32, #tpu.memory_space<hbm>> -> memref<100000x64xf32, #tpu.memory_space<hbm>>
      tpu.enqueue_indirect_dma source(%dma_start3A_99 : memref<100000x64xf32, #tpu.memory_space<hbm>>) target(%dma_start3A_93 : memref<96x64xf32, #tpu.memory_space<vmem>>) offsets(%dma_start3A_96 : memref<96xi32, #tpu.memory_space<vmem>>) semaphore(%arg7 : memref<!tpu.dma_semaphore, #tpu.memory_space<semaphore_mem>>)
      %dma_wait3A = arith.constant 0 : i32
      %dma_wait3A_100 = arith.constant 0 : i32
      %dma_wait3A_101 = tpu.memref_slice %arg6[%dma_wait3A, %dma_wait3A_100] : memref<800x64xf32, #tpu.memory_space<vmem>> -> memref<104x64xf32, #tpu.memory_space<vmem>>
      %dma_wait3A_102 = arith.constant 0 : i32
      %dma_wait3A_103 = tpu.memref_slice %arg5[%add3A_16, %dma_wait3A_102] : memref<32x200xi32, #tpu.memory_space<vmem>> -> memref<1x104xi32, #tpu.memory_space<vmem>>
      %dma_wait3A_104 = tpu.memref_squeeze %dma_wait3A_103 : memref<1x104xi32, #tpu.memory_space<vmem>> -> memref<104xi32, #tpu.memory_space<vmem>>
      %dma_wait3A_105 = arith.constant 0 : i32
      %dma_wait3A_106 = arith.constant 0 : i32
      %dma_wait3A_107 = tpu.memref_slice %arg2[%dma_wait3A_105, %dma_wait3A_106] : memref<100000x64xf32, #tpu.memory_space<hbm>> -> memref<100000x64xf32, #tpu.memory_space<hbm>>
      tpu.wait_indirect_dma semaphore(%arg7 : memref<!tpu.dma_semaphore, #tpu.memory_space<semaphore_mem>>) src(%dma_wait3A_107 : memref<100000x64xf32, #tpu.memory_space<hbm>>) dst(%dma_wait3A_101 : memref<104x64xf32, #tpu.memory_space<vmem>>)
      %dma_wait3A_108 = arith.constant 104 : i32
      %dma_wait3A_109 = arith.constant 0 : i32
      %dma_wait3A_110 = tpu.memref_slice %arg6[%dma_wait3A_108, %dma_wait3A_109] : memref<800x64xf32, #tpu.memory_space<vmem>> -> memref<96x64xf32, #tpu.memory_space<vmem>>
      %dma_wait3A_111 = arith.constant 104 : i32
      %dma_wait3A_112 = tpu.memref_slice %arg5[%add3A_16, %dma_wait3A_111] : memref<32x200xi32, #tpu.memory_space<vmem>> -> memref<1x96xi32, #tpu.memory_space<vmem>>
      %dma_wait3A_113 = tpu.memref_squeeze %dma_wait3A_112 : memref<1x96xi32, #tpu.memory_space<vmem>> -> memref<96xi32, #tpu.memory_space<vmem>>
      %dma_wait3A_114 = arith.constant 0 : i32
      %dma_wait3A_115 = arith.constant 0 : i32
      %dma_wait3A_116 = tpu.memref_slice %arg2[%dma_wait3A_114, %dma_wait3A_115] : memref<100000x64xf32, #tpu.memory_space<hbm>> -> memref<100000x64xf32, #tpu.memory_space<hbm>>
      tpu.wait_indirect_dma semaphore(%arg7 : memref<!tpu.dma_semaphore, #tpu.memory_space<semaphore_mem>>) src(%dma_wait3A_116 : memref<100000x64xf32, #tpu.memory_space<hbm>>) dst(%dma_wait3A_110 : memref<96x64xf32, #tpu.memory_space<vmem>>)
      %dma_wait3A_117 = arith.constant 200 : i32
      %dma_wait3A_118 = arith.constant 0 : i32
      %dma_wait3A_119 = tpu.memref_slice %arg6[%dma_wait3A_117, %dma_wait3A_118] : memref<800x64xf32, #tpu.memory_space<vmem>> -> memref<104x64xf32, #tpu.memory_space<vmem>>
      %dma_wait3A_120 = arith.constant 0 : i32
      %dma_wait3A_121 = tpu.memref_slice %arg5[%add3A_37, %dma_wait3A_120] : memref<32x200xi32, #tpu.memory_space<vmem>> -> memref<1x104xi32, #tpu.memory_space<vmem>>
      %dma_wait3A_122 = tpu.memref_squeeze %dma_wait3A_121 : memref<1x104xi32, #tpu.memory_space<vmem>> -> memref<104xi32, #tpu.memory_space<vmem>>
      %dma_wait3A_123 = arith.constant 0 : i32
      %dma_wait3A_124 = arith.constant 0 : i32
      %dma_wait3A_125 = tpu.memref_slice %arg2[%dma_wait3A_123, %dma_wait3A_124] : memref<100000x64xf32, #tpu.memory_space<hbm>> -> memref<100000x64xf32, #tpu.memory_space<hbm>>
      tpu.wait_indirect_dma semaphore(%arg7 : memref<!tpu.dma_semaphore, #tpu.memory_space<semaphore_mem>>) src(%dma_wait3A_125 : memref<100000x64xf32, #tpu.memory_space<hbm>>) dst(%dma_wait3A_119 : memref<104x64xf32, #tpu.memory_space<vmem>>)
      %dma_wait3A_126 = arith.constant 304 : i32
      %dma_wait3A_127 = arith.constant 0 : i32
      %dma_wait3A_128 = tpu.memref_slice %arg6[%dma_wait3A_126, %dma_wait3A_127] : memref<800x64xf32, #tpu.memory_space<vmem>> -> memref<96x64xf32, #tpu.memory_space<vmem>>
      %dma_wait3A_129 = arith.constant 104 : i32
      %dma_wait3A_130 = tpu.memref_slice %arg5[%add3A_37, %dma_wait3A_129] : memref<32x200xi32, #tpu.memory_space<vmem>> -> memref<1x96xi32, #tpu.memory_space<vmem>>
      %dma_wait3A_131 = tpu.memref_squeeze %dma_wait3A_130 : memref<1x96xi32, #tpu.memory_space<vmem>> -> memref<96xi32, #tpu.memory_space<vmem>>
      %dma_wait3A_132 = arith.constant 0 : i32
      %dma_wait3A_133 = arith.constant 0 : i32
      %dma_wait3A_134 = tpu.memref_slice %arg2[%dma_wait3A_132, %dma_wait3A_133] : memref<100000x64xf32, #tpu.memory_space<hbm>> -> memref<100000x64xf32, #tpu.memory_space<hbm>>
      tpu.wait_indirect_dma semaphore(%arg7 : memref<!tpu.dma_semaphore, #tpu.memory_space<semaphore_mem>>) src(%dma_wait3A_134 : memref<100000x64xf32, #tpu.memory_space<hbm>>) dst(%dma_wait3A_128 : memref<96x64xf32, #tpu.memory_space<vmem>>)
      %dma_wait3A_135 = arith.constant 400 : i32
      %dma_wait3A_136 = arith.constant 0 : i32
      %dma_wait3A_137 = tpu.memref_slice %arg6[%dma_wait3A_135, %dma_wait3A_136] : memref<800x64xf32, #tpu.memory_space<vmem>> -> memref<104x64xf32, #tpu.memory_space<vmem>>
      %dma_wait3A_138 = arith.constant 0 : i32
      %dma_wait3A_139 = tpu.memref_slice %arg5[%add3A_59, %dma_wait3A_138] : memref<32x200xi32, #tpu.memory_space<vmem>> -> memref<1x104xi32, #tpu.memory_space<vmem>>
      %dma_wait3A_140 = tpu.memref_squeeze %dma_wait3A_139 : memref<1x104xi32, #tpu.memory_space<vmem>> -> memref<104xi32, #tpu.memory_space<vmem>>
      %dma_wait3A_141 = arith.constant 0 : i32
      %dma_wait3A_142 = arith.constant 0 : i32
      %dma_wait3A_143 = tpu.memref_slice %arg2[%dma_wait3A_141, %dma_wait3A_142] : memref<100000x64xf32, #tpu.memory_space<hbm>> -> memref<100000x64xf32, #tpu.memory_space<hbm>>
      tpu.wait_indirect_dma semaphore(%arg7 : memref<!tpu.dma_semaphore, #tpu.memory_space<semaphore_mem>>) src(%dma_wait3A_143 : memref<100000x64xf32, #tpu.memory_space<hbm>>) dst(%dma_wait3A_137 : memref<104x64xf32, #tpu.memory_space<vmem>>)
      %dma_wait3A_144 = arith.constant 504 : i32
      %dma_wait3A_145 = arith.constant 0 : i32
      %dma_wait3A_146 = tpu.memref_slice %arg6[%dma_wait3A_144, %dma_wait3A_145] : memref<800x64xf32, #tpu.memory_space<vmem>> -> memref<96x64xf32, #tpu.memory_space<vmem>>
      %dma_wait3A_147 = arith.constant 104 : i32
      %dma_wait3A_148 = tpu.memref_slice %arg5[%add3A_59, %dma_wait3A_147] : memref<32x200xi32, #tpu.memory_space<vmem>> -> memref<1x96xi32, #tpu.memory_space<vmem>>
      %dma_wait3A_149 = tpu.memref_squeeze %dma_wait3A_148 : memref<1x96xi32, #tpu.memory_space<vmem>> -> memref<96xi32, #tpu.memory_space<vmem>>
      %dma_wait3A_150 = arith.constant 0 : i32
      %dma_wait3A_151 = arith.constant 0 : i32
      %dma_wait3A_152 = tpu.memref_slice %arg2[%dma_wait3A_150, %dma_wait3A_151] : memref<100000x64xf32, #tpu.memory_space<hbm>> -> memref<100000x64xf32, #tpu.memory_space<hbm>>
      tpu.wait_indirect_dma semaphore(%arg7 : memref<!tpu.dma_semaphore, #tpu.memory_space<semaphore_mem>>) src(%dma_wait3A_152 : memref<100000x64xf32, #tpu.memory_space<hbm>>) dst(%dma_wait3A_146 : memref<96x64xf32, #tpu.memory_space<vmem>>)
      %dma_wait3A_153 = arith.constant 600 : i32
      %dma_wait3A_154 = arith.constant 0 : i32
      %dma_wait3A_155 = tpu.memref_slice %arg6[%dma_wait3A_153, %dma_wait3A_154] : memref<800x64xf32, #tpu.memory_space<vmem>> -> memref<104x64xf32, #tpu.memory_space<vmem>>
      %dma_wait3A_156 = arith.constant 0 : i32
      %dma_wait3A_157 = tpu.memref_slice %arg5[%add3A_81, %dma_wait3A_156] : memref<32x200xi32, #tpu.memory_space<vmem>> -> memref<1x104xi32, #tpu.memory_space<vmem>>
      %dma_wait3A_158 = tpu.memref_squeeze %dma_wait3A_157 : memref<1x104xi32, #tpu.memory_space<vmem>> -> memref<104xi32, #tpu.memory_space<vmem>>
      %dma_wait3A_159 = arith.constant 0 : i32
      %dma_wait3A_160 = arith.constant 0 : i32
      %dma_wait3A_161 = tpu.memref_slice %arg2[%dma_wait3A_159, %dma_wait3A_160] : memref<100000x64xf32, #tpu.memory_space<hbm>> -> memref<100000x64xf32, #tpu.memory_space<hbm>>
      tpu.wait_indirect_dma semaphore(%arg7 : memref<!tpu.dma_semaphore, #tpu.memory_space<semaphore_mem>>) src(%dma_wait3A_161 : memref<100000x64xf32, #tpu.memory_space<hbm>>) dst(%dma_wait3A_155 : memref<104x64xf32, #tpu.memory_space<vmem>>)
      %dma_wait3A_162 = arith.constant 704 : i32
      %dma_wait3A_163 = arith.constant 0 : i32
      %dma_wait3A_164 = tpu.memref_slice %arg6[%dma_wait3A_162, %dma_wait3A_163] : memref<800x64xf32, #tpu.memory_space<vmem>> -> memref<96x64xf32, #tpu.memory_space<vmem>>
      %dma_wait3A_165 = arith.constant 104 : i32
      %dma_wait3A_166 = tpu.memref_slice %arg5[%add3A_81, %dma_wait3A_165] : memref<32x200xi32, #tpu.memory_space<vmem>> -> memref<1x96xi32, #tpu.memory_space<vmem>>
      %dma_wait3A_167 = tpu.memref_squeeze %dma_wait3A_166 : memref<1x96xi32, #tpu.memory_space<vmem>> -> memref<96xi32, #tpu.memory_space<vmem>>
      %dma_wait3A_168 = arith.constant 0 : i32
      %dma_wait3A_169 = arith.constant 0 : i32
      %dma_wait3A_170 = tpu.memref_slice %arg2[%dma_wait3A_168, %dma_wait3A_169] : memref<100000x64xf32, #tpu.memory_space<hbm>> -> memref<100000x64xf32, #tpu.memory_space<hbm>>
      tpu.wait_indirect_dma semaphore(%arg7 : memref<!tpu.dma_semaphore, #tpu.memory_space<semaphore_mem>>) src(%dma_wait3A_170 : memref<100000x64xf32, #tpu.memory_space<hbm>>) dst(%dma_wait3A_164 : memref<96x64xf32, #tpu.memory_space<vmem>>)
      %mul3A_171 = arith.constant 800 : i32
      %mul3A_172 = arith.muli %scan3A_12, %mul3A_171 : i32
      %add3A_173 = arith.addi %mul3A_2, %mul3A_172 : i32
      "tpu.region"() ({
        %run_scoped3A = tpu.sem_alloc : memref<!tpu.dma_semaphore, #tpu.memory_space<semaphore_mem>>
        %dma_start3A_174 = arith.constant 0 : i32
        %dma_start3A_175 = tpu.memref_slice %arg4[%add3A_173, %dma_start3A_174] : memref<204800x64xf32, #tpu.memory_space<hbm>> -> memref<800x64xf32, #tpu.memory_space<hbm>>
        %dma_start3A_176 = arith.constant 0 : i32
        %dma_start3A_177 = tpu.memref_slice %arg4[%add3A_173, %dma_start3A_176] : memref<204800x64xf32, #tpu.memory_space<hbm>> -> memref<800x64xf32, #tpu.memory_space<hbm>>
        tpu.enqueue_dma source(%arg6 : memref<800x64xf32, #tpu.memory_space<vmem>>) target(%dma_start3A_177 : memref<800x64xf32, #tpu.memory_space<hbm>>) target_semaphore(%run_scoped3A : memref<!tpu.dma_semaphore, #tpu.memory_space<semaphore_mem>>)
        %dma_wait3A_178 = arith.constant 0 : i32
        %dma_wait3A_179 = tpu.memref_slice %arg4[%add3A_173, %dma_wait3A_178] : memref<204800x64xf32, #tpu.memory_space<hbm>> -> memref<800x64xf32, #tpu.memory_space<hbm>>
        %dma_wait3A_180 = arith.constant 0 : i32
        %dma_wait3A_181 = tpu.memref_slice %arg4[%add3A_173, %dma_wait3A_180] : memref<204800x64xf32, #tpu.memory_space<hbm>> -> memref<800x64xf32, #tpu.memory_space<hbm>>
        tpu.wait_dma2 semaphore(%run_scoped3A : memref<!tpu.dma_semaphore, #tpu.memory_space<semaphore_mem>>) src(%arg6 : memref<800x64xf32, #tpu.memory_space<vmem>>) dst(%dma_wait3A_181 : memref<800x64xf32, #tpu.memory_space<hbm>>)
        tpu.yield
      }) : () -> ()
    }
    %scan3A_11 = arith.constant 8 : i32
    return
  }
}

#map = affine_map<(d0, d1) -> (0, 0)>
module attributes {stable_mosaic.version = 14 : i64} {
  func.func @k(%arg0: i32, %arg1: i32, %arg2: memref<100000x64xf32, #tpu.memory_space<hbm>>, %arg3: memref<4096x200xi32, #tpu.memory_space<hbm>>, %arg4: memref<204800x64xf32, #tpu.memory_space<hbm>>, %arg5: memref<32x200xi32, #tpu.memory_space<vmem>>, %arg6: memref<800x64xf32, #tpu.memory_space<vmem>>, %arg7: memref<!tpu.dma_semaphore, #tpu.memory_space<semaphore_mem>>) attributes {dimension_semantics = [#tpu.dimension_semantics<core_parallel>, #tpu.dimension_semantics<subcore_parallel>], iteration_bounds = array<i64: 2, 16>, scalar_prefetch = 0 : i64, scratch_operands = 3 : i64, tpu.core_type = #tpu.core_type<sc_vector_subcore>, window_params = [{transform_indices = #map}, {transform_indices = #map}, {transform_indices = #map}]} {
    %mul3A = arith.constant 2 : i32
    %mul3A_0 = arith.muli %arg1, %mul3A : i32
    %add3A = arith.addi %mul3A_0, %arg0 : i32
    %mul3A_1 = arith.constant 6400 : i32
    %mul3A_2 = arith.muli %add3A, %mul3A_1 : i32
    %mul3A_3 = arith.constant 32 : i32
    %mul3A_4 = arith.muli %add3A, %mul3A_3 : i32
    %add3A_5 = arith.constant 2048 : i32
    %add3A_6 = arith.addi %add3A_5, %mul3A_4 : i32
    "tpu.region"() ({
      %run_scoped3A = tpu.sem_alloc : memref<!tpu.dma_semaphore, #tpu.memory_space<semaphore_mem>>
      %dma_start3A = arith.constant 0 : i32
      %dma_start3A_12 = tpu.memref_slice %arg3[%add3A_6, %dma_start3A] : memref<4096x200xi32, #tpu.memory_space<hbm>> -> memref<32x200xi32, #tpu.memory_space<hbm>>
      %dma_start3A_13 = arith.constant 0 : i32
      %dma_start3A_14 = tpu.memref_slice %arg3[%add3A_6, %dma_start3A_13] : memref<4096x200xi32, #tpu.memory_space<hbm>> -> memref<32x200xi32, #tpu.memory_space<hbm>>
      tpu.enqueue_dma source(%dma_start3A_14 : memref<32x200xi32, #tpu.memory_space<hbm>>) target(%arg5 : memref<32x200xi32, #tpu.memory_space<vmem>>) target_semaphore(%run_scoped3A : memref<!tpu.dma_semaphore, #tpu.memory_space<semaphore_mem>>)
      %dma_wait3A = arith.constant 0 : i32
      %dma_wait3A_15 = tpu.memref_slice %arg3[%add3A_6, %dma_wait3A] : memref<4096x200xi32, #tpu.memory_space<hbm>> -> memref<32x200xi32, #tpu.memory_space<hbm>>
      %dma_wait3A_16 = arith.constant 0 : i32
      %dma_wait3A_17 = tpu.memref_slice %arg3[%add3A_6, %dma_wait3A_16] : memref<4096x200xi32, #tpu.memory_space<hbm>> -> memref<32x200xi32, #tpu.memory_space<hbm>>
      tpu.wait_dma2 semaphore(%run_scoped3A : memref<!tpu.dma_semaphore, #tpu.memory_space<semaphore_mem>>) src(%dma_wait3A_17 : memref<32x200xi32, #tpu.memory_space<hbm>>) dst(%arg5 : memref<32x200xi32, #tpu.memory_space<vmem>>)
      tpu.yield
    }) : () -> ()
    %scan3A = arith.constant 0 : i32
    %scan3A_7 = arith.constant 0 : i32
    %scan3A_8 = arith.constant 8 : i32
    %scan3A_9 = arith.addi %scan3A_7, %scan3A_8 : i32
    %scan3A_10 = arith.constant 1 : i32
    scf.for %scan3A_12 = %scan3A_7 to %scan3A_9 step %scan3A_10  : i32 {
      %mul3A_13 = arith.constant 4 : i32
      %mul3A_14 = arith.muli %scan3A_12, %mul3A_13 : i32
      %add3A_15 = arith.constant 0 : i32
      %add3A_16 = arith.addi %mul3A_14, %add3A_15 : i32
      %dma_start3A = arith.constant 0 : i32
      %dma_start3A_17 = arith.constant 0 : i32
      %dma_start3A_18 = tpu.memref_slice %arg6[%dma_start3A, %dma_start3A_17] : memref<800x64xf32, #tpu.memory_space<vmem>> -> memref<104x64xf32, #tpu.memory_space<vmem>>
      %dma_start3A_19 = arith.constant 0 : i32
      %dma_start3A_20 = tpu.memref_slice %arg5[%add3A_16, %dma_start3A_19] : memref<32x200xi32, #tpu.memory_space<vmem>> -> memref<1x104xi32, #tpu.memory_space<vmem>>
      %dma_start3A_21 = tpu.memref_squeeze %dma_start3A_20 : memref<1x104xi32, #tpu.memory_space<vmem>> -> memref<104xi32, #tpu.memory_space<vmem>>
      %dma_start3A_22 = arith.constant 0 : i32
      %dma_start3A_23 = arith.constant 0 : i32
      %dma_start3A_24 = tpu.memref_slice %arg2[%dma_start3A_22, %dma_start3A_23] : memref<100000x64xf32, #tpu.memory_space<hbm>> -> memref<100000x64xf32, #tpu.memory_space<hbm>>
      tpu.enqueue_indirect_dma source(%dma_start3A_24 : memref<100000x64xf32, #tpu.memory_space<hbm>>) target(%dma_start3A_18 : memref<104x64xf32, #tpu.memory_space<vmem>>) offsets(%dma_start3A_21 : memref<104xi32, #tpu.memory_space<vmem>>) semaphore(%arg7 : memref<!tpu.dma_semaphore, #tpu.memory_space<semaphore_mem>>)
      %dma_start3A_25 = arith.constant 104 : i32
      %dma_start3A_26 = arith.constant 0 : i32
      %dma_start3A_27 = tpu.memref_slice %arg6[%dma_start3A_25, %dma_start3A_26] : memref<800x64xf32, #tpu.memory_space<vmem>> -> memref<96x64xf32, #tpu.memory_space<vmem>>
      %dma_start3A_28 = arith.constant 104 : i32
      %dma_start3A_29 = tpu.memref_slice %arg5[%add3A_16, %dma_start3A_28] : memref<32x200xi32, #tpu.memory_space<vmem>> -> memref<1x96xi32, #tpu.memory_space<vmem>>
      %dma_start3A_30 = tpu.memref_squeeze %dma_start3A_29 : memref<1x96xi32, #tpu.memory_space<vmem>> -> memref<96xi32, #tpu.memory_space<vmem>>
      %dma_start3A_31 = arith.constant 0 : i32
      %dma_start3A_32 = arith.constant 0 : i32
      %dma_start3A_33 = tpu.memref_slice %arg2[%dma_start3A_31, %dma_start3A_32] : memref<100000x64xf32, #tpu.memory_space<hbm>> -> memref<100000x64xf32, #tpu.memory_space<hbm>>
      tpu.enqueue_indirect_dma source(%dma_start3A_33 : memref<100000x64xf32, #tpu.memory_space<hbm>>) target(%dma_start3A_27 : memref<96x64xf32, #tpu.memory_space<vmem>>) offsets(%dma_start3A_30 : memref<96xi32, #tpu.memory_space<vmem>>) semaphore(%arg7 : memref<!tpu.dma_semaphore, #tpu.memory_space<semaphore_mem>>)
      %mul3A_34 = arith.constant 4 : i32
      %mul3A_35 = arith.muli %scan3A_12, %mul3A_34 : i32
      %add3A_36 = arith.constant 1 : i32
      %add3A_37 = arith.addi %mul3A_35, %add3A_36 : i32
      %dma_start3A_38 = arith.constant 200 : i32
      %dma_start3A_39 = arith.constant 0 : i32
      %dma_start3A_40 = tpu.memref_slice %arg6[%dma_start3A_38, %dma_start3A_39] : memref<800x64xf32, #tpu.memory_space<vmem>> -> memref<104x64xf32, #tpu.memory_space<vmem>>
      %dma_start3A_41 = arith.constant 0 : i32
      %dma_start3A_42 = tpu.memref_slice %arg5[%add3A_37, %dma_start3A_41] : memref<32x200xi32, #tpu.memory_space<vmem>> -> memref<1x104xi32, #tpu.memory_space<vmem>>
      %dma_start3A_43 = tpu.memref_squeeze %dma_start3A_42 : memref<1x104xi32, #tpu.memory_space<vmem>> -> memref<104xi32, #tpu.memory_space<vmem>>
      %dma_start3A_44 = arith.constant 0 : i32
      %dma_start3A_45 = arith.constant 0 : i32
      %dma_start3A_46 = tpu.memref_slice %arg2[%dma_start3A_44, %dma_start3A_45] : memref<100000x64xf32, #tpu.memory_space<hbm>> -> memref<100000x64xf32, #tpu.memory_space<hbm>>
      tpu.enqueue_indirect_dma source(%dma_start3A_46 : memref<100000x64xf32, #tpu.memory_space<hbm>>) target(%dma_start3A_40 : memref<104x64xf32, #tpu.memory_space<vmem>>) offsets(%dma_start3A_43 : memref<104xi32, #tpu.memory_space<vmem>>) semaphore(%arg7 : memref<!tpu.dma_semaphore, #tpu.memory_space<semaphore_mem>>)
      %dma_start3A_47 = arith.constant 304 : i32
      %dma_start3A_48 = arith.constant 0 : i32
      %dma_start3A_49 = tpu.memref_slice %arg6[%dma_start3A_47, %dma_start3A_48] : memref<800x64xf32, #tpu.memory_space<vmem>> -> memref<96x64xf32, #tpu.memory_space<vmem>>
      %dma_start3A_50 = arith.constant 104 : i32
      %dma_start3A_51 = tpu.memref_slice %arg5[%add3A_37, %dma_start3A_50] : memref<32x200xi32, #tpu.memory_space<vmem>> -> memref<1x96xi32, #tpu.memory_space<vmem>>
      %dma_start3A_52 = tpu.memref_squeeze %dma_start3A_51 : memref<1x96xi32, #tpu.memory_space<vmem>> -> memref<96xi32, #tpu.memory_space<vmem>>
      %dma_start3A_53 = arith.constant 0 : i32
      %dma_start3A_54 = arith.constant 0 : i32
      %dma_start3A_55 = tpu.memref_slice %arg2[%dma_start3A_53, %dma_start3A_54] : memref<100000x64xf32, #tpu.memory_space<hbm>> -> memref<100000x64xf32, #tpu.memory_space<hbm>>
      tpu.enqueue_indirect_dma source(%dma_start3A_55 : memref<100000x64xf32, #tpu.memory_space<hbm>>) target(%dma_start3A_49 : memref<96x64xf32, #tpu.memory_space<vmem>>) offsets(%dma_start3A_52 : memref<96xi32, #tpu.memory_space<vmem>>) semaphore(%arg7 : memref<!tpu.dma_semaphore, #tpu.memory_space<semaphore_mem>>)
      %mul3A_56 = arith.constant 4 : i32
      %mul3A_57 = arith.muli %scan3A_12, %mul3A_56 : i32
      %add3A_58 = arith.constant 2 : i32
      %add3A_59 = arith.addi %mul3A_57, %add3A_58 : i32
      %dma_start3A_60 = arith.constant 400 : i32
      %dma_start3A_61 = arith.constant 0 : i32
      %dma_start3A_62 = tpu.memref_slice %arg6[%dma_start3A_60, %dma_start3A_61] : memref<800x64xf32, #tpu.memory_space<vmem>> -> memref<104x64xf32, #tpu.memory_space<vmem>>
      %dma_start3A_63 = arith.constant 0 : i32
      %dma_start3A_64 = tpu.memref_slice %arg5[%add3A_59, %dma_start3A_63] : memref<32x200xi32, #tpu.memory_space<vmem>> -> memref<1x104xi32, #tpu.memory_space<vmem>>
      %dma_start3A_65 = tpu.memref_squeeze %dma_start3A_64 : memref<1x104xi32, #tpu.memory_space<vmem>> -> memref<104xi32, #tpu.memory_space<vmem>>
      %dma_start3A_66 = arith.constant 0 : i32
      %dma_start3A_67 = arith.constant 0 : i32
      %dma_start3A_68 = tpu.memref_slice %arg2[%dma_start3A_66, %dma_start3A_67] : memref<100000x64xf32, #tpu.memory_space<hbm>> -> memref<100000x64xf32, #tpu.memory_space<hbm>>
      tpu.enqueue_indirect_dma source(%dma_start3A_68 : memref<100000x64xf32, #tpu.memory_space<hbm>>) target(%dma_start3A_62 : memref<104x64xf32, #tpu.memory_space<vmem>>) offsets(%dma_start3A_65 : memref<104xi32, #tpu.memory_space<vmem>>) semaphore(%arg7 : memref<!tpu.dma_semaphore, #tpu.memory_space<semaphore_mem>>)
      %dma_start3A_69 = arith.constant 504 : i32
      %dma_start3A_70 = arith.constant 0 : i32
      %dma_start3A_71 = tpu.memref_slice %arg6[%dma_start3A_69, %dma_start3A_70] : memref<800x64xf32, #tpu.memory_space<vmem>> -> memref<96x64xf32, #tpu.memory_space<vmem>>
      %dma_start3A_72 = arith.constant 104 : i32
      %dma_start3A_73 = tpu.memref_slice %arg5[%add3A_59, %dma_start3A_72] : memref<32x200xi32, #tpu.memory_space<vmem>> -> memref<1x96xi32, #tpu.memory_space<vmem>>
      %dma_start3A_74 = tpu.memref_squeeze %dma_start3A_73 : memref<1x96xi32, #tpu.memory_space<vmem>> -> memref<96xi32, #tpu.memory_space<vmem>>
      %dma_start3A_75 = arith.constant 0 : i32
      %dma_start3A_76 = arith.constant 0 : i32
      %dma_start3A_77 = tpu.memref_slice %arg2[%dma_start3A_75, %dma_start3A_76] : memref<100000x64xf32, #tpu.memory_space<hbm>> -> memref<100000x64xf32, #tpu.memory_space<hbm>>
      tpu.enqueue_indirect_dma source(%dma_start3A_77 : memref<100000x64xf32, #tpu.memory_space<hbm>>) target(%dma_start3A_71 : memref<96x64xf32, #tpu.memory_space<vmem>>) offsets(%dma_start3A_74 : memref<96xi32, #tpu.memory_space<vmem>>) semaphore(%arg7 : memref<!tpu.dma_semaphore, #tpu.memory_space<semaphore_mem>>)
      %mul3A_78 = arith.constant 4 : i32
      %mul3A_79 = arith.muli %scan3A_12, %mul3A_78 : i32
      %add3A_80 = arith.constant 3 : i32
      %add3A_81 = arith.addi %mul3A_79, %add3A_80 : i32
      %dma_start3A_82 = arith.constant 600 : i32
      %dma_start3A_83 = arith.constant 0 : i32
      %dma_start3A_84 = tpu.memref_slice %arg6[%dma_start3A_82, %dma_start3A_83] : memref<800x64xf32, #tpu.memory_space<vmem>> -> memref<104x64xf32, #tpu.memory_space<vmem>>
      %dma_start3A_85 = arith.constant 0 : i32
      %dma_start3A_86 = tpu.memref_slice %arg5[%add3A_81, %dma_start3A_85] : memref<32x200xi32, #tpu.memory_space<vmem>> -> memref<1x104xi32, #tpu.memory_space<vmem>>
      %dma_start3A_87 = tpu.memref_squeeze %dma_start3A_86 : memref<1x104xi32, #tpu.memory_space<vmem>> -> memref<104xi32, #tpu.memory_space<vmem>>
      %dma_start3A_88 = arith.constant 0 : i32
      %dma_start3A_89 = arith.constant 0 : i32
      %dma_start3A_90 = tpu.memref_slice %arg2[%dma_start3A_88, %dma_start3A_89] : memref<100000x64xf32, #tpu.memory_space<hbm>> -> memref<100000x64xf32, #tpu.memory_space<hbm>>
      tpu.enqueue_indirect_dma source(%dma_start3A_90 : memref<100000x64xf32, #tpu.memory_space<hbm>>) target(%dma_start3A_84 : memref<104x64xf32, #tpu.memory_space<vmem>>) offsets(%dma_start3A_87 : memref<104xi32, #tpu.memory_space<vmem>>) semaphore(%arg7 : memref<!tpu.dma_semaphore, #tpu.memory_space<semaphore_mem>>)
      %dma_start3A_91 = arith.constant 704 : i32
      %dma_start3A_92 = arith.constant 0 : i32
      %dma_start3A_93 = tpu.memref_slice %arg6[%dma_start3A_91, %dma_start3A_92] : memref<800x64xf32, #tpu.memory_space<vmem>> -> memref<96x64xf32, #tpu.memory_space<vmem>>
      %dma_start3A_94 = arith.constant 104 : i32
      %dma_start3A_95 = tpu.memref_slice %arg5[%add3A_81, %dma_start3A_94] : memref<32x200xi32, #tpu.memory_space<vmem>> -> memref<1x96xi32, #tpu.memory_space<vmem>>
      %dma_start3A_96 = tpu.memref_squeeze %dma_start3A_95 : memref<1x96xi32, #tpu.memory_space<vmem>> -> memref<96xi32, #tpu.memory_space<vmem>>
      %dma_start3A_97 = arith.constant 0 : i32
      %dma_start3A_98 = arith.constant 0 : i32
      %dma_start3A_99 = tpu.memref_slice %arg2[%dma_start3A_97, %dma_start3A_98] : memref<100000x64xf32, #tpu.memory_space<hbm>> -> memref<100000x64xf32, #tpu.memory_space<hbm>>
      tpu.enqueue_indirect_dma source(%dma_start3A_99 : memref<100000x64xf32, #tpu.memory_space<hbm>>) target(%dma_start3A_93 : memref<96x64xf32, #tpu.memory_space<vmem>>) offsets(%dma_start3A_96 : memref<96xi32, #tpu.memory_space<vmem>>) semaphore(%arg7 : memref<!tpu.dma_semaphore, #tpu.memory_space<semaphore_mem>>)
      %dma_wait3A = arith.constant 0 : i32
      %dma_wait3A_100 = arith.constant 0 : i32
      %dma_wait3A_101 = tpu.memref_slice %arg6[%dma_wait3A, %dma_wait3A_100] : memref<800x64xf32, #tpu.memory_space<vmem>> -> memref<104x64xf32, #tpu.memory_space<vmem>>
      %dma_wait3A_102 = arith.constant 0 : i32
      %dma_wait3A_103 = tpu.memref_slice %arg5[%add3A_16, %dma_wait3A_102] : memref<32x200xi32, #tpu.memory_space<vmem>> -> memref<1x104xi32, #tpu.memory_space<vmem>>
      %dma_wait3A_104 = tpu.memref_squeeze %dma_wait3A_103 : memref<1x104xi32, #tpu.memory_space<vmem>> -> memref<104xi32, #tpu.memory_space<vmem>>
      %dma_wait3A_105 = arith.constant 0 : i32
      %dma_wait3A_106 = arith.constant 0 : i32
      %dma_wait3A_107 = tpu.memref_slice %arg2[%dma_wait3A_105, %dma_wait3A_106] : memref<100000x64xf32, #tpu.memory_space<hbm>> -> memref<100000x64xf32, #tpu.memory_space<hbm>>
      tpu.wait_indirect_dma semaphore(%arg7 : memref<!tpu.dma_semaphore, #tpu.memory_space<semaphore_mem>>) src(%dma_wait3A_107 : memref<100000x64xf32, #tpu.memory_space<hbm>>) dst(%dma_wait3A_101 : memref<104x64xf32, #tpu.memory_space<vmem>>)
      %dma_wait3A_108 = arith.constant 104 : i32
      %dma_wait3A_109 = arith.constant 0 : i32
      %dma_wait3A_110 = tpu.memref_slice %arg6[%dma_wait3A_108, %dma_wait3A_109] : memref<800x64xf32, #tpu.memory_space<vmem>> -> memref<96x64xf32, #tpu.memory_space<vmem>>
      %dma_wait3A_111 = arith.constant 104 : i32
      %dma_wait3A_112 = tpu.memref_slice %arg5[%add3A_16, %dma_wait3A_111] : memref<32x200xi32, #tpu.memory_space<vmem>> -> memref<1x96xi32, #tpu.memory_space<vmem>>
      %dma_wait3A_113 = tpu.memref_squeeze %dma_wait3A_112 : memref<1x96xi32, #tpu.memory_space<vmem>> -> memref<96xi32, #tpu.memory_space<vmem>>
      %dma_wait3A_114 = arith.constant 0 : i32
      %dma_wait3A_115 = arith.constant 0 : i32
      %dma_wait3A_116 = tpu.memref_slice %arg2[%dma_wait3A_114, %dma_wait3A_115] : memref<100000x64xf32, #tpu.memory_space<hbm>> -> memref<100000x64xf32, #tpu.memory_space<hbm>>
      tpu.wait_indirect_dma semaphore(%arg7 : memref<!tpu.dma_semaphore, #tpu.memory_space<semaphore_mem>>) src(%dma_wait3A_116 : memref<100000x64xf32, #tpu.memory_space<hbm>>) dst(%dma_wait3A_110 : memref<96x64xf32, #tpu.memory_space<vmem>>)
      %dma_wait3A_117 = arith.constant 200 : i32
      %dma_wait3A_118 = arith.constant 0 : i32
      %dma_wait3A_119 = tpu.memref_slice %arg6[%dma_wait3A_117, %dma_wait3A_118] : memref<800x64xf32, #tpu.memory_space<vmem>> -> memref<104x64xf32, #tpu.memory_space<vmem>>
      %dma_wait3A_120 = arith.constant 0 : i32
      %dma_wait3A_121 = tpu.memref_slice %arg5[%add3A_37, %dma_wait3A_120] : memref<32x200xi32, #tpu.memory_space<vmem>> -> memref<1x104xi32, #tpu.memory_space<vmem>>
      %dma_wait3A_122 = tpu.memref_squeeze %dma_wait3A_121 : memref<1x104xi32, #tpu.memory_space<vmem>> -> memref<104xi32, #tpu.memory_space<vmem>>
      %dma_wait3A_123 = arith.constant 0 : i32
      %dma_wait3A_124 = arith.constant 0 : i32
      %dma_wait3A_125 = tpu.memref_slice %arg2[%dma_wait3A_123, %dma_wait3A_124] : memref<100000x64xf32, #tpu.memory_space<hbm>> -> memref<100000x64xf32, #tpu.memory_space<hbm>>
      tpu.wait_indirect_dma semaphore(%arg7 : memref<!tpu.dma_semaphore, #tpu.memory_space<semaphore_mem>>) src(%dma_wait3A_125 : memref<100000x64xf32, #tpu.memory_space<hbm>>) dst(%dma_wait3A_119 : memref<104x64xf32, #tpu.memory_space<vmem>>)
      %dma_wait3A_126 = arith.constant 304 : i32
      %dma_wait3A_127 = arith.constant 0 : i32
      %dma_wait3A_128 = tpu.memref_slice %arg6[%dma_wait3A_126, %dma_wait3A_127] : memref<800x64xf32, #tpu.memory_space<vmem>> -> memref<96x64xf32, #tpu.memory_space<vmem>>
      %dma_wait3A_129 = arith.constant 104 : i32
      %dma_wait3A_130 = tpu.memref_slice %arg5[%add3A_37, %dma_wait3A_129] : memref<32x200xi32, #tpu.memory_space<vmem>> -> memref<1x96xi32, #tpu.memory_space<vmem>>
      %dma_wait3A_131 = tpu.memref_squeeze %dma_wait3A_130 : memref<1x96xi32, #tpu.memory_space<vmem>> -> memref<96xi32, #tpu.memory_space<vmem>>
      %dma_wait3A_132 = arith.constant 0 : i32
      %dma_wait3A_133 = arith.constant 0 : i32
      %dma_wait3A_134 = tpu.memref_slice %arg2[%dma_wait3A_132, %dma_wait3A_133] : memref<100000x64xf32, #tpu.memory_space<hbm>> -> memref<100000x64xf32, #tpu.memory_space<hbm>>
      tpu.wait_indirect_dma semaphore(%arg7 : memref<!tpu.dma_semaphore, #tpu.memory_space<semaphore_mem>>) src(%dma_wait3A_134 : memref<100000x64xf32, #tpu.memory_space<hbm>>) dst(%dma_wait3A_128 : memref<96x64xf32, #tpu.memory_space<vmem>>)
      %dma_wait3A_135 = arith.constant 400 : i32
      %dma_wait3A_136 = arith.constant 0 : i32
      %dma_wait3A_137 = tpu.memref_slice %arg6[%dma_wait3A_135, %dma_wait3A_136] : memref<800x64xf32, #tpu.memory_space<vmem>> -> memref<104x64xf32, #tpu.memory_space<vmem>>
      %dma_wait3A_138 = arith.constant 0 : i32
      %dma_wait3A_139 = tpu.memref_slice %arg5[%add3A_59, %dma_wait3A_138] : memref<32x200xi32, #tpu.memory_space<vmem>> -> memref<1x104xi32, #tpu.memory_space<vmem>>
      %dma_wait3A_140 = tpu.memref_squeeze %dma_wait3A_139 : memref<1x104xi32, #tpu.memory_space<vmem>> -> memref<104xi32, #tpu.memory_space<vmem>>
      %dma_wait3A_141 = arith.constant 0 : i32
      %dma_wait3A_142 = arith.constant 0 : i32
      %dma_wait3A_143 = tpu.memref_slice %arg2[%dma_wait3A_141, %dma_wait3A_142] : memref<100000x64xf32, #tpu.memory_space<hbm>> -> memref<100000x64xf32, #tpu.memory_space<hbm>>
      tpu.wait_indirect_dma semaphore(%arg7 : memref<!tpu.dma_semaphore, #tpu.memory_space<semaphore_mem>>) src(%dma_wait3A_143 : memref<100000x64xf32, #tpu.memory_space<hbm>>) dst(%dma_wait3A_137 : memref<104x64xf32, #tpu.memory_space<vmem>>)
      %dma_wait3A_144 = arith.constant 504 : i32
      %dma_wait3A_145 = arith.constant 0 : i32
      %dma_wait3A_146 = tpu.memref_slice %arg6[%dma_wait3A_144, %dma_wait3A_145] : memref<800x64xf32, #tpu.memory_space<vmem>> -> memref<96x64xf32, #tpu.memory_space<vmem>>
      %dma_wait3A_147 = arith.constant 104 : i32
      %dma_wait3A_148 = tpu.memref_slice %arg5[%add3A_59, %dma_wait3A_147] : memref<32x200xi32, #tpu.memory_space<vmem>> -> memref<1x96xi32, #tpu.memory_space<vmem>>
      %dma_wait3A_149 = tpu.memref_squeeze %dma_wait3A_148 : memref<1x96xi32, #tpu.memory_space<vmem>> -> memref<96xi32, #tpu.memory_space<vmem>>
      %dma_wait3A_150 = arith.constant 0 : i32
      %dma_wait3A_151 = arith.constant 0 : i32
      %dma_wait3A_152 = tpu.memref_slice %arg2[%dma_wait3A_150, %dma_wait3A_151] : memref<100000x64xf32, #tpu.memory_space<hbm>> -> memref<100000x64xf32, #tpu.memory_space<hbm>>
      tpu.wait_indirect_dma semaphore(%arg7 : memref<!tpu.dma_semaphore, #tpu.memory_space<semaphore_mem>>) src(%dma_wait3A_152 : memref<100000x64xf32, #tpu.memory_space<hbm>>) dst(%dma_wait3A_146 : memref<96x64xf32, #tpu.memory_space<vmem>>)
      %dma_wait3A_153 = arith.constant 600 : i32
      %dma_wait3A_154 = arith.constant 0 : i32
      %dma_wait3A_155 = tpu.memref_slice %arg6[%dma_wait3A_153, %dma_wait3A_154] : memref<800x64xf32, #tpu.memory_space<vmem>> -> memref<104x64xf32, #tpu.memory_space<vmem>>
      %dma_wait3A_156 = arith.constant 0 : i32
      %dma_wait3A_157 = tpu.memref_slice %arg5[%add3A_81, %dma_wait3A_156] : memref<32x200xi32, #tpu.memory_space<vmem>> -> memref<1x104xi32, #tpu.memory_space<vmem>>
      %dma_wait3A_158 = tpu.memref_squeeze %dma_wait3A_157 : memref<1x104xi32, #tpu.memory_space<vmem>> -> memref<104xi32, #tpu.memory_space<vmem>>
      %dma_wait3A_159 = arith.constant 0 : i32
      %dma_wait3A_160 = arith.constant 0 : i32
      %dma_wait3A_161 = tpu.memref_slice %arg2[%dma_wait3A_159, %dma_wait3A_160] : memref<100000x64xf32, #tpu.memory_space<hbm>> -> memref<100000x64xf32, #tpu.memory_space<hbm>>
      tpu.wait_indirect_dma semaphore(%arg7 : memref<!tpu.dma_semaphore, #tpu.memory_space<semaphore_mem>>) src(%dma_wait3A_161 : memref<100000x64xf32, #tpu.memory_space<hbm>>) dst(%dma_wait3A_155 : memref<104x64xf32, #tpu.memory_space<vmem>>)
      %dma_wait3A_162 = arith.constant 704 : i32
      %dma_wait3A_163 = arith.constant 0 : i32
      %dma_wait3A_164 = tpu.memref_slice %arg6[%dma_wait3A_162, %dma_wait3A_163] : memref<800x64xf32, #tpu.memory_space<vmem>> -> memref<96x64xf32, #tpu.memory_space<vmem>>
      %dma_wait3A_165 = arith.constant 104 : i32
      %dma_wait3A_166 = tpu.memref_slice %arg5[%add3A_81, %dma_wait3A_165] : memref<32x200xi32, #tpu.memory_space<vmem>> -> memref<1x96xi32, #tpu.memory_space<vmem>>
      %dma_wait3A_167 = tpu.memref_squeeze %dma_wait3A_166 : memref<1x96xi32, #tpu.memory_space<vmem>> -> memref<96xi32, #tpu.memory_space<vmem>>
      %dma_wait3A_168 = arith.constant 0 : i32
      %dma_wait3A_169 = arith.constant 0 : i32
      %dma_wait3A_170 = tpu.memref_slice %arg2[%dma_wait3A_168, %dma_wait3A_169] : memref<100000x64xf32, #tpu.memory_space<hbm>> -> memref<100000x64xf32, #tpu.memory_space<hbm>>
      tpu.wait_indirect_dma semaphore(%arg7 : memref<!tpu.dma_semaphore, #tpu.memory_space<semaphore_mem>>) src(%dma_wait3A_170 : memref<100000x64xf32, #tpu.memory_space<hbm>>) dst(%dma_wait3A_164 : memref<96x64xf32, #tpu.memory_space<vmem>>)
      %mul3A_171 = arith.constant 800 : i32
      %mul3A_172 = arith.muli %scan3A_12, %mul3A_171 : i32
      %add3A_173 = arith.addi %mul3A_2, %mul3A_172 : i32
      "tpu.region"() ({
        %run_scoped3A = tpu.sem_alloc : memref<!tpu.dma_semaphore, #tpu.memory_space<semaphore_mem>>
        %dma_start3A_174 = arith.constant 0 : i32
        %dma_start3A_175 = tpu.memref_slice %arg4[%add3A_173, %dma_start3A_174] : memref<204800x64xf32, #tpu.memory_space<hbm>> -> memref<800x64xf32, #tpu.memory_space<hbm>>
        %dma_start3A_176 = arith.constant 0 : i32
        %dma_start3A_177 = tpu.memref_slice %arg4[%add3A_173, %dma_start3A_176] : memref<204800x64xf32, #tpu.memory_space<hbm>> -> memref<800x64xf32, #tpu.memory_space<hbm>>
        tpu.enqueue_dma source(%arg6 : memref<800x64xf32, #tpu.memory_space<vmem>>) target(%dma_start3A_177 : memref<800x64xf32, #tpu.memory_space<hbm>>) target_semaphore(%run_scoped3A : memref<!tpu.dma_semaphore, #tpu.memory_space<semaphore_mem>>)
        %dma_wait3A_178 = arith.constant 0 : i32
        %dma_wait3A_179 = tpu.memref_slice %arg4[%add3A_173, %dma_wait3A_178] : memref<204800x64xf32, #tpu.memory_space<hbm>> -> memref<800x64xf32, #tpu.memory_space<hbm>>
        %dma_wait3A_180 = arith.constant 0 : i32
        %dma_wait3A_181 = tpu.memref_slice %arg4[%add3A_173, %dma_wait3A_180] : memref<204800x64xf32, #tpu.memory_space<hbm>> -> memref<800x64xf32, #tpu.memory_space<hbm>>
        tpu.wait_dma2 semaphore(%run_scoped3A : memref<!tpu.dma_semaphore, #tpu.memory_space<semaphore_mem>>) src(%arg6 : memref<800x64xf32, #tpu.memory_space<vmem>>) dst(%dma_wait3A_181 : memref<800x64xf32, #tpu.memory_space<hbm>>)
        tpu.yield
      }) : () -> ()
    }
    %scan3A_11 = arith.constant 8 : i32
    return
  }
}

module attributes {stable_mosaic.version = 14 : i64} {
  func.func @body(%arg0: i32, %arg1: memref<2000x64xf32, #tpu.memory_space<vmem>>, %arg2: memref<64x64xf32, #tpu.memory_space<vmem>>, %arg3: memref<1x64xf32, #tpu.memory_space<vmem>>, %arg4: memref<2000x64xf32, #tpu.memory_space<vmem>>) attributes {dimension_semantics = [#tpu.dimension_semantics<arbitrary>], iteration_bounds = array<i64: 50>, scalar_prefetch = 0 : i64, scratch_operands = 0 : i64, tpu.core_type = #tpu.core_type<tc>, window_params = [{transform_indices = @transform_0, window_bounds = array<i64: 2000, 64>}, {pipeline_mode = #tpu.pipeline_mode<synchronous>, transform_indices = @transform_1, window_bounds = array<i64: 64, 64>}, {pipeline_mode = #tpu.pipeline_mode<synchronous>, transform_indices = @transform_2, window_bounds = array<i64: 1, 64>}, {transform_indices = @transform_3, window_bounds = array<i64: 2000, 64>}]} {
    %get3A = arith.constant 0 : index
    %get3A_0 = arith.constant 0 : index
    %get3A_1 = vector.load %arg1[%get3A, %get3A_0] : memref<2000x64xf32, #tpu.memory_space<vmem>>, vector<2000x64xf32>
    %get3A_2 = arith.constant 0 : index
    %get3A_3 = arith.constant 0 : index
    %get3A_4 = vector.load %arg2[%get3A_2, %get3A_3] : memref<64x64xf32, #tpu.memory_space<vmem>>, vector<64x64xf32>
    %dot_general3A = arith.constant dense<0.000000e+00> : vector<2000x64xf32>
    %dot_general3A_5 = tpu.matmul %get3A_1, %get3A_4, %dot_general3A {dimension_numbers = #tpu.dot_dimension_numbers<[1], [0], [0], [1], [0, 0, 1, 1], [], []>, transpose_lhs_hint = false} : vector<2000x64xf32>, vector<64x64xf32>, vector<2000x64xf32> -> vector<2000x64xf32>
    %get3A_6 = arith.constant 0 : index
    %get3A_7 = arith.constant 0 : index
    %get3A_8 = vector.load %arg3[%get3A_6, %get3A_7] : memref<1x64xf32, #tpu.memory_space<vmem>>, vector<1x64xf32>
    %add3A = vector.broadcast %get3A_8 : vector<1x64xf32> to vector<2000x64xf32>
    %add3A_9 = arith.addf %dot_general3A_5, %add3A : vector<2000x64xf32>
    %swap3A = arith.constant 0 : index
    %swap3A_10 = arith.constant 0 : index
    %swap3A_11 = vector.load %arg4[%swap3A, %swap3A_10] : memref<2000x64xf32, #tpu.memory_space<vmem>>, vector<2000x64xf32>
    tpu.vector_store %arg4[%swap3A, %swap3A_10], %add3A_9 {strides = array<i32>} : memref<2000x64xf32, #tpu.memory_space<vmem>>, vector<2000x64xf32>,
    return
  }
  func.func @transform_0(%arg0: i32) -> (i32, i32) {
    %c0_i32 = arith.constant 0 : i32
    %c0_i32_0 = arith.constant 0 : i32
    return %arg0, %c0_i32 : i32, i32
  }
  func.func @transform_1(%arg0: i32) -> (i32, i32) {
    %c0_i32 = arith.constant 0 : i32
    %c0_i32_0 = arith.constant 0 : i32
    %c0_i32_1 = arith.constant 0 : i32
    return %c0_i32, %c0_i32_0 : i32, i32
  }
  func.func @transform_2(%arg0: i32) -> (i32, i32) {
    %c0_i32 = arith.constant 0 : i32
    %c0_i32_0 = arith.constant 0 : i32
    %c0_i32_1 = arith.constant 0 : i32
    return %c0_i32, %c0_i32_0 : i32, i32
  }
  func.func @transform_3(%arg0: i32) -> (i32, i32) {
    %c0_i32 = arith.constant 0 : i32
    %c0_i32_0 = arith.constant 0 : i32
    return %arg0, %c0_i32 : i32, i32
  }
}

module attributes {stable_mosaic.version = 14 : i64} {
  func.func @body(%arg0: i32, %arg1: memref<6400x128xf32, #tpu.memory_space<vmem>>, %arg2: memref<64x100xf32, #tpu.memory_space<vmem>>, %arg3: memref<64x100xf32, #tpu.memory_space<vmem>>, %arg4: memref<64x64xf32, #tpu.memory_space<vmem>>, %arg5: memref<1x128xf32, #tpu.memory_space<vmem>>, %arg6: memref<128x128xf32, #tpu.memory_space<vmem>>, %arg7: memref<1x128xf32, #tpu.memory_space<vmem>>, %arg8: memref<128x128xf32, #tpu.memory_space<vmem>>, %arg9: memref<64x128xf32, #tpu.memory_space<vmem>>, %arg10: memref<1x128xf32, #tpu.memory_space<vmem>>, %arg11: memref<128x128xf32, #tpu.memory_space<vmem>>, %arg12: memref<1x128xf32, #tpu.memory_space<vmem>>, %arg13: memref<128x128xf32, #tpu.memory_space<vmem>>, %arg14: memref<64x64xf32, #tpu.memory_space<vmem>>) attributes {dimension_semantics = [#tpu.dimension_semantics<arbitrary>], iteration_bounds = array<i64: 16>, scalar_prefetch = 0 : i64, scratch_operands = 0 : i64, tpu.core_type = #tpu.core_type<tc>, window_params = [{transform_indices = @transform_0, window_bounds = array<i64: 6400, 128>}, {transform_indices = @transform_1, window_bounds = array<i64: 64, 100>}, {transform_indices = @transform_2, window_bounds = array<i64: 64, 100>}, {transform_indices = @transform_3, window_bounds = array<i64: 64, 64>}, {pipeline_mode = #tpu.pipeline_mode<synchronous>, transform_indices = @transform_4, window_bounds = array<i64: 1, 128>}, {pipeline_mode = #tpu.pipeline_mode<synchronous>, transform_indices = @transform_5, window_bounds = array<i64: 128, 128>}, {pipeline_mode = #tpu.pipeline_mode<synchronous>, transform_indices = @transform_6, window_bounds = array<i64: 1, 128>}, {pipeline_mode = #tpu.pipeline_mode<synchronous>, transform_indices = @transform_7, window_bounds = array<i64: 128, 128>}, {pipeline_mode = #tpu.pipeline_mode<synchronous>, transform_indices = @transform_8, window_bounds = array<i64: 64, 128>}, {pipeline_mode = #tpu.pipeline_mode<synchronous>, transform_indices = @transform_9, window_bounds = array<i64: 1, 128>}, {pipeline_mode = #tpu.pipeline_mode<synchronous>, transform_indices = @transform_10, window_bounds = array<i64: 128, 128>}, {pipeline_mode = #tpu.pipeline_mode<synchronous>, transform_indices = @transform_11, window_bounds = array<i64: 1, 128>}, {pipeline_mode = #tpu.pipeline_mode<synchronous>, transform_indices = @transform_12, window_bounds = array<i64: 128, 128>}, {transform_indices = @transform_13, window_bounds = array<i64: 64, 64>}]} {
    %get3A = arith.constant 0 : index
    %get3A_0 = arith.constant 0 : index
    %get3A_1 = vector.load %arg1[%get3A, %get3A_0] : memref<6400x128xf32, #tpu.memory_space<vmem>>, vector<6400x128xf32>
    %get3A_2 = arith.constant 0 : index
    %get3A_3 = arith.constant 0 : index
    %get3A_4 = vector.load %arg2[%get3A_2, %get3A_3] : memref<64x100xf32, #tpu.memory_space<vmem>>, vector<64x100xf32>
    %broadcast_in_dim3A = vector.shape_cast %get3A_4 : vector<64x100xf32> to vector<64x100x1xf32>
    %broadcast_in_dim3A_5 = vector.shape_cast %broadcast_in_dim3A : vector<64x100x1xf32> to vector<64x100x1xf32>
    %broadcast_in_dim3A_6 = vector.broadcast %broadcast_in_dim3A_5 : vector<64x100x1xf32> to vector<64x100x64xf32>
    %get3A_7 = arith.constant 0 : index
    %get3A_8 = arith.constant 0 : index
    %get3A_9 = vector.load %arg3[%get3A_7, %get3A_8] : memref<64x100xf32, #tpu.memory_space<vmem>>, vector<64x100xf32>
    %broadcast_in_dim3A_10 = vector.shape_cast %get3A_9 : vector<64x100xf32> to vector<64x100x1xf32>
    %broadcast_in_dim3A_11 = vector.shape_cast %broadcast_in_dim3A_10 : vector<64x100x1xf32> to vector<64x100x1xf32>
    %broadcast_in_dim3A_12 = vector.broadcast %broadcast_in_dim3A_11 : vector<64x100x1xf32> to vector<64x100x64xf32>
    %concatenate3A = tpu.concatenate %broadcast_in_dim3A_6, %broadcast_in_dim3A_12 in 2 : vector<64x100x64xf32>, vector<64x100x64xf32> -> vector<64x100x128xf32>
    %reshape3A = vector.shape_cast %concatenate3A : vector<64x100x128xf32> to vector<6400x128xf32>
    %get3A_13 = arith.constant 0 : index
    %get3A_14 = arith.constant 0 : index
    %get3A_15 = vector.load %arg5[%get3A_13, %get3A_14] : memref<1x128xf32, #tpu.memory_space<vmem>>, vector<1x128xf32>
    %mul3A = vector.broadcast %get3A_15 : vector<1x128xf32> to vector<6400x128xf32>
    %mul3A_16 = arith.mulf %reshape3A, %mul3A : vector<6400x128xf32>
    %add3A = arith.addf %get3A_1, %mul3A_16 : vector<6400x128xf32>
    %max3A = arith.constant 0.000000e+00 : f32
    %max3A_17 = vector.broadcast %max3A : f32 to vector<6400x128xf32>
    %max3A_18 = arith.maximumf %add3A, %max3A_17 : vector<6400x128xf32>
    %get3A_19 = arith.constant 0 : index
    %get3A_20 = arith.constant 0 : index
    %get3A_21 = vector.load %arg6[%get3A_19, %get3A_20] : memref<128x128xf32, #tpu.memory_space<vmem>>, vector<128x128xf32>
    %dot_general3A = arith.constant dense<0.000000e+00> : vector<6400x128xf32>
    %dot_general3A_22 = tpu.matmul %max3A_18, %get3A_21, %dot_general3A {dimension_numbers = #tpu.dot_dimension_numbers<[1], [0], [0], [1], [0, 0, 1, 1], [], []>, transpose_lhs_hint = false} : vector<6400x128xf32>, vector<128x128xf32>, vector<6400x128xf32> -> vector<6400x128xf32>
    %get3A_23 = arith.constant 0 : index
    %get3A_24 = arith.constant 0 : index
    %get3A_25 = vector.load %arg7[%get3A_23, %get3A_24] : memref<1x128xf32, #tpu.memory_space<vmem>>, vector<1x128xf32>
    %add3A_26 = vector.broadcast %get3A_25 : vector<1x128xf32> to vector<6400x128xf32>
    %add3A_27 = arith.addf %dot_general3A_22, %add3A_26 : vector<6400x128xf32>
    %max3A_28 = arith.constant 0.000000e+00 : f32
    %max3A_29 = vector.broadcast %max3A_28 : f32 to vector<6400x128xf32>
    %max3A_30 = arith.maximumf %add3A_27, %max3A_29 : vector<6400x128xf32>
    %get3A_31 = arith.constant 0 : index
    %get3A_32 = arith.constant 0 : index
    %get3A_33 = vector.load %arg4[%get3A_31, %get3A_32] : memref<64x64xf32, #tpu.memory_space<vmem>>, vector<64x64xf32>
    %get3A_34 = arith.constant 0 : index
    %get3A_35 = arith.constant 0 : index
    %get3A_36 = vector.load %arg9[%get3A_34, %get3A_35] : memref<64x128xf32, #tpu.memory_space<vmem>>, vector<64x128xf32>
    %dot_general3A_37 = arith.constant dense<0.000000e+00> : vector<64x128xf32>
    %dot_general3A_38 = tpu.matmul %get3A_33, %get3A_36, %dot_general3A_37 {dimension_numbers = #tpu.dot_dimension_numbers<[1], [0], [0], [1], [0, 0, 1, 1], [], []>, transpose_lhs_hint = false} : vector<64x64xf32>, vector<64x128xf32>, vector<64x128xf32> -> vector<64x128xf32>
    %get3A_39 = arith.constant 0 : index
    %get3A_40 = arith.constant 0 : index
    %get3A_41 = vector.load %arg10[%get3A_39, %get3A_40] : memref<1x128xf32, #tpu.memory_space<vmem>>, vector<1x128xf32>
    %add3A_42 = vector.broadcast %get3A_41 : vector<1x128xf32> to vector<64x128xf32>
    %add3A_43 = arith.addf %dot_general3A_38, %add3A_42 : vector<64x128xf32>
    %get3A_44 = arith.constant 0 : index
    %get3A_45 = arith.constant 0 : index
    %get3A_46 = vector.load %arg8[%get3A_44, %get3A_45] : memref<128x128xf32, #tpu.memory_space<vmem>>, vector<128x128xf32>
    %dot_general3A_47 = arith.constant dense<0.000000e+00> : vector<6400x128xf32>
    %dot_general3A_48 = tpu.matmul %max3A_30, %get3A_46, %dot_general3A_47 {dimension_numbers = #tpu.dot_dimension_numbers<[1], [0], [0], [1], [0, 0, 1, 1], [], []>, transpose_lhs_hint = false} : vector<6400x128xf32>, vector<128x128xf32>, vector<6400x128xf32> -> vector<6400x128xf32>
    %reshape3A_49 = vector.shape_cast %dot_general3A_48 : vector<6400x128xf32> to vector<64x100x128xf32>
    %broadcast_in_dim3A_50 = vector.shape_cast %add3A_43 : vector<64x128xf32> to vector<64x1x128xf32>
    %add3A_51 = vector.broadcast %broadcast_in_dim3A_50 : vector<64x1x128xf32> to vector<64x100x128xf32>
    %add3A_52 = arith.addf %reshape3A_49, %add3A_51 : vector<64x100x128xf32>
    %reshape3A_53 = vector.shape_cast %add3A_52 : vector<64x100x128xf32> to vector<6400x128xf32>
    %max3A_54 = arith.constant 0.000000e+00 : f32
    %max3A_55 = vector.broadcast %max3A_54 : f32 to vector<6400x128xf32>
    %max3A_56 = arith.maximumf %reshape3A_53, %max3A_55 : vector<6400x128xf32>
    %get3A_57 = arith.constant 0 : index
    %get3A_58 = arith.constant 0 : index
    %get3A_59 = vector.load %arg11[%get3A_57, %get3A_58] : memref<128x128xf32, #tpu.memory_space<vmem>>, vector<128x128xf32>
    %dot_general3A_60 = arith.constant dense<0.000000e+00> : vector<6400x128xf32>
    %dot_general3A_61 = tpu.matmul %max3A_56, %get3A_59, %dot_general3A_60 {dimension_numbers = #tpu.dot_dimension_numbers<[1], [0], [0], [1], [0, 0, 1, 1], [], []>, transpose_lhs_hint = false} : vector<6400x128xf32>, vector<128x128xf32>, vector<6400x128xf32> -> vector<6400x128xf32>
    %get3A_62 = arith.constant 0 : index
    %get3A_63 = arith.constant 0 : index
    %get3A_64 = vector.load %arg12[%get3A_62, %get3A_63] : memref<1x128xf32, #tpu.memory_space<vmem>>, vector<1x128xf32>
    %add3A_65 = vector.broadcast %get3A_64 : vector<1x128xf32> to vector<6400x128xf32>
    %add3A_66 = arith.addf %dot_general3A_61, %add3A_65 : vector<6400x128xf32>
    %max3A_67 = arith.constant 0.000000e+00 : f32
    %max3A_68 = vector.broadcast %max3A_67 : f32 to vector<6400x128xf32>
    %max3A_69 = arith.maximumf %add3A_66, %max3A_68 : vector<6400x128xf32>
    %get3A_70 = arith.constant 0 : index
    %get3A_71 = arith.constant 0 : index
    %get3A_72 = vector.load %arg13[%get3A_70, %get3A_71] : memref<128x128xf32, #tpu.memory_space<vmem>>, vector<128x128xf32>
    %dot_general3A_73 = arith.constant dense<0.000000e+00> : vector<6400x128xf32>
    %dot_general3A_74 = tpu.matmul %max3A_69, %get3A_72, %dot_general3A_73 {dimension_numbers = #tpu.dot_dimension_numbers<[1], [0], [0], [1], [0, 0, 1, 1], [], []>, transpose_lhs_hint = false} : vector<6400x128xf32>, vector<128x128xf32>, vector<6400x128xf32> -> vector<6400x128xf32>
    %reshape3A_75 = vector.shape_cast %dot_general3A_74 : vector<6400x128xf32> to vector<64x100x128xf32>
    %reduce_max3A = arith.constant dense<0xFF800000> : vector<64x128xf32>
    %reduce_max3A_76 = vector.multi_reduction <maximumf>, %reshape3A_75, %reduce_max3A [1] : vector<64x100x128xf32> to vector<64x128xf32>
    %reduce_max3A_77 = arith.constant dense<0xFF800000> : vector<64xf32>
    %reduce_max3A_78 = vector.multi_reduction <maximumf>, %reduce_max3A_76, %reduce_max3A_77 [1] : vector<64x128xf32> to vector<64xf32>
    %broadcast_in_dim3A_79 = vector.shape_cast %reduce_max3A_78 : vector<64xf32> to vector<64x1xf32>
    %broadcast_in_dim3A_80 = vector.shape_cast %broadcast_in_dim3A_79 : vector<64x1xf32> to vector<64x1x1xf32>
    %sub3A = vector.broadcast %broadcast_in_dim3A_80 : vector<64x1x1xf32> to vector<64x100x128xf32>
    %sub3A_81 = arith.subf %reshape3A_75, %sub3A : vector<64x100x128xf32>
    %exp3A = math.exp %sub3A_81 : vector<64x100x128xf32>
    %reduce_sum3A = arith.constant dense<0.000000e+00> : vector<64x128xf32>
    %reduce_sum3A_82 = vector.multi_reduction <add>, %exp3A, %reduce_sum3A [1] : vector<64x100x128xf32> to vector<64x128xf32>
    %reduce_sum3A_83 = arith.constant dense<0.000000e+00> : vector<64xf32>
    %reduce_sum3A_84 = vector.multi_reduction <add>, %reduce_sum3A_82, %reduce_sum3A_83 [1] : vector<64x128xf32> to vector<64xf32>
    %broadcast_in_dim3A_85 = vector.shape_cast %reduce_sum3A_84 : vector<64xf32> to vector<64x1xf32>
    %reshape3A_86 = vector.shape_cast %max3A_30 : vector<6400x128xf32> to vector<64x100x128xf32>
    %mul3A_87 = arith.mulf %reshape3A_86, %exp3A : vector<64x100x128xf32>
    %reduce_sum3A_88 = arith.constant dense<0.000000e+00> : vector<64x128xf32>
    %reduce_sum3A_89 = vector.multi_reduction <add>, %mul3A_87, %reduce_sum3A_88 [1] : vector<64x100x128xf32> to vector<64x128xf32>
    %slice3A = vector.extract_strided_slice %reduce_sum3A_89 {offsets = [0, 0], sizes = [64, 64], strides = [1, 1]} : vector<64x128xf32> to vector<64x64xf32>
    %slice3A_90 = vector.extract_strided_slice %reduce_sum3A_89 {offsets = [0, 64], sizes = [64, 64], strides = [1, 1]} : vector<64x128xf32> to vector<64x64xf32>
    %add3A_91 = arith.addf %slice3A, %slice3A_90 : vector<64x64xf32>
    %div3A = arith.constant 6.400000e+01 : f32
    %div3A_92 = vector.broadcast %div3A : f32 to vector<64x1xf32>
    %div3A_93 = arith.divf %div3A_92, %broadcast_in_dim3A_85 : vector<64x1xf32>
    %mul3A_94 = vector.broadcast %div3A_93 : vector<64x1xf32> to vector<64x64xf32>
    %mul3A_95 = arith.mulf %add3A_91, %mul3A_94 : vector<64x64xf32>
    %swap3A = arith.constant 0 : index
    %swap3A_96 = arith.constant 0 : index
    %swap3A_97 = vector.load %arg14[%swap3A, %swap3A_96] : memref<64x64xf32, #tpu.memory_space<vmem>>, vector<64x64xf32>
    tpu.vector_store %arg14[%swap3A, %swap3A_96], %mul3A_95 {strides = array<i32>} : memref<64x64xf32, #tpu.memory_space<vmem>>, vector<64x64xf32>,
    return
  }
  func.func @transform_0(%arg0: i32) -> (i32, i32) {
    %c0_i32 = arith.constant 0 : i32
    %c0_i32_0 = arith.constant 0 : i32
    return %arg0, %c0_i32 : i32, i32
  }
  func.func @transform_1(%arg0: i32) -> (i32, i32) {
    %c0_i32 = arith.constant 0 : i32
    %c0_i32_0 = arith.constant 0 : i32
    return %arg0, %c0_i32 : i32, i32
  }
  func.func @transform_2(%arg0: i32) -> (i32, i32) {
    %c0_i32 = arith.constant 0 : i32
    %c0_i32_0 = arith.constant 0 : i32
    return %arg0, %c0_i32 : i32, i32
  }
  func.func @transform_3(%arg0: i32) -> (i32, i32) {
    %c0_i32 = arith.constant 0 : i32
    %c0_i32_0 = arith.constant 0 : i32
    return %arg0, %c0_i32 : i32, i32
  }
  func.func @transform_4(%arg0: i32) -> (i32, i32) {
    %c0_i32 = arith.constant 0 : i32
    %c0_i32_0 = arith.constant 0 : i32
    %c0_i32_1 = arith.constant 0 : i32
    return %c0_i32, %c0_i32_0 : i32, i32
  }
  func.func @transform_5(%arg0: i32) -> (i32, i32) {
    %c0_i32 = arith.constant 0 : i32
    %c0_i32_0 = arith.constant 0 : i32
    %c0_i32_1 = arith.constant 0 : i32
    return %c0_i32, %c0_i32_0 : i32, i32
  }
  func.func @transform_6(%arg0: i32) -> (i32, i32) {
    %c0_i32 = arith.constant 0 : i32
    %c0_i32_0 = arith.constant 0 : i32
    %c0_i32_1 = arith.constant 0 : i32
    return %c0_i32, %c0_i32_0 : i32, i32
  }
  func.func @transform_7(%arg0: i32) -> (i32, i32) {
    %c0_i32 = arith.constant 0 : i32
    %c0_i32_0 = arith.constant 0 : i32
    %c0_i32_1 = arith.constant 0 : i32
    return %c0_i32, %c0_i32_0 : i32, i32
  }
  func.func @transform_8(%arg0: i32) -> (i32, i32) {
    %c0_i32 = arith.constant 0 : i32
    %c0_i32_0 = arith.constant 0 : i32
    %c0_i32_1 = arith.constant 0 : i32
    return %c0_i32, %c0_i32_0 : i32, i32
  }
  func.func @transform_9(%arg0: i32) -> (i32, i32) {
    %c0_i32 = arith.constant 0 : i32
    %c0_i32_0 = arith.constant 0 : i32
    %c0_i32_1 = arith.constant 0 : i32
    return %c0_i32, %c0_i32_0 : i32, i32
  }
  func.func @transform_10(%arg0: i32) -> (i32, i32) {
    %c0_i32 = arith.constant 0 : i32
    %c0_i32_0 = arith.constant 0 : i32
    %c0_i32_1 = arith.constant 0 : i32
    return %c0_i32, %c0_i32_0 : i32, i32
  }
  func.func @transform_11(%arg0: i32) -> (i32, i32) {
    %c0_i32 = arith.constant 0 : i32
    %c0_i32_0 = arith.constant 0 : i32
    %c0_i32_1 = arith.constant 0 : i32
    return %c0_i32, %c0_i32_0 : i32, i32
  }
  func.func @transform_12(%arg0: i32) -> (i32, i32) {
    %c0_i32 = arith.constant 0 : i32
    %c0_i32_0 = arith.constant 0 : i32
    %c0_i32_1 = arith.constant 0 : i32
    return %c0_i32, %c0_i32_0 : i32, i32
  }
  func.func @transform_13(%arg0: i32) -> (i32, i32) {
    %c0_i32 = arith.constant 0 : i32
    %c0_i32_0 = arith.constant 0 : i32
    return %arg0, %c0_i32 : i32, i32
  }
}

</mosaic_0001>

<sc_bundles>
// kernel: kernel.11.cloned.1.call-start
scs
__scs_entry_jumppad:
0x0: {  	(pc) =	sbr.rel $0x88, $3  }
0x1: {  	(tag) =	ssettag $0x0;
	lr =	simm.s32 $0x1  }
0x2: {  	[smem:$0x3F93] =	sst lr;
	_ =	strace $0xD0000000  }
0x3: {  	_ = 	snop  }
0x4: {  	_ = 	snop  }
0x5: {  	_ = 	snop  }
0x6: {  	_ = 	snop  }
0x7: {  	_ = 	snop  }
__scs_overlays_trampoline_lowered:
0x8: {  	[smem:$0x3FA2] =	sst s0  }
0x9: {  	[smem:$0x3FA3] =	sst s1  }
0xa: {  	[smem:$0x3FA4] =	sst s2  }
0xb: {  	[smem:$0x3FA5] =	sst s3  }
0xc: {  	[smem:$0x3FA6] =	sst s4  }
0xd: {  	[smem:$0x3FA7] =	sst s5  }
0xe: {  	[smem:$0x3FA8] =	sst s6  }
0xf: {  	[smem:$0x3FA9] =	sst s7  }
0x10: {  	[smem:$0x3FAA] =	sst s8  }
0x11: {  	[smem:$0x3FAB] =	sst s9;
	s0 =	simm.s32 @!p0 $0x0  }
0x12: {  	s1 =	sld [smem:$0x3F91];
	s0 =	simm.s32 @p0 $0x1  }
0x13: {  	[smem:$0x3FAC] =	sst s0;
	s0 =	simm.s32 @!p1 $0x0  }
0x14: {  	s2 =	sld [smem:$0x3F90];
	s0 =	simm.s32 @p1 $0x1  }
0x15: {  	[smem:$0x3FAD] =	sst s0;
	s0 =	simm.s32 @!p2 $0x0  }
0x16: {  	s3 =	sld [smem:$0x3FDB];
	s0 =	simm.s32 @p2 $0x1  }
0x17: {  	s4 =	simm.s32 $0x1BF5;
	[smem:$0x3FAF] =	sst s0  }
0x18: {  	s0 =	sld [smem:$0x3F92];
	_ =	swait.ge [sflag:s4], $0x0  }
0x19: {  	s7 =	sld [smem:$0x3F93]  }
0x1a: {  	s8 =	sadd.s32 $0xFFFFE003, lr  }
0x1b: {  	s9 =	sadd.s32 $0xFFFFFEF7, lr;
	s5 =	simm.s32 $0xFFFFFFFF;
	p2 =	slt.u32 s8, $0xFFFFF086  }
0x1c: {  	p1 =	slt.u32 s9, $0xF7A;
	s5 =	simm.s32 @!p2 $0x0  }
0x1d: {  	s5 =	simm.s32 @p1 $0x1;
	p0 =	seq.s32 s7, s2  }
0x1e: {  	s7 =	smul.u32 @!p0 $0xF7A, s2;
	p2 =	seq.s32 @!p0 s5, $0x0  }
0x1f: {  	s9 =	smul.u32 $0xF7A, s1;
	s8 =	simm.s32 @!p0 $0x1BF5;
	p2 =	por !p2, p0  }
0x20: {  	[sflag:s8] =	ssyncset.s32 @!p0 $0xFFFFF086;
	s6 =	sadd.s32 @!p0 s3, s7;
	s7 =	simm.s32 @!p0 $0x108  }
0x21: {  	s3 =	sadd.s32 s3, s9;
	s6 =	sadd.s32 @!p0 $0x88, s6;
	s7 =	simm.s32 @p2 $0x1082  }
0x22: {  	[simem:s7], [sflag:s8] =	dma.local @!p0 [hbm:s6], $0xF7A  }
0x23: {  	s9 =	sor.u32 $0xD0000000, s2;
	s6 =	simm.s32 $0x108;
	_ =	swait.ge @!p0 [sflag:s8], $0x0  }
0x24: {  	s3 =	sadd.s32 $0x88, s3;
	s6 =	simm.s32 @!p1 $0x1082;
	[sflag:s4] =	ssyncset.s32 $0xFFFFF086  }
0x25: {  	[simem:s6], [sflag:s4] =	dma.local [hbm:s3], $0xF7A  }
0x26: {  	[smem:$0x3F93] =	sst s1;
	(tag) =	ssettag s2;
	_ =	strace s9  }
0x27: {  	s1 =	sld [smem:$0x3FA3]  }
0x28: {  	s2 =	sld [smem:$0x3FA4]  }
0x29: {  	s4 =	sld [smem:$0x3FA6]  }
0x2a: {  	p0 =	seq.s32 s5, $0x0;
	s5 =	sld [smem:$0x3FA7]  }
0x2b: {  	s6 =	sld [smem:$0x3FA8]  }
0x2c: {  	s7 =	sld [smem:$0x3FA9]  }
0x2d: {  	s3 =	simm.s32 $0x108;
	s8 =	sld [smem:$0x3FAA]  }
0x2e: {  	s3 =	simm.s32 @!p0 $0x1082;
	s9 =	sld [smem:$0x3FAB]  }
0x2f: {  	lr =	sadd.s32 s0, s3;
	s0 =	sld [smem:$0x3FA2]  }
0x30: {  	s3 =	sld [smem:$0x3FA5]  }
0x31: {  	[smem:$0x3FAE] =	sst s10  }
0x32: {  	s10 =	sld [smem:$0x3FAC];
	_ =	sdelay $0x3  }
0x33: {  	p0 =	seq.s32 s10, $0x1;
	s10 =	sld [smem:$0x3FAE];
	_ =	sdelay $0x3  }
0x34: {  	[smem:$0x3FAE] =	sst s10  }
0x35: {  	s10 =	sld [smem:$0x3FAD];
	_ =	sdelay $0x3  }
0x36: {  	p1 =	seq.s32 s10, $0x1;
	s10 =	sld [smem:$0x3FAE];
	_ =	sdelay $0x3  }
0x37: {  	[smem:$0x3FAE] =	sst s10  }
0x38: {  	s10 =	sld [smem:$0x3FAF]  }
0x39: {  	_ = 	snop;
	(pc) =	sbr.ind lr, $3  }
0x3a: {  	_ = 	snop  }
0x3b: {  	_ = 	snop  }
0x3c: {  	p2 =	seq.s32 s10, $0x1;
	s10 =	sld [smem:$0x3FAE]  }
0x3d: {  	_ =	shalt  }
0x3e: {  	_ =	shalt  }
0x3f: {  	_ =	shalt  }
0x40: {  	_ =	shalt  }
0x41: {  	_ =	shalt  }
0x42: {  	_ =	shalt  }
0x43: {  	_ =	shalt  }
0x44: {  	_ =	shalt  }
0x45: {  	_ =	shalt  }
0x46: {  	_ =	shalt  }
0x47: {  	_ =	shalt  }
0x48: {  	_ =	shalt  }
0x49: {  	_ =	shalt  }
0x4a: {  	_ =	shalt  }
0x4b: {  	_ =	shalt  }
0x4c: {  	_ =	shalt  }
0x4d: {  	_ =	shalt  }
0x4e: {  	_ =	shalt  }
0x4f: {  	_ =	shalt  }
0x50: {  	_ =	shalt  }
0x51: {  	_ =	shalt  }
0x52: {  	_ =	shalt  }
0x53: {  	_ =	shalt  }
0x54: {  	_ =	shalt  }
0x55: {  	_ =	shalt  }
0x56: {  	_ =	shalt  }
0x57: {  	_ =	shalt  }
0x58: {  	_ =	shalt  }
0x59: {  	_ =	shalt  }
0x5a: {  	_ =	shalt  }
0x5b: {  	_ =	shalt  }
0x5c: {  	_ =	shalt  }
0x5d: {  	_ =	shalt  }
0x5e: {  	_ =	shalt  }
0x5f: {  	_ =	shalt  }
0x60: {  	_ =	shalt  }
0x61: {  	_ =	shalt  }
0x62: {  	_ =	shalt  }
0x63: {  	_ =	shalt  }
0x64: {  	_ =	shalt  }
0x65: {  	_ =	shalt  }
0x66: {  	_ =	shalt  }
0x67: {  	_ =	shalt  }
0x68: {  	_ =	shalt  }
0x69: {  	_ =	shalt  }
0x6a: {  	_ =	shalt  }
0x6b: {  	_ =	shalt  }
0x6c: {  	_ =	shalt  }
0x6d: {  	_ =	shalt  }
0x6e: {  	_ =	shalt  }
0x6f: {  	_ =	shalt  }
0x70: {  	_ =	shalt  }
0x71: {  	_ =	shalt  }
0x72: {  	_ =	shalt  }
0x73: {  	_ =	shalt  }
0x74: {  	_ =	shalt  }
0x75: {  	_ =	shalt  }
0x76: {  	_ =	shalt  }
0x77: {  	_ =	shalt  }
0x78: {  	_ =	shalt  }
0x79: {  	_ =	shalt  }
0x7a: {  	_ =	shalt  }
0x7b: {  	_ =	shalt  }
0x7c: {  	_ =	shalt  }
0x7d: {  	_ =	shalt  }
0x7e: {  	_ =	shalt  }
0x7f: {  	_ =	shalt  }
0x80: {  	_ =	shalt  }
0x81: {  	_ =	shalt  }
0x82: {  	_ =	shalt  }
0x83: {  	_ =	shalt  }
0x84: {  	_ =	shalt  }
0x85: {  	_ =	shalt  }
0x86: {  	_ =	shalt  }
0x87: {  	_ =	shalt  }
.Lfunc_end0:
.L_simem_size_0:
called_computation_lowered:
.L_overlay_start_0:
0x88: {  	s2 =	sld [smem:$0x3FD9]  }
0x89: {  	s3 =	sld [smem:$0x3FFE];
	_ =	sdelay $0x1  }
0x8a: {  	s1 =	srdreg.scid  }
0x8b: {  	s0 =	sand.u32 $0x1, s1  }
0x8c: {  	s17 =	sshll.u32 s0, $0xA;
	s2 =	sadd.s32 s3, s2  }
0x8d: {  	s2 =	sadd.s32 s2, s17  }
0x8e: {  	[smem:$0x3FBA] =	sst s2  }
0x8f: {  	_ = 	snop  }
0x90: {  	s2 =	sld [smem:$0x3FC9]  }
0x91: {  	s18 =	sld [smem:$0x3FD0];
	(tm) =	ssettm $0x1  }
0x92: {  	s4 =	sld [smem:$0x3FFB];
	_ =	sdelay $0x3  }
0x93: {  	_ =	strace s4  }
0x94: {  	s4 =	sld [smem:$0x3FFC];
	_ =	sdelay $0x3  }
0x95: {  	_ =	strace s4  }
0x96: {  	s4 =	sld [smem:$0x3FFD];
	_ =	sdelay $0x3  }
0x97: {  	_ =	strace s4  }
0x98: {  	_ =	strace $0x8FFFFFFF  }
0x99: {  	s19 =	sld [smem:$0x3FDB];
	_ =	sdelay $0x1  }
0x9a: {  	s5 =	simm.s32 $_scs_section_size  }
0x9b: {  	s6 =	simm.s32 $_size__tile_overlayer_lowered;
	s7 =	simm.s32 $_tile_overlayer_lowered  }
0x9c: {  	s22 =	simm.s32 $0x1BFF;
	s21 =	sshll.u32 s7, $0x1;
	s4 =	sadd.s32 s5, s19  }
0x9d: {  	s8 =	simm.s32 $0x0;
	s20 =	sshll.u32 s6, $0x1;
	s6 =	sadd.s32 s21, s4  }
0x9e: {  	[timem:s8], [sflag:s22] =	dma.local [hbm:s6], s20  }
0x9f: {  	_ =	swait.ge [sflag:s22], s20  }
0xa0: {  	s5 =	ssub.s32 $0x0, s20;
	[sflag:s22] =	ssyncset.done $0x0  }
0xa1: {  	[sflag:s22] =	ssyncadd.s32 s5;
	_ =	sdelay $0x1  }
0xa2: {  	s23 =	simm.s32 $0x1B8B  }
0xa3: {  	_ =	swait.ge [sflag:s23], $0x1  }
0xa4: {  	[sflag:s23] =	ssyncset.done $0x0  }
0xa5: {  	s25 =	simm.s32 $0x1B8E;
	s24 =	sld [smem:$0x3FFE];
	[sflag:s23] =	ssyncadd.s32 $0xFFFFFFFF  }
0xa6: {  	s26 =	simm.s32 $execute0_lowered;
	[smem:$0x3FD2] =	sst s25  }
0xa7: {  	s6 =	sshll.u32 s26, $0x1;
	_ =	strace $0x80000046;
	[dreg:$0x1] =	wrdreg $0xFFFFFFFF  }
0xa8: {  	s28 =	simm.s32 $_size_execute0_lowered;
	s4 =	sadd.s32 s4, s6;
	[dreg:$0x0] =	wrdreg $0x0  }
0xa9: {  	s6 =	sshll.u32 s28, $0x1;
	[dreg:$0x2] =	wrdreg s4  }
0xaa: {  	[dreg:$0x3] =	wrdreg s6  }
0xab: {  	[dreg:$0x4] =	wrdreg $0xC0  }
0xac: {  	_ =	task [dreg:s8], $0x5FFFF  }
0xad: {  	[dreg:$0x1] =	wrdreg $0xFFFFFFFF  }
0xae: {  	[dreg:$0x0] =	wrdreg $0x60  }
0xaf: {  	[dreg:$0x2] =	wrdreg s24  }
0xb0: {  	[dreg:$0x3] =	wrdreg s2  }
0xb1: {  	[dreg:$0x4] =	wrdreg s18  }
0xb2: {  	[dreg:$0x5] =	wrdreg $0x9  }
0xb3: {  	_ =	task.clear_ibuf [dreg:s8], $0x6FFFF;
	_ =	strace $0x90000046  }
0xb4: {  	s29 =	simm.s32 $0x9;
	_ =	strace $0x80000048  }
0xb5: {  	_ =	swait.ge [sflag:s29], $0x1  }
0xb6: {  	[sflag:s29] =	ssyncadd.s32 $0xFFFFFFFF  }
0xb7: {  	_ =	strace $0x90000048  }
0xb8: {  	_ =	sfence  }
0xb9: {  	s30 =	sld [smem:$0x0];
	_ =	sdelay $0x2  }
0xba: {  	s31 =	sshll.u32 s1, $0xD;
	s1 =	sshrl.u32 s1, $0x2  }
0xbb: {  	s3 =	sand.u32 $0x4000, s31;
	s1 =	sadd.s32 s1, s30  }
0xbc: {  	s0 =	sor.u32 s3, s0;
	s1 =	sshll.u32 s1, $0x11  }
0xbd: {  	s0 =	sor.u32 s1, s0  }
0xbe: {  	s0 =	sadd.s32 $0x8F2B, s0  }
0xbf: {  	[sflag:s0] =	ssyncadd.remote.s32 $0x1  }
0xc0: {  	_ =	sfence.sel $0xFFFF  }
0xc1: {  	[dreg:$0x0] =	wrdreg $0xFFFFFFFF;
	(pc) =	sbr.abs _section_cstart, $3  }
0xc2: {  	[dreg:$0x1] =	wrdreg $0xFFFFFFFF  }
0xc3: {  	_ =	task.clear_ibuf [dreg:s8], $0x2FFFF;
	_ =	strace $0x9FFFFFFF  }
0xc4: {  	(tm) =	ssettm $0x7FFFFFFF  }
0xc5: {  	_ =	shalt  }
tec
execute0_lowered:
.L_overlay_start_1:
0x0: {  	(tag) =	ssettag $0x1  }
0x1: {  	s5 =	rddreg [dreg:$0x0]  }
0x2: {  	s6 =	rddreg [dreg:$0x1]  }
0x3: {  	s7 =	rddreg [dreg:$0x2]  }
0x4: {  	s0 =	rddreg [dreg:$0x3]  }
0x5: {  	s3 =	srdreg.scid;
	s1 =	stileid.u32;
	s2 =	simm.s32 $0x0  }
0x6: {  	s14 =	simm.s32 $0x3300;
	s15 =	simm.s32 $0x4B00;
	s16 =	simm.s32 $0x6500  }
0x7: {  	s17 =	simm.s32 $0x7D00;
	s18 =	simm.s32 $0x9700;
	s19 =	simm.s32 $0xAF00  }
0x8: {  	s20 =	simm.s32 $0xC900;
	s21 =	simm.s32 $0x1;
	s22 =	simm.s32 $0xE100  }
0x9: {  	s23 =	simm.s32 $0x80;
	s24 =	simm.s32 $0xE180;
	s25 =	simm.s32 $0x0  }
0xa: {  	s8 =	sand.u32 $0x1, s3;
	s29 =	sshll.u32 s1, $0x1;
	[smem:$0x7FF] =	sst s2  }
0xb: {  	s3 =	sadd.s32 $0x5000, s5;
	s11 =	smul.u32 $0x19000, s1;
	s4 =	sadd.s32 $0x268000, s5  }
0xc: {  	s9 =	sor.u32 s8, s29;
	s12 =	ssub.s32 $0x2, s8;
	s8 =	smul.u32 $0xC800, s8  }
0xd: {  	_ =	strace $0x80000047;
	s10 =	smul.u32 $0x320, s9;
	s13 =	sshrl.u32 s12, $0x1  }
0xe: {  	s11 =	sadd.s32 s11, s5;
	s30 =	sshll.u32 s9, $0x4;
	s9 =	sshll.u32 s9, $0xA  }
0xf: {  	s12 =	ssub.s32 s12, s13;
	s6 =	sadd.s32 s6, s30;
	s7 =	sadd.s32 s7, s9  }
0x10: {  	s31 =	sadd.s32 s8, s11;
	s11 =	simm.s32 $0x68;
	s13 =	simm.s32 $0x60  }
0x11: {  	s10 =	sadd.s32 s10, s5;
	s8 =	smax.u32 s12, $0x1;
	s9 =	sadd.s32 $0x32B600, s31  }
0x12: {  	s12 =	simm.s32 $0x1900;
	s5 =	sadd.s32 $0xC8600, s10;
	s10 =	simm.s32 $0x2  }
.LBB2_1:
0x13: {  	[tilespmem:s2], [sflag:$0x2] =	stream.linear.gather [hbm4b:s5+s2], $0x1900, $0x38;
	[tilespmem:$0x10180] =	vst v63  }
0x14: {  	_ =	swait.ge [sflag:s10], $0x1900  }
0x15: {  	[sflag:s10] =	ssyncset.done $0x0  }
0x16: {  	s26 =	simm.s32 $0x0;
	[sflag:s10] =	ssyncadd.s32 $0xFFFFE700  }
0x17: {  	[tilespmem:s12], [sflag:$0x1] =	stream.indirect.gather [hbm4b:s3+s11], $0x40, s26, s11, $0xb8;
	[tilespmem:$0x10180] =	vst v63  }
0x18: {  	s31 =	simm.s32 $0x68  }
0x19: {  	[tilespmem:s14], [sflag:$0x1] =	stream.indirect.gather [hbm4b:s3+s13], $0x40, s31, s13, $0xb8;
	[tilespmem:$0x10180] =	vst v63  }
0x1a: {  	s29 =	simm.s32 $0xC8  }
0x1b: {  	[tilespmem:s15], [sflag:$0x1] =	stream.indirect.gather [hbm4b:s3+s11], $0x40, s29, s11, $0xb8;
	[tilespmem:$0x10180] =	vst v63  }
0x1c: {  	s31 =	simm.s32 $0x130  }
0x1d: {  	[tilespmem:s16], [sflag:$0x1] =	stream.indirect.gather [hbm4b:s3+s13], $0x40, s31, s13, $0xb8;
	[tilespmem:$0x10180] =	vst v63  }
0x1e: {  	s29 =	simm.s32 $0x190  }
0x1f: {  	[tilespmem:s17], [sflag:$0x1] =	stream.indirect.gather [hbm4b:s3+s11], $0x40, s29, s11, $0xb8;
	[tilespmem:$0x10180] =	vst v63  }
0x20: {  	s31 =	simm.s32 $0x1F8  }
0x21: {  	[tilespmem:s18], [sflag:$0x1] =	stream.indirect.gather [hbm4b:s3+s13], $0x40, s31, s13, $0xb8;
	[tilespmem:$0x10180] =	vst v63  }
0x22: {  	s29 =	simm.s32 $0x258  }
0x23: {  	[tilespmem:s19], [sflag:$0x1] =	stream.indirect.gather [hbm4b:s3+s11], $0x40, s29, s11, $0xb8;
	[tilespmem:$0x10180] =	vst v63  }
0x24: {  	s31 =	simm.s32 $0x2C0  }
0x25: {  	[tilespmem:s20], [sflag:$0x1] =	stream.indirect.gather [hbm4b:s3+s13], $0x40, s31, s13, $0xb8;
	[tilespmem:$0x10180] =	vst v63  }
0x26: {  	_ =	swait.ge [sflag:s21], $0x1A00  }
0x27: {  	[sflag:s21] =	ssyncset.done $0x0  }
0x28: {  	[sflag:s21] =	ssyncadd.s32 $0xFFFFE600  }
0x29: {  	_ =	swait.ge [sflag:s21], $0x1800  }
0x2a: {  	[sflag:s21] =	ssyncset.done $0x0  }
0x2b: {  	[sflag:s21] =	ssyncadd.s32 $0xFFFFE800  }
0x2c: {  	_ =	swait.ge [sflag:s21], $0x1A00  }
0x2d: {  	[sflag:s21] =	ssyncset.done $0x0  }
0x2e: {  	[sflag:s21] =	ssyncadd.s32 $0xFFFFE600  }
0x2f: {  	_ =	swait.ge [sflag:s21], $0x1800  }
0x30: {  	[sflag:s21] =	ssyncset.done $0x0  }
0x31: {  	[sflag:s21] =	ssyncadd.s32 $0xFFFFE800  }
0x32: {  	_ =	swait.ge [sflag:s21], $0x1A00  }
0x33: {  	[sflag:s21] =	ssyncset.done $0x0  }
0x34: {  	[sflag:s21] =	ssyncadd.s32 $0xFFFFE600  }
0x35: {  	_ =	swait.ge [sflag:s21], $0x1800  }
0x36: {  	[sflag:s21] =	ssyncset.done $0x0  }
0x37: {  	[sflag:s21] =	ssyncadd.s32 $0xFFFFE800  }
0x38: {  	_ =	swait.ge [sflag:s21], $0x1A00  }
0x39: {  	[sflag:s21] =	ssyncset.done $0x0  }
0x3a: {  	[sflag:s21] =	ssyncadd.s32 $0xFFFFE600  }
0x3b: {  	_ =	swait.ge [sflag:s21], $0x1800  }
0x3c: {  	[sflag:s21] =	ssyncset.done $0x0  }
0x3d: {  	[sflag:s21] =	ssyncadd.s32 $0xFFFFE800  }
0x3e: {  	[hbm4b:s9+s2] =	stream.linear.scatter [tilespmem:s12], [sflag:$0x2], $0xC800, $0x38;
	[tilespmem:$0x10180] =	vst v63  }
0x3f: {  	s28 =	simm.s32 $0xC80;
	_ =	swait.ge [sflag:s10], $0xC800  }
0x40: {  	s30 =	simm.s32 $0x1900;
	s26 =	sadd.s32 $0x1900, s9;
	[sflag:s10] =	ssyncset.done $0x0  }
.LBB2_2:
0x41: {  	s31 =	sshra.s32 s28, $0x2  }
0x42: {  	[sflag:s10] =	ssyncadd.s32 $0xFFFF3800;
	s28 =	smov.u32 s30;
	s29 =	sadd.s32 $0xC80, s30  }
0x43: {  	[tilespmem:s12], [sflag:$0x1] =	stream.indirect.gather [hbm4b:s3+s11], $0x40, s31, s11, $0xb8;
	[tilespmem:$0x10180] =	vst v63  }
0x44: {  	p0 =	sne.s32 s30, $0x5780;
	s30 =	sadd.s32 $0x68, s31  }
0x45: {  	[tilespmem:s14], [sflag:$0x1] =	stream.indirect.gather [hbm4b:s3+s13], $0x40, s30, s13, $0xb8;
	[tilespmem:$0x10180] =	vst v63  }
0x46: {  	s30 =	sadd.s32 $0xC8, s31  }
0x47: {  	[tilespmem:s15], [sflag:$0x1] =	stream.indirect.gather [hbm4b:s3+s11], $0x40, s30, s11, $0xb8;
	[tilespmem:$0x10180] =	vst v63  }
0x48: {  	s30 =	sadd.s32 $0x130, s31  }
0x49: {  	[tilespmem:s16], [sflag:$0x1] =	stream.indirect.gather [hbm4b:s3+s13], $0x40, s30, s13, $0xb8;
	[tilespmem:$0x10180] =	vst v63  }
0x4a: {  	s30 =	sadd.s32 $0x190, s31  }
0x4b: {  	[tilespmem:s17], [sflag:$0x1] =	stream.indirect.gather [hbm4b:s3+s11], $0x40, s30, s11, $0xb8;
	[tilespmem:$0x10180] =	vst v63  }
0x4c: {  	s30 =	sadd.s32 $0x1F8, s31  }
0x4d: {  	[tilespmem:s18], [sflag:$0x1] =	stream.indirect.gather [hbm4b:s3+s13], $0x40, s30, s13, $0xb8;
	[tilespmem:$0x10180] =	vst v63  }
0x4e: {  	s30 =	sadd.s32 $0x258, s31  }
0x4f: {  	[tilespmem:s19], [sflag:$0x1] =	stream.indirect.gather [hbm4b:s3+s11], $0x40, s30, s11, $0xb8;
	[tilespmem:$0x10180] =	vst v63  }
0x50: {  	s30 =	sadd.s32 $0x2C0, s31  }
0x51: {  	[tilespmem:s20], [sflag:$0x1] =	stream.indirect.gather [hbm4b:s3+s13], $0x40, s30, s13, $0xb8;
	[tilespmem:$0x10180] =	vst v63  }
0x52: {  	_ =	swait.ge [sflag:s21], $0x1A00  }
0x53: {  	[sflag:s21] =	ssyncset.done $0x0  }
0x54: {  	[sflag:s21] =	ssyncadd.s32 $0xFFFFE600  }
0x55: {  	_ =	swait.ge [sflag:s21], $0x1800  }
0x56: {  	[sflag:s21] =	ssyncset.done $0x0  }
0x57: {  	[sflag:s21] =	ssyncadd.s32 $0xFFFFE800  }
0x58: {  	_ =	swait.ge [sflag:s21], $0x1A00  }
0x59: {  	[sflag:s21] =	ssyncset.done $0x0  }
0x5a: {  	[sflag:s21] =	ssyncadd.s32 $0xFFFFE600  }
0x5b: {  	_ =	swait.ge [sflag:s21], $0x1800  }
0x5c: {  	[sflag:s21] =	ssyncset.done $0x0  }
0x5d: {  	[sflag:s21] =	ssyncadd.s32 $0xFFFFE800  }
0x5e: {  	_ =	swait.ge [sflag:s21], $0x1A00  }
0x5f: {  	[sflag:s21] =	ssyncset.done $0x0  }
0x60: {  	[sflag:s21] =	ssyncadd.s32 $0xFFFFE600  }
0x61: {  	_ =	swait.ge [sflag:s21], $0x1800  }
0x62: {  	[sflag:s21] =	ssyncset.done $0x0  }
0x63: {  	[sflag:s21] =	ssyncadd.s32 $0xFFFFE800  }
0x64: {  	_ =	swait.ge [sflag:s21], $0x1A00  }
0x65: {  	[sflag:s21] =	ssyncset.done $0x0  }
0x66: {  	[sflag:s21] =	ssyncadd.s32 $0xFFFFE600  }
0x67: {  	_ =	swait.ge [sflag:s21], $0x1800  }
.Ltmp0:
0x68: {  	[sflag:s21] =	ssyncset.done $0x0;
	(pc) =	sbr.rel @p0 .LBB2_2-.Ltmp0, $4  }
0x69: {  	[sflag:s21] =	ssyncadd.s32 $0xFFFFE800  }
0x6a: {  	[hbm4b:s26+s2] =	stream.linear.scatter [tilespmem:s12], [sflag:$0x2], $0xC800, $0x38;
	[tilespmem:$0x10180] =	vst v63  }
0x6b: {  	_ =	swait.ge [sflag:s10], $0xC800  }
0x6c: {  	s30 =	smov.u32 s29;
	s26 =	sadd.s32 $0x1900, s26;
	[sflag:s10] =	ssyncset.done $0x0  }
0x6d: {  	s28 =	sshra.s32 s28, $0x2;
	[sflag:s10] =	ssyncadd.s32 $0xFFFF3800  }
0x6e: {  	[tilespmem:s12], [sflag:$0x1] =	stream.indirect.gather [hbm4b:s3+s11], $0x40, s28, s11, $0xb8;
	[tilespmem:$0x10180] =	vst v63  }
0x6f: {  	s29 =	sadd.s32 $0x68, s28  }
0x70: {  	[tilespmem:s14], [sflag:$0x1] =	stream.indirect.gather [hbm4b:s3+s13], $0x40, s29, s13, $0xb8;
	[tilespmem:$0x10180] =	vst v63  }
0x71: {  	s31 =	sadd.s32 $0xC8, s28  }
0x72: {  	[tilespmem:s15], [sflag:$0x1] =	stream.indirect.gather [hbm4b:s3+s11], $0x40, s31, s11, $0xb8;
	[tilespmem:$0x10180] =	vst v63  }
0x73: {  	s30 =	sadd.s32 $0x130, s28  }
0x74: {  	[tilespmem:s16], [sflag:$0x1] =	stream.indirect.gather [hbm4b:s3+s13], $0x40, s30, s13, $0xb8;
	[tilespmem:$0x10180] =	vst v63  }
0x75: {  	s31 =	sadd.s32 $0x190, s28  }
0x76: {  	[tilespmem:s17], [sflag:$0x1] =	stream.indirect.gather [hbm4b:s3+s11], $0x40, s31, s11, $0xb8;
	[tilespmem:$0x10180] =	vst v63  }
0x77: {  	s30 =	sadd.s32 $0x1F8, s28  }
0x78: {  	[tilespmem:s18], [sflag:$0x1] =	stream.indirect.gather [hbm4b:s3+s13], $0x40, s30, s13, $0xb8;
	[tilespmem:$0x10180] =	vst v63  }
0x79: {  	s31 =	sadd.s32 $0x258, s28  }
0x7a: {  	[tilespmem:s19], [sflag:$0x1] =	stream.indirect.gather [hbm4b:s3+s11], $0x40, s31, s11, $0xb8;
	[tilespmem:$0x10180] =	vst v63  }
0x7b: {  	s28 =	sadd.s32 $0x2C0, s28  }
0x7c: {  	[tilespmem:s20], [sflag:$0x1] =	stream.indirect.gather [hbm4b:s3+s13], $0x40, s28, s13, $0xb8;
	[tilespmem:$0x10180] =	vst v63  }
0x7d: {  	_ =	swait.ge [sflag:s21], $0x1A00  }
0x7e: {  	[sflag:s21] =	ssyncset.done $0x0  }
0x7f: {  	[sflag:s21] =	ssyncadd.s32 $0xFFFFE600  }
0x80: {  	_ =	swait.ge [sflag:s21], $0x1800  }
0x81: {  	[sflag:s21] =	ssyncset.done $0x0  }
0x82: {  	[sflag:s21] =	ssyncadd.s32 $0xFFFFE800  }
0x83: {  	_ =	swait.ge [sflag:s21], $0x1A00  }
0x84: {  	[sflag:s21] =	ssyncset.done $0x0  }
0x85: {  	[sflag:s21] =	ssyncadd.s32 $0xFFFFE600  }
0x86: {  	_ =	swait.ge [sflag:s21], $0x1800  }
0x87: {  	[sflag:s21] =	ssyncset.done $0x0  }
0x88: {  	[sflag:s21] =	ssyncadd.s32 $0xFFFFE800  }
0x89: {  	_ =	swait.ge [sflag:s21], $0x1A00  }
0x8a: {  	[sflag:s21] =	ssyncset.done $0x0  }
0x8b: {  	[sflag:s21] =	ssyncadd.s32 $0xFFFFE600  }
0x8c: {  	_ =	swait.ge [sflag:s21], $0x1800  }
0x8d: {  	[sflag:s21] =	ssyncset.done $0x0  }
0x8e: {  	[sflag:s21] =	ssyncadd.s32 $0xFFFFE800  }
0x8f: {  	_ =	swait.ge [sflag:s21], $0x1A00  }
0x90: {  	[sflag:s21] =	ssyncset.done $0x0  }
0x91: {  	[sflag:s21] =	ssyncadd.s32 $0xFFFFE600  }
0x92: {  	_ =	swait.ge [sflag:s21], $0x1800  }
0x93: {  	[sflag:s21] =	ssyncset.done $0x0  }
0x94: {  	[sflag:s21] =	ssyncadd.s32 $0xFFFFE800  }
0x95: {  	[hbm4b:s26+s2] =	stream.linear.scatter [tilespmem:s12], [sflag:$0x2], $0xC800, $0x38;
	[tilespmem:$0x10180] =	vst v63  }
0x96: {  	_ =	swait.ge [sflag:s10], $0xC800  }
0x97: {  	[sflag:s10] =	ssyncset.done $0x0  }
0x98: {  	[sflag:s10] =	ssyncadd.s32 $0xFFFF3800  }
0x99: {  	[tilespmem:s22], [sflag:$0x2] =	stream.linear.gather [hbm4b:s6+s2], $0x80, $0x38;
	[tilespmem:$0x10180] =	vst v63  }
0x9a: {  	_ =	swait.ge [sflag:s10], $0x80  }
0x9b: {  	[sflag:s10] =	ssyncset.done $0x0  }
0x9c: {  	[sflag:s10] =	ssyncadd.s32 $0xFFFFFF80  }
0x9d: {  	[tilespmem:s24], [sflag:$0x1] =	stream.indirect.gather [hbm4b:s4+s23], $0x40, s22, s23, $0xb8;
	[tilespmem:$0x10180] =	vst v63  }
0x9e: {  	s25 =	sadd.s32 $0x1, s25;
	_ =	swait.ge [sflag:s21], $0x2000  }
0x9f: {  	p0 =	sne.s32 s25, s8;
	[sflag:s21] =	ssyncset.done $0x0  }
.Ltmp1:
0xa0: {  	[sflag:s21] =	ssyncadd.s32 $0xFFFFE000;
	(pc) =	sbr.rel @p0 .LBB2_1-.Ltmp1, $4  }
0xa1: {  	[hbm4b:s7+s2] =	stream.linear.scatter [tilespmem:s24], [sflag:$0x2], $0x2000, $0x38;
	[tilespmem:$0x10180] =	vst v63  }
0xa2: {  	_ =	swait.ge [sflag:s10], $0x2000  }
0xa3: {  	[sflag:s10] =	ssyncset.done $0x0  }
0xa4: {  	[sflag:s10] =	ssyncadd.s32 $0xFFFFE000  }
0xa5: {  	_ =	sfence.sel $0x180000  }
0xa6: {  	[bflag:$0x0] =	sbarrier.arrive $0xFFFF  }
0xa7: {  	p0 =	sne.s32 s1, $0x0;
	_ =	strace $0x90000047  }
0xa8: {  	s0 =	sadd.s32 @!p0 $0x100000, s0;
	[bflag:$0x2] =	sbarrier.arrive $0xFFFF  }
0xa9: {  	[sflag:s0] =	ssyncadd.tile.s32 @!p0 $0x1;
	_ =	shalt  }
.Lfunc_end2:
_tile_overlayer_lowered:
.L_overlay_start_2:
0xaa: {  	(tag) =	ssettag $0x2  }
0xab: {  	s0 =	rddreg [dreg:$0x0];
	s2 =	stileid.u32  }
0xac: {  	s1 =	rddreg [dreg:$0x1];
	p0 =	sne.s32 s2, $0x0  }
0xad: {  	s3 =	rddreg [dreg:$0x2];
	[bflag:$0x3] =	sbarrier.arrive $0xFFFF;
	s2 =	simm.s32 @!p0 $0x1C02  }
0xae: {  	[timem:s3], [sflag:s2] =	dma.local @!p0 [hbm:s0], s1  }
0xaf: {  	s0 =	simm.s32 @!p0 $0x2  }
0xb0: {  	_ =	swait.ge @!p0 [sflag:s0], s1  }
0xb1: {  	s1 =	ssub.s32 @!p0 $0x0, s1;
	[sflag:s0] =	ssyncset.done @!p0 $0x0  }
0xb2: {  	[sflag:s0] =	ssyncadd.s32 @!p0 s1  }
0xb3: {  	[bflag:$0x3] =	sbarrier.arrive $0xFFFF  }
0xb4: {  	_ =	shalt  }

// kernel: kernel.14.cloned.1.call-start
scs
__scs_entry_jumppad:
0x0: {  	(pc) =	sbr.rel $0x88, $3  }
0x1: {  	(tag) =	ssettag $0x0;
	lr =	simm.s32 $0x1  }
0x2: {  	[smem:$0x3F93] =	sst lr;
	_ =	strace $0xD0000000  }
0x3: {  	_ = 	snop  }
0x4: {  	_ = 	snop  }
0x5: {  	_ = 	snop  }
0x6: {  	_ = 	snop  }
0x7: {  	_ = 	snop  }
__scs_overlays_trampoline_lowered:
0x8: {  	[smem:$0x3FA2] =	sst s0  }
0x9: {  	[smem:$0x3FA3] =	sst s1  }
0xa: {  	[smem:$0x3FA4] =	sst s2  }
0xb: {  	[smem:$0x3FA5] =	sst s3  }
0xc: {  	[smem:$0x3FA6] =	sst s4  }
0xd: {  	[smem:$0x3FA7] =	sst s5  }
0xe: {  	[smem:$0x3FA8] =	sst s6  }
0xf: {  	[smem:$0x3FA9] =	sst s7  }
0x10: {  	[smem:$0x3FAA] =	sst s8  }
0x11: {  	[smem:$0x3FAB] =	sst s9;
	s0 =	simm.s32 @!p0 $0x0  }
0x12: {  	s1 =	sld [smem:$0x3F91];
	s0 =	simm.s32 @p0 $0x1  }
0x13: {  	[smem:$0x3FAC] =	sst s0;
	s0 =	simm.s32 @!p1 $0x0  }
0x14: {  	s2 =	sld [smem:$0x3F90];
	s0 =	simm.s32 @p1 $0x1  }
0x15: {  	[smem:$0x3FAD] =	sst s0;
	s0 =	simm.s32 @!p2 $0x0  }
0x16: {  	s3 =	sld [smem:$0x3FDB];
	s0 =	simm.s32 @p2 $0x1  }
0x17: {  	s4 =	simm.s32 $0x1BF5;
	[smem:$0x3FAF] =	sst s0  }
0x18: {  	s0 =	sld [smem:$0x3F92];
	_ =	swait.ge [sflag:s4], $0x0  }
0x19: {  	s7 =	sld [smem:$0x3F93]  }
0x1a: {  	s8 =	sadd.s32 $0xFFFFE003, lr  }
0x1b: {  	s9 =	sadd.s32 $0xFFFFFEF7, lr;
	s5 =	simm.s32 $0xFFFFFFFF;
	p2 =	slt.u32 s8, $0xFFFFF086  }
0x1c: {  	p1 =	slt.u32 s9, $0xF7A;
	s5 =	simm.s32 @!p2 $0x0  }
0x1d: {  	s5 =	simm.s32 @p1 $0x1;
	p0 =	seq.s32 s7, s2  }
0x1e: {  	s7 =	smul.u32 @!p0 $0xF7A, s2;
	p2 =	seq.s32 @!p0 s5, $0x0  }
0x1f: {  	s9 =	smul.u32 $0xF7A, s1;
	s8 =	simm.s32 @!p0 $0x1BF5;
	p2 =	por !p2, p0  }
0x20: {  	[sflag:s8] =	ssyncset.s32 @!p0 $0xFFFFF086;
	s6 =	sadd.s32 @!p0 s3, s7;
	s7 =	simm.s32 @!p0 $0x108  }
0x21: {  	s3 =	sadd.s32 s3, s9;
	s6 =	sadd.s32 @!p0 $0x88, s6;
	s7 =	simm.s32 @p2 $0x1082  }
0x22: {  	[simem:s7], [sflag:s8] =	dma.local @!p0 [hbm:s6], $0xF7A  }
0x23: {  	s9 =	sor.u32 $0xD0000000, s2;
	s6 =	simm.s32 $0x108;
	_ =	swait.ge @!p0 [sflag:s8], $0x0  }
0x24: {  	s3 =	sadd.s32 $0x88, s3;
	s6 =	simm.s32 @!p1 $0x1082;
	[sflag:s4] =	ssyncset.s32 $0xFFFFF086  }
0x25: {  	[simem:s6], [sflag:s4] =	dma.local [hbm:s3], $0xF7A  }
0x26: {  	[smem:$0x3F93] =	sst s1;
	(tag) =	ssettag s2;
	_ =	strace s9  }
0x27: {  	s1 =	sld [smem:$0x3FA3]  }
0x28: {  	s2 =	sld [smem:$0x3FA4]  }
0x29: {  	s4 =	sld [smem:$0x3FA6]  }
0x2a: {  	p0 =	seq.s32 s5, $0x0;
	s5 =	sld [smem:$0x3FA7]  }
0x2b: {  	s6 =	sld [smem:$0x3FA8]  }
0x2c: {  	s7 =	sld [smem:$0x3FA9]  }
0x2d: {  	s3 =	simm.s32 $0x108;
	s8 =	sld [smem:$0x3FAA]  }
0x2e: {  	s3 =	simm.s32 @!p0 $0x1082;
	s9 =	sld [smem:$0x3FAB]  }
0x2f: {  	lr =	sadd.s32 s0, s3;
	s0 =	sld [smem:$0x3FA2]  }
0x30: {  	s3 =	sld [smem:$0x3FA5]  }
0x31: {  	[smem:$0x3FAE] =	sst s10  }
0x32: {  	s10 =	sld [smem:$0x3FAC];
	_ =	sdelay $0x3  }
0x33: {  	p0 =	seq.s32 s10, $0x1;
	s10 =	sld [smem:$0x3FAE];
	_ =	sdelay $0x3  }
0x34: {  	[smem:$0x3FAE] =	sst s10  }
0x35: {  	s10 =	sld [smem:$0x3FAD];
	_ =	sdelay $0x3  }
0x36: {  	p1 =	seq.s32 s10, $0x1;
	s10 =	sld [smem:$0x3FAE];
	_ =	sdelay $0x3  }
0x37: {  	[smem:$0x3FAE] =	sst s10  }
0x38: {  	s10 =	sld [smem:$0x3FAF]  }
0x39: {  	_ = 	snop;
	(pc) =	sbr.ind lr, $3  }
0x3a: {  	_ = 	snop  }
0x3b: {  	_ = 	snop  }
0x3c: {  	p2 =	seq.s32 s10, $0x1;
	s10 =	sld [smem:$0x3FAE]  }
0x3d: {  	_ =	shalt  }
0x3e: {  	_ =	shalt  }
0x3f: {  	_ =	shalt  }
0x40: {  	_ =	shalt  }
0x41: {  	_ =	shalt  }
0x42: {  	_ =	shalt  }
0x43: {  	_ =	shalt  }
0x44: {  	_ =	shalt  }
0x45: {  	_ =	shalt  }
0x46: {  	_ =	shalt  }
0x47: {  	_ =	shalt  }
0x48: {  	_ =	shalt  }
0x49: {  	_ =	shalt  }
0x4a: {  	_ =	shalt  }
0x4b: {  	_ =	shalt  }
0x4c: {  	_ =	shalt  }
0x4d: {  	_ =	shalt  }
0x4e: {  	_ =	shalt  }
0x4f: {  	_ =	shalt  }
0x50: {  	_ =	shalt  }
0x51: {  	_ =	shalt  }
0x52: {  	_ =	shalt  }
0x53: {  	_ =	shalt  }
0x54: {  	_ =	shalt  }
0x55: {  	_ =	shalt  }
0x56: {  	_ =	shalt  }
0x57: {  	_ =	shalt  }
0x58: {  	_ =	shalt  }
0x59: {  	_ =	shalt  }
0x5a: {  	_ =	shalt  }
0x5b: {  	_ =	shalt  }
0x5c: {  	_ =	shalt  }
0x5d: {  	_ =	shalt  }
0x5e: {  	_ =	shalt  }
0x5f: {  	_ =	shalt  }
0x60: {  	_ =	shalt  }
0x61: {  	_ =	shalt  }
0x62: {  	_ =	shalt  }
0x63: {  	_ =	shalt  }
0x64: {  	_ =	shalt  }
0x65: {  	_ =	shalt  }
0x66: {  	_ =	shalt  }
0x67: {  	_ =	shalt  }
0x68: {  	_ =	shalt  }
0x69: {  	_ =	shalt  }
0x6a: {  	_ =	shalt  }
0x6b: {  	_ =	shalt  }
0x6c: {  	_ =	shalt  }
0x6d: {  	_ =	shalt  }
0x6e: {  	_ =	shalt  }
0x6f: {  	_ =	shalt  }
0x70: {  	_ =	shalt  }
0x71: {  	_ =	shalt  }
0x72: {  	_ =	shalt  }
0x73: {  	_ =	shalt  }
0x74: {  	_ =	shalt  }
0x75: {  	_ =	shalt  }
0x76: {  	_ =	shalt  }
0x77: {  	_ =	shalt  }
0x78: {  	_ =	shalt  }
0x79: {  	_ =	shalt  }
0x7a: {  	_ =	shalt  }
0x7b: {  	_ =	shalt  }
0x7c: {  	_ =	shalt  }
0x7d: {  	_ =	shalt  }
0x7e: {  	_ =	shalt  }
0x7f: {  	_ =	shalt  }
0x80: {  	_ =	shalt  }
0x81: {  	_ =	shalt  }
0x82: {  	_ =	shalt  }
0x83: {  	_ =	shalt  }
0x84: {  	_ =	shalt  }
0x85: {  	_ =	shalt  }
0x86: {  	_ =	shalt  }
0x87: {  	_ =	shalt  }
.Lfunc_end0:
.L_simem_size_0:
called_computation.1_lowered:
.L_overlay_start_0:
0x88: {  	s2 =	sld [smem:$0x3FD9]  }
0x89: {  	s3 =	sld [smem:$0x3FFE];
	_ =	sdelay $0x1  }
0x8a: {  	s1 =	srdreg.scid  }
0x8b: {  	s0 =	sand.u32 $0x1, s1  }
0x8c: {  	s17 =	sshll.u32 s0, $0xA;
	s2 =	sadd.s32 s3, s2  }
0x8d: {  	s2 =	sadd.s32 s2, s17  }
0x8e: {  	[smem:$0x3FBA] =	sst s2  }
0x8f: {  	_ = 	snop  }
0x90: {  	(tm) =	ssettm $0x1  }
0x91: {  	s18 =	sld [smem:$0x3FFB];
	_ =	sdelay $0x3  }
0x92: {  	_ =	strace s18  }
0x93: {  	s2 =	sld [smem:$0x3FFC];
	_ =	sdelay $0x3  }
0x94: {  	_ =	strace s2  }
0x95: {  	s2 =	sld [smem:$0x3FFD];
	_ =	sdelay $0x3  }
0x96: {  	_ =	strace s2  }
0x97: {  	_ =	strace $0x8FFFFFFF  }
0x98: {  	s19 =	sld [smem:$0x3FDB];
	_ =	sdelay $0x1  }
0x99: {  	s20 =	simm.s32 $_scs_section_size  }
0x9a: {  	s4 =	simm.s32 $_size__tile_overlayer_lowered;
	s5 =	simm.s32 $_tile_overlayer_lowered  }
0x9b: {  	s6 =	simm.s32 $0x1BFF;
	s21 =	sshll.u32 s5, $0x1;
	s3 =	sadd.s32 s20, s19  }
0x9c: {  	s22 =	simm.s32 $0x0;
	s4 =	sshll.u32 s4, $0x1;
	s5 =	sadd.s32 s21, s3  }
0x9d: {  	[timem:s22], [sflag:s6] =	dma.local [hbm:s5], s4  }
0x9e: {  	_ =	swait.ge [sflag:s6], s4  }
0x9f: {  	s4 =	ssub.s32 $0x0, s4;
	[sflag:s6] =	ssyncset.done $0x0  }
0xa0: {  	[sflag:s6] =	ssyncadd.s32 s4;
	_ =	sdelay $0x1  }
0xa1: {  	s23 =	simm.s32 $0x1B8B  }
0xa2: {  	_ =	swait.ge [sflag:s23], $0x1  }
0xa3: {  	[sflag:s23] =	ssyncset.done $0x0  }
0xa4: {  	[sflag:s23] =	ssyncadd.s32 $0xFFFFFFFF  }
0xa5: {  	s4 =	sld [smem:$0x0]  }
0xa6: {  	s5 =	sand.u32 $0xFFFFFFFE, s1  }
0xa7: {  	p0 =	sne.s32 s1, s5  }
0xa8: {  	s5 =	sshll.u32 @p0 s5, $0xE  }
0xa9: {  	s5 =	sadd.s32 @p0 $0x11B8D, s5;
	s6 =	sshll.u32 @p0 s4, $0x11  }
0xaa: {  	s5 =	sor.u32 @p0 s6, s5  }
0xab: {  	[sflag:s5] =	ssyncadd.remote.s32 @p0 $0x1;
	_ =	sdelay $0x1  }
0xac: {  	s5 =	simm.s32 @p0 $0x1B8D  }
0xad: {  	_ =	swait.eq @p0 [sflag:s5], $0x1  }
0xae: {  	[sflag:s5] =	ssyncadd.s32 @p0 $0xFFFFFFFF  }
0xaf: {  	s6 =	sshll.u32 @!p0 s1, $0xE  }
0xb0: {  	s6 =	sor.u32 @!p0 $0x4000, s6;
	s5 =	simm.s32 @!p0 $0x1B8D  }
0xb1: {  	s4 =	sshll.u32 @!p0 s4, $0x11;
	s6 =	sadd.s32 @!p0 $0x11B8D, s6;
	_ =	swait.eq @!p0 [sflag:s5], $0x1  }
0xb2: {  	s4 =	sor.u32 @!p0 s4, s6;
	[sflag:s5] =	ssyncadd.s32 @!p0 $0xFFFFFFFF  }
0xb3: {  	s25 =	simm.s32 $0x1B8E;
	s24 =	sld [smem:$0x3FFE];
	[sflag:s4] =	ssyncadd.remote.s32 @!p0 $0x1  }
0xb4: {  	s26 =	simm.s32 $execute0_lowered;
	[smem:$0x3FD2] =	sst s25  }
0xb5: {  	s5 =	sshll.u32 s26, $0x1;
	_ =	strace $0x80000049;
	[dreg:$0x1] =	wrdreg $0xFFFFFFFF  }
0xb6: {  	s28 =	simm.s32 $_size_execute0_lowered;
	s3 =	sadd.s32 s3, s5;
	[dreg:$0x0] =	wrdreg $0x0  }
0xb7: {  	s5 =	sshll.u32 s28, $0x1;
	[dreg:$0x2] =	wrdreg s3  }
0xb8: {  	[dreg:$0x3] =	wrdreg s5  }
0xb9: {  	[dreg:$0x4] =	wrdreg $0xC0  }
0xba: {  	_ =	task [dreg:s22], $0x5FFFF  }
0xbb: {  	[dreg:$0x1] =	wrdreg $0xFFFFFFFF  }
0xbc: {  	[dreg:$0x0] =	wrdreg $0x60  }
0xbd: {  	[dreg:$0x2] =	wrdreg s24  }
0xbe: {  	[dreg:$0x3] =	wrdreg $0xA  }
0xbf: {  	_ =	task.clear_ibuf [dreg:s22], $0x4FFFF;
	_ =	strace $0x90000049  }
0xc0: {  	s29 =	simm.s32 $0xA;
	_ =	strace $0x8000004B  }
0xc1: {  	_ =	swait.ge [sflag:s29], $0x1  }
0xc2: {  	[sflag:s29] =	ssyncadd.s32 $0xFFFFFFFF  }
0xc3: {  	_ =	strace $0x9000004B  }
0xc4: {  	_ =	sfence  }
0xc5: {  	s30 =	sld [smem:$0x0];
	_ =	sdelay $0x2  }
0xc6: {  	s31 =	sshll.u32 s1, $0xD;
	s1 =	sshrl.u32 s1, $0x2  }
0xc7: {  	s4 =	sand.u32 $0x4000, s31;
	s1 =	sadd.s32 s1, s30  }
0xc8: {  	s0 =	sor.u32 s4, s0;
	s1 =	sshll.u32 s1, $0x11  }
0xc9: {  	s0 =	sor.u32 s1, s0  }
0xca: {  	s0 =	sadd.s32 $0x8F2B, s0  }
0xcb: {  	[sflag:s0] =	ssyncadd.remote.s32 $0x1  }
0xcc: {  	_ =	sfence.sel $0xFFFF  }
0xcd: {  	[dreg:$0x0] =	wrdreg $0xFFFFFFFF;
	(pc) =	sbr.abs _section_cstart, $3  }
0xce: {  	[dreg:$0x1] =	wrdreg $0xFFFFFFFF  }
0xcf: {  	_ =	task.clear_ibuf [dreg:s22], $0x2FFFF;
	_ =	strace $0x9FFFFFFF  }
0xd0: {  	(tm) =	ssettm $0x7FFFFFFF  }
0xd1: {  	_ =	shalt  }
tec
execute0_lowered:
.L_overlay_start_1:
0x0: {  	(tag) =	ssettag $0x1  }
0x1: {  	s0 =	stileid.u32  }
0x2: {  	s1 =	srdreg.scid;
	s4 =	rddreg [dreg:$0x0];
	s2 =	simm.s32 $0x0  }
0x3: {  	s10 =	simm.s32 $0x60;
	s11 =	simm.s32 $0x3300;
	s12 =	simm.s32 $0x4B00  }
0x4: {  	s13 =	simm.s32 $0x6500;
	s14 =	simm.s32 $0x7D00;
	s15 =	simm.s32 $0x9700  }
0x5: {  	s16 =	simm.s32 $0xAF00;
	s17 =	simm.s32 $0xC900;
	s18 =	simm.s32 $0x1  }
0x6: {  	s19 =	simm.s32 $0x0;
	s5 =	sand.u32 $0x1, s1;
	s1 =	rddreg [dreg:$0x1]  }
0x7: {  	s3 =	sshll.u32 s0, $0x1;
	[smem:$0x7FF] =	sst s2;
	s7 =	smul.u32 $0x19000, s0  }
0x8: {  	s3 =	sor.u32 s5, s3;
	s8 =	ssub.s32 $0x2, s5;
	s5 =	smul.u32 $0xC800, s5  }
0x9: {  	_ =	strace $0x8000004A;
	s6 =	smul.u32 $0x1900, s3;
	s9 =	sshrl.u32 s8, $0x1  }
0xa: {  	s3 =	sadd.s32 $0x5000, s4;
	s7 =	sadd.s32 s7, s4;
	s31 =	ssub.s32 s8, s9  }
0xb: {  	s7 =	sadd.s32 s5, s7;
	s8 =	simm.s32 $0x68;
	s6 =	sshrl.u32 s6, $0x3  }
0xc: {  	s9 =	simm.s32 $0x1900;
	s5 =	smax.u32 s31, $0x1;
	s4 =	sadd.s32 s4, s6  }
0xd: {  	s6 =	sadd.s32 $0x4BB600, s7;
	s7 =	simm.s32 $0x2;
	s4 =	sadd.s32 $0xCEA00, s4  }
.LBB2_1:
0xe: {  	[tilespmem:s2], [sflag:$0x2] =	stream.linear.gather [hbm4b:s4+s2], $0x1900, $0x38;
	[tilespmem:$0xE100] =	vst v63  }
0xf: {  	_ =	swait.ge [sflag:s7], $0x1900  }
0x10: {  	[sflag:s7] =	ssyncset.done $0x0  }
0x11: {  	s20 =	simm.s32 $0x0;
	[sflag:s7] =	ssyncadd.s32 $0xFFFFE700  }
0x12: {  	[tilespmem:s9], [sflag:$0x1] =	stream.indirect.gather [hbm4b:s3+s8], $0x40, s20, s8, $0xb8;
	[tilespmem:$0xE100] =	vst v63  }
0x13: {  	s24 =	simm.s32 $0x68  }
0x14: {  	[tilespmem:s11], [sflag:$0x1] =	stream.indirect.gather [hbm4b:s3+s10], $0x40, s24, s10, $0xb8;
	[tilespmem:$0xE100] =	vst v63  }
0x15: {  	s25 =	simm.s32 $0xC8  }
0x16: {  	[tilespmem:s12], [sflag:$0x1] =	stream.indirect.gather [hbm4b:s3+s8], $0x40, s25, s8, $0xb8;
	[tilespmem:$0xE100] =	vst v63  }
0x17: {  	s26 =	simm.s32 $0x130  }
0x18: {  	[tilespmem:s13], [sflag:$0x1] =	stream.indirect.gather [hbm4b:s3+s10], $0x40, s26, s10, $0xb8;
	[tilespmem:$0xE100] =	vst v63  }
0x19: {  	s28 =	simm.s32 $0x190  }
0x1a: {  	[tilespmem:s14], [sflag:$0x1] =	stream.indirect.gather [hbm4b:s3+s8], $0x40, s28, s8, $0xb8;
	[tilespmem:$0xE100] =	vst v63  }
0x1b: {  	s29 =	simm.s32 $0x1F8  }
0x1c: {  	[tilespmem:s15], [sflag:$0x1] =	stream.indirect.gather [hbm4b:s3+s10], $0x40, s29, s10, $0xb8;
	[tilespmem:$0xE100] =	vst v63  }
0x1d: {  	s30 =	simm.s32 $0x258  }
0x1e: {  	[tilespmem:s16], [sflag:$0x1] =	stream.indirect.gather [hbm4b:s3+s8], $0x40, s30, s8, $0xb8;
	[tilespmem:$0xE100] =	vst v63  }
0x1f: {  	s31 =	simm.s32 $0x2C0  }
0x20: {  	[tilespmem:s17], [sflag:$0x1] =	stream.indirect.gather [hbm4b:s3+s10], $0x40, s31, s10, $0xb8;
	[tilespmem:$0xE100] =	vst v63  }
0x21: {  	_ =	swait.ge [sflag:s18], $0x1A00  }
0x22: {  	[sflag:s18] =	ssyncset.done $0x0  }
0x23: {  	[sflag:s18] =	ssyncadd.s32 $0xFFFFE600  }
0x24: {  	_ =	swait.ge [sflag:s18], $0x1800  }
0x25: {  	[sflag:s18] =	ssyncset.done $0x0  }
0x26: {  	[sflag:s18] =	ssyncadd.s32 $0xFFFFE800  }
0x27: {  	_ =	swait.ge [sflag:s18], $0x1A00  }
0x28: {  	[sflag:s18] =	ssyncset.done $0x0  }
0x29: {  	[sflag:s18] =	ssyncadd.s32 $0xFFFFE600  }
0x2a: {  	_ =	swait.ge [sflag:s18], $0x1800  }
0x2b: {  	[sflag:s18] =	ssyncset.done $0x0  }
0x2c: {  	[sflag:s18] =	ssyncadd.s32 $0xFFFFE800  }
0x2d: {  	_ =	swait.ge [sflag:s18], $0x1A00  }
0x2e: {  	[sflag:s18] =	ssyncset.done $0x0  }
0x2f: {  	[sflag:s18] =	ssyncadd.s32 $0xFFFFE600  }
0x30: {  	_ =	swait.ge [sflag:s18], $0x1800  }
0x31: {  	[sflag:s18] =	ssyncset.done $0x0  }
0x32: {  	[sflag:s18] =	ssyncadd.s32 $0xFFFFE800  }
0x33: {  	_ =	swait.ge [sflag:s18], $0x1A00  }
0x34: {  	[sflag:s18] =	ssyncset.done $0x0  }
0x35: {  	[sflag:s18] =	ssyncadd.s32 $0xFFFFE600  }
0x36: {  	_ =	swait.ge [sflag:s18], $0x1800  }
0x37: {  	[sflag:s18] =	ssyncset.done $0x0  }
0x38: {  	[sflag:s18] =	ssyncadd.s32 $0xFFFFE800  }
0x39: {  	[hbm4b:s6+s2] =	stream.linear.scatter [tilespmem:s9], [sflag:$0x2], $0xC800, $0x38;
	[tilespmem:$0xE100] =	vst v63  }
0x3a: {  	s21 =	simm.s32 $0xC80;
	_ =	swait.ge [sflag:s7], $0xC800  }
0x3b: {  	s23 =	simm.s32 $0x1900;
	s20 =	sadd.s32 $0x1900, s6;
	[sflag:s7] =	ssyncset.done $0x0  }
.LBB2_2:
0x3c: {  	s24 =	sshra.s32 s21, $0x2  }
0x3d: {  	[sflag:s7] =	ssyncadd.s32 $0xFFFF3800;
	s21 =	smov.u32 s23;
	s22 =	sadd.s32 $0xC80, s23  }
0x3e: {  	[tilespmem:s9], [sflag:$0x1] =	stream.indirect.gather [hbm4b:s3+s8], $0x40, s24, s8, $0xb8;
	[tilespmem:$0xE100] =	vst v63  }
0x3f: {  	p0 =	sne.s32 s23, $0x5780;
	s23 =	sadd.s32 $0x68, s24  }
0x40: {  	[tilespmem:s11], [sflag:$0x1] =	stream.indirect.gather [hbm4b:s3+s10], $0x40, s23, s10, $0xb8;
	[tilespmem:$0xE100] =	vst v63  }
0x41: {  	s23 =	sadd.s32 $0xC8, s24  }
0x42: {  	[tilespmem:s12], [sflag:$0x1] =	stream.indirect.gather [hbm4b:s3+s8], $0x40, s23, s8, $0xb8;
	[tilespmem:$0xE100] =	vst v63  }
0x43: {  	s23 =	sadd.s32 $0x130, s24  }
0x44: {  	[tilespmem:s13], [sflag:$0x1] =	stream.indirect.gather [hbm4b:s3+s10], $0x40, s23, s10, $0xb8;
	[tilespmem:$0xE100] =	vst v63  }
0x45: {  	s23 =	sadd.s32 $0x190, s24  }
0x46: {  	[tilespmem:s14], [sflag:$0x1] =	stream.indirect.gather [hbm4b:s3+s8], $0x40, s23, s8, $0xb8;
	[tilespmem:$0xE100] =	vst v63  }
0x47: {  	s23 =	sadd.s32 $0x1F8, s24  }
0x48: {  	[tilespmem:s15], [sflag:$0x1] =	stream.indirect.gather [hbm4b:s3+s10], $0x40, s23, s10, $0xb8;
	[tilespmem:$0xE100] =	vst v63  }
0x49: {  	s23 =	sadd.s32 $0x258, s24  }
0x4a: {  	[tilespmem:s16], [sflag:$0x1] =	stream.indirect.gather [hbm4b:s3+s8], $0x40, s23, s8, $0xb8;
	[tilespmem:$0xE100] =	vst v63  }
0x4b: {  	s23 =	sadd.s32 $0x2C0, s24  }
0x4c: {  	[tilespmem:s17], [sflag:$0x1] =	stream.indirect.gather [hbm4b:s3+s10], $0x40, s23, s10, $0xb8;
	[tilespmem:$0xE100] =	vst v63  }
0x4d: {  	_ =	swait.ge [sflag:s18], $0x1A00  }
0x4e: {  	[sflag:s18] =	ssyncset.done $0x0  }
0x4f: {  	[sflag:s18] =	ssyncadd.s32 $0xFFFFE600  }
0x50: {  	_ =	swait.ge [sflag:s18], $0x1800  }
0x51: {  	[sflag:s18] =	ssyncset.done $0x0  }
0x52: {  	[sflag:s18] =	ssyncadd.s32 $0xFFFFE800  }
0x53: {  	_ =	swait.ge [sflag:s18], $0x1A00  }
0x54: {  	[sflag:s18] =	ssyncset.done $0x0  }
0x55: {  	[sflag:s18] =	ssyncadd.s32 $0xFFFFE600  }
0x56: {  	_ =	swait.ge [sflag:s18], $0x1800  }
0x57: {  	[sflag:s18] =	ssyncset.done $0x0  }
0x58: {  	[sflag:s18] =	ssyncadd.s32 $0xFFFFE800  }
0x59: {  	_ =	swait.ge [sflag:s18], $0x1A00  }
0x5a: {  	[sflag:s18] =	ssyncset.done $0x0  }
0x5b: {  	[sflag:s18] =	ssyncadd.s32 $0xFFFFE600  }
0x5c: {  	_ =	swait.ge [sflag:s18], $0x1800  }
0x5d: {  	[sflag:s18] =	ssyncset.done $0x0  }
0x5e: {  	[sflag:s18] =	ssyncadd.s32 $0xFFFFE800  }
0x5f: {  	_ =	swait.ge [sflag:s18], $0x1A00  }
0x60: {  	[sflag:s18] =	ssyncset.done $0x0  }
0x61: {  	[sflag:s18] =	ssyncadd.s32 $0xFFFFE600  }
0x62: {  	_ =	swait.ge [sflag:s18], $0x1800  }
.Ltmp0:
0x63: {  	[sflag:s18] =	ssyncset.done $0x0;
	(pc) =	sbr.rel @p0 .LBB2_2-.Ltmp0, $4  }
0x64: {  	[sflag:s18] =	ssyncadd.s32 $0xFFFFE800  }
0x65: {  	[hbm4b:s20+s2] =	stream.linear.scatter [tilespmem:s9], [sflag:$0x2], $0xC800, $0x38;
	[tilespmem:$0xE100] =	vst v63  }
0x66: {  	_ =	swait.ge [sflag:s7], $0xC800  }
0x67: {  	s23 =	smov.u32 s22;
	s20 =	sadd.s32 $0x1900, s20;
	[sflag:s7] =	ssyncset.done $0x0  }
0x68: {  	s21 =	sshra.s32 s21, $0x2;
	[sflag:s7] =	ssyncadd.s32 $0xFFFF3800  }
0x69: {  	[tilespmem:s9], [sflag:$0x1] =	stream.indirect.gather [hbm4b:s3+s8], $0x40, s21, s8, $0xb8;
	[tilespmem:$0xE100] =	vst v63  }
0x6a: {  	s22 =	sadd.s32 $0x68, s21  }
0x6b: {  	[tilespmem:s11], [sflag:$0x1] =	stream.indirect.gather [hbm4b:s3+s10], $0x40, s22, s10, $0xb8;
	[tilespmem:$0xE100] =	vst v63  }
0x6c: {  	s26 =	sadd.s32 $0xC8, s21  }
0x6d: {  	[tilespmem:s12], [sflag:$0x1] =	stream.indirect.gather [hbm4b:s3+s8], $0x40, s26, s8, $0xb8;
	[tilespmem:$0xE100] =	vst v63  }
0x6e: {  	s28 =	sadd.s32 $0x130, s21  }
0x6f: {  	[tilespmem:s13], [sflag:$0x1] =	stream.indirect.gather [hbm4b:s3+s10], $0x40, s28, s10, $0xb8;
	[tilespmem:$0xE100] =	vst v63  }
0x70: {  	s29 =	sadd.s32 $0x190, s21  }
0x71: {  	[tilespmem:s14], [sflag:$0x1] =	stream.indirect.gather [hbm4b:s3+s8], $0x40, s29, s8, $0xb8;
	[tilespmem:$0xE100] =	vst v63  }
0x72: {  	s30 =	sadd.s32 $0x1F8, s21  }
0x73: {  	[tilespmem:s15], [sflag:$0x1] =	stream.indirect.gather [hbm4b:s3+s10], $0x40, s30, s10, $0xb8;
	[tilespmem:$0xE100] =	vst v63  }
0x74: {  	s31 =	sadd.s32 $0x258, s21  }
0x75: {  	[tilespmem:s16], [sflag:$0x1] =	stream.indirect.gather [hbm4b:s3+s8], $0x40, s31, s8, $0xb8;
	[tilespmem:$0xE100] =	vst v63  }
0x76: {  	s21 =	sadd.s32 $0x2C0, s21  }
0x77: {  	[tilespmem:s17], [sflag:$0x1] =	stream.indirect.gather [hbm4b:s3+s10], $0x40, s21, s10, $0xb8;
	[tilespmem:$0xE100] =	vst v63  }
0x78: {  	_ =	swait.ge [sflag:s18], $0x1A00  }
0x79: {  	[sflag:s18] =	ssyncset.done $0x0  }
0x7a: {  	[sflag:s18] =	ssyncadd.s32 $0xFFFFE600  }
0x7b: {  	_ =	swait.ge [sflag:s18], $0x1800  }
0x7c: {  	[sflag:s18] =	ssyncset.done $0x0  }
0x7d: {  	[sflag:s18] =	ssyncadd.s32 $0xFFFFE800  }
0x7e: {  	_ =	swait.ge [sflag:s18], $0x1A00  }
0x7f: {  	[sflag:s18] =	ssyncset.done $0x0  }
0x80: {  	[sflag:s18] =	ssyncadd.s32 $0xFFFFE600  }
0x81: {  	_ =	swait.ge [sflag:s18], $0x1800  }
0x82: {  	[sflag:s18] =	ssyncset.done $0x0  }
0x83: {  	[sflag:s18] =	ssyncadd.s32 $0xFFFFE800  }
0x84: {  	_ =	swait.ge [sflag:s18], $0x1A00  }
0x85: {  	[sflag:s18] =	ssyncset.done $0x0  }
0x86: {  	[sflag:s18] =	ssyncadd.s32 $0xFFFFE600  }
0x87: {  	_ =	swait.ge [sflag:s18], $0x1800  }
0x88: {  	[sflag:s18] =	ssyncset.done $0x0  }
0x89: {  	[sflag:s18] =	ssyncadd.s32 $0xFFFFE800  }
0x8a: {  	_ =	swait.ge [sflag:s18], $0x1A00  }
0x8b: {  	[sflag:s18] =	ssyncset.done $0x0  }
0x8c: {  	[sflag:s18] =	ssyncadd.s32 $0xFFFFE600  }
0x8d: {  	s19 =	sadd.s32 $0x1, s19;
	_ =	swait.ge [sflag:s18], $0x1800  }
0x8e: {  	p0 =	sne.s32 s19, s5;
	[sflag:s18] =	ssyncset.done $0x0  }
.Ltmp1:
0x8f: {  	[sflag:s18] =	ssyncadd.s32 $0xFFFFE800;
	(pc) =	sbr.rel @p0 .LBB2_1-.Ltmp1, $4  }
0x90: {  	[hbm4b:s20+s2] =	stream.linear.scatter [tilespmem:s9], [sflag:$0x2], $0xC800, $0x38;
	[tilespmem:$0xE100] =	vst v63  }
0x91: {  	_ =	swait.ge [sflag:s7], $0xC800  }
0x92: {  	[sflag:s7] =	ssyncset.done $0x0  }
0x93: {  	[sflag:s7] =	ssyncadd.s32 $0xFFFF3800  }
0x94: {  	_ =	sfence.sel $0x180000  }
0x95: {  	[bflag:$0x0] =	sbarrier.arrive $0xFFFF  }
0x96: {  	p0 =	sne.s32 s0, $0x0;
	_ =	strace $0x9000004A  }
0x97: {  	s0 =	sadd.s32 @!p0 $0x100000, s1;
	[bflag:$0x2] =	sbarrier.arrive $0xFFFF  }
0x98: {  	[sflag:s0] =	ssyncadd.tile.s32 @!p0 $0x1;
	_ =	shalt  }
.Lfunc_end2:
_tile_overlayer_lowered:
.L_overlay_start_2:
0x99: {  	(tag) =	ssettag $0x2  }
0x9a: {  	s0 =	rddreg [dreg:$0x0];
	s2 =	stileid.u32  }
0x9b: {  	s1 =	rddreg [dreg:$0x1];
	p0 =	sne.s32 s2, $0x0  }
0x9c: {  	s3 =	rddreg [dreg:$0x2];
	[bflag:$0x3] =	sbarrier.arrive $0xFFFF;
	s2 =	simm.s32 @!p0 $0x1C02  }
0x9d: {  	[timem:s3], [sflag:s2] =	dma.local @!p0 [hbm:s0], s1  }
0x9e: {  	s0 =	simm.s32 @!p0 $0x2  }
0x9f: {  	_ =	swait.ge @!p0 [sflag:s0], s1  }
0xa0: {  	s1 =	ssub.s32 @!p0 $0x0, s1;
	[sflag:s0] =	ssyncset.done @!p0 $0x0  }
0xa1: {  	[sflag:s0] =	ssyncadd.s32 @!p0 s1  }
0xa2: {  	[bflag:$0x3] =	sbarrier.arrive $0xFFFF  }
0xa3: {  	_ =	shalt  }

// kernel: kernel.17.cloned.1.call-start
scs
__scs_entry_jumppad:
0x0: {  	(pc) =	sbr.rel $0x88, $3  }
0x1: {  	(tag) =	ssettag $0x0;
	lr =	simm.s32 $0x1  }
0x2: {  	[smem:$0x3F93] =	sst lr;
	_ =	strace $0xD0000000  }
0x3: {  	_ = 	snop  }
0x4: {  	_ = 	snop  }
0x5: {  	_ = 	snop  }
0x6: {  	_ = 	snop  }
0x7: {  	_ = 	snop  }
__scs_overlays_trampoline_lowered:
0x8: {  	[smem:$0x3FA2] =	sst s0  }
0x9: {  	[smem:$0x3FA3] =	sst s1  }
0xa: {  	[smem:$0x3FA4] =	sst s2  }
0xb: {  	[smem:$0x3FA5] =	sst s3  }
0xc: {  	[smem:$0x3FA6] =	sst s4  }
0xd: {  	[smem:$0x3FA7] =	sst s5  }
0xe: {  	[smem:$0x3FA8] =	sst s6  }
0xf: {  	[smem:$0x3FA9] =	sst s7  }
0x10: {  	[smem:$0x3FAA] =	sst s8  }
0x11: {  	[smem:$0x3FAB] =	sst s9;
	s0 =	simm.s32 @!p0 $0x0  }
0x12: {  	s1 =	sld [smem:$0x3F91];
	s0 =	simm.s32 @p0 $0x1  }
0x13: {  	[smem:$0x3FAC] =	sst s0;
	s0 =	simm.s32 @!p1 $0x0  }
0x14: {  	s2 =	sld [smem:$0x3F90];
	s0 =	simm.s32 @p1 $0x1  }
0x15: {  	[smem:$0x3FAD] =	sst s0;
	s0 =	simm.s32 @!p2 $0x0  }
0x16: {  	s3 =	sld [smem:$0x3FDB];
	s0 =	simm.s32 @p2 $0x1  }
0x17: {  	s4 =	simm.s32 $0x1BF5;
	[smem:$0x3FAF] =	sst s0  }
0x18: {  	s0 =	sld [smem:$0x3F92];
	_ =	swait.ge [sflag:s4], $0x0  }
0x19: {  	s7 =	sld [smem:$0x3F93]  }
0x1a: {  	s8 =	sadd.s32 $0xFFFFE003, lr  }
0x1b: {  	s9 =	sadd.s32 $0xFFFFFEF7, lr;
	s5 =	simm.s32 $0xFFFFFFFF;
	p2 =	slt.u32 s8, $0xFFFFF086  }
0x1c: {  	p1 =	slt.u32 s9, $0xF7A;
	s5 =	simm.s32 @!p2 $0x0  }
0x1d: {  	s5 =	simm.s32 @p1 $0x1;
	p0 =	seq.s32 s7, s2  }
0x1e: {  	s7 =	smul.u32 @!p0 $0xF7A, s2;
	p2 =	seq.s32 @!p0 s5, $0x0  }
0x1f: {  	s9 =	smul.u32 $0xF7A, s1;
	s8 =	simm.s32 @!p0 $0x1BF5;
	p2 =	por !p2, p0  }
0x20: {  	[sflag:s8] =	ssyncset.s32 @!p0 $0xFFFFF086;
	s6 =	sadd.s32 @!p0 s3, s7;
	s7 =	simm.s32 @!p0 $0x108  }
0x21: {  	s3 =	sadd.s32 s3, s9;
	s6 =	sadd.s32 @!p0 $0x88, s6;
	s7 =	simm.s32 @p2 $0x1082  }
0x22: {  	[simem:s7], [sflag:s8] =	dma.local @!p0 [hbm:s6], $0xF7A  }
0x23: {  	s9 =	sor.u32 $0xD0000000, s2;
	s6 =	simm.s32 $0x108;
	_ =	swait.ge @!p0 [sflag:s8], $0x0  }
0x24: {  	s3 =	sadd.s32 $0x88, s3;
	s6 =	simm.s32 @!p1 $0x1082;
	[sflag:s4] =	ssyncset.s32 $0xFFFFF086  }
0x25: {  	[simem:s6], [sflag:s4] =	dma.local [hbm:s3], $0xF7A  }
0x26: {  	[smem:$0x3F93] =	sst s1;
	(tag) =	ssettag s2;
	_ =	strace s9  }
0x27: {  	s1 =	sld [smem:$0x3FA3]  }
0x28: {  	s2 =	sld [smem:$0x3FA4]  }
0x29: {  	s4 =	sld [smem:$0x3FA6]  }
0x2a: {  	p0 =	seq.s32 s5, $0x0;
	s5 =	sld [smem:$0x3FA7]  }
0x2b: {  	s6 =	sld [smem:$0x3FA8]  }
0x2c: {  	s7 =	sld [smem:$0x3FA9]  }
0x2d: {  	s3 =	simm.s32 $0x108;
	s8 =	sld [smem:$0x3FAA]  }
0x2e: {  	s3 =	simm.s32 @!p0 $0x1082;
	s9 =	sld [smem:$0x3FAB]  }
0x2f: {  	lr =	sadd.s32 s0, s3;
	s0 =	sld [smem:$0x3FA2]  }
0x30: {  	s3 =	sld [smem:$0x3FA5]  }
0x31: {  	[smem:$0x3FAE] =	sst s10  }
0x32: {  	s10 =	sld [smem:$0x3FAC];
	_ =	sdelay $0x3  }
0x33: {  	p0 =	seq.s32 s10, $0x1;
	s10 =	sld [smem:$0x3FAE];
	_ =	sdelay $0x3  }
0x34: {  	[smem:$0x3FAE] =	sst s10  }
0x35: {  	s10 =	sld [smem:$0x3FAD];
	_ =	sdelay $0x3  }
0x36: {  	p1 =	seq.s32 s10, $0x1;
	s10 =	sld [smem:$0x3FAE];
	_ =	sdelay $0x3  }
0x37: {  	[smem:$0x3FAE] =	sst s10  }
0x38: {  	s10 =	sld [smem:$0x3FAF]  }
0x39: {  	_ = 	snop;
	(pc) =	sbr.ind lr, $3  }
0x3a: {  	_ = 	snop  }
0x3b: {  	_ = 	snop  }
0x3c: {  	p2 =	seq.s32 s10, $0x1;
	s10 =	sld [smem:$0x3FAE]  }
0x3d: {  	_ =	shalt  }
0x3e: {  	_ =	shalt  }
0x3f: {  	_ =	shalt  }
0x40: {  	_ =	shalt  }
0x41: {  	_ =	shalt  }
0x42: {  	_ =	shalt  }
0x43: {  	_ =	shalt  }
0x44: {  	_ =	shalt  }
0x45: {  	_ =	shalt  }
0x46: {  	_ =	shalt  }
0x47: {  	_ =	shalt  }
0x48: {  	_ =	shalt  }
0x49: {  	_ =	shalt  }
0x4a: {  	_ =	shalt  }
0x4b: {  	_ =	shalt  }
0x4c: {  	_ =	shalt  }
0x4d: {  	_ =	shalt  }
0x4e: {  	_ =	shalt  }
0x4f: {  	_ =	shalt  }
0x50: {  	_ =	shalt  }
0x51: {  	_ =	shalt  }
0x52: {  	_ =	shalt  }
0x53: {  	_ =	shalt  }
0x54: {  	_ =	shalt  }
0x55: {  	_ =	shalt  }
0x56: {  	_ =	shalt  }
0x57: {  	_ =	shalt  }
0x58: {  	_ =	shalt  }
0x59: {  	_ =	shalt  }
0x5a: {  	_ =	shalt  }
0x5b: {  	_ =	shalt  }
0x5c: {  	_ =	shalt  }
0x5d: {  	_ =	shalt  }
0x5e: {  	_ =	shalt  }
0x5f: {  	_ =	shalt  }
0x60: {  	_ =	shalt  }
0x61: {  	_ =	shalt  }
0x62: {  	_ =	shalt  }
0x63: {  	_ =	shalt  }
0x64: {  	_ =	shalt  }
0x65: {  	_ =	shalt  }
0x66: {  	_ =	shalt  }
0x67: {  	_ =	shalt  }
0x68: {  	_ =	shalt  }
0x69: {  	_ =	shalt  }
0x6a: {  	_ =	shalt  }
0x6b: {  	_ =	shalt  }
0x6c: {  	_ =	shalt  }
0x6d: {  	_ =	shalt  }
0x6e: {  	_ =	shalt  }
0x6f: {  	_ =	shalt  }
0x70: {  	_ =	shalt  }
0x71: {  	_ =	shalt  }
0x72: {  	_ =	shalt  }
0x73: {  	_ =	shalt  }
0x74: {  	_ =	shalt  }
0x75: {  	_ =	shalt  }
0x76: {  	_ =	shalt  }
0x77: {  	_ =	shalt  }
0x78: {  	_ =	shalt  }
0x79: {  	_ =	shalt  }
0x7a: {  	_ =	shalt  }
0x7b: {  	_ =	shalt  }
0x7c: {  	_ =	shalt  }
0x7d: {  	_ =	shalt  }
0x7e: {  	_ =	shalt  }
0x7f: {  	_ =	shalt  }
0x80: {  	_ =	shalt  }
0x81: {  	_ =	shalt  }
0x82: {  	_ =	shalt  }
0x83: {  	_ =	shalt  }
0x84: {  	_ =	shalt  }
0x85: {  	_ =	shalt  }
0x86: {  	_ =	shalt  }
0x87: {  	_ =	shalt  }
.Lfunc_end0:
.L_simem_size_0:
called_computation.2_lowered:
.L_overlay_start_0:
0x88: {  	s2 =	sld [smem:$0x3FD9]  }
0x89: {  	s3 =	sld [smem:$0x3FFE];
	_ =	sdelay $0x1  }
0x8a: {  	s1 =	srdreg.scid  }
0x8b: {  	s0 =	sand.u32 $0x1, s1  }
0x8c: {  	s17 =	sshll.u32 s0, $0xA;
	s2 =	sadd.s32 s3, s2  }
0x8d: {  	s2 =	sadd.s32 s2, s17  }
0x8e: {  	[smem:$0x3FBA] =	sst s2  }
0x8f: {  	_ = 	snop  }
0x90: {  	(tm) =	ssettm $0x1  }
0x91: {  	s18 =	sld [smem:$0x3FFB];
	_ =	sdelay $0x3  }
0x92: {  	_ =	strace s18  }
0x93: {  	s2 =	sld [smem:$0x3FFC];
	_ =	sdelay $0x3  }
0x94: {  	_ =	strace s2  }
0x95: {  	s2 =	sld [smem:$0x3FFD];
	_ =	sdelay $0x3  }
0x96: {  	_ =	strace s2  }
0x97: {  	_ =	strace $0x8FFFFFFF  }
0x98: {  	s19 =	sld [smem:$0x3FDB];
	_ =	sdelay $0x1  }
0x99: {  	s20 =	simm.s32 $_scs_section_size  }
0x9a: {  	s4 =	simm.s32 $_size__tile_overlayer_lowered;
	s5 =	simm.s32 $_tile_overlayer_lowered  }
0x9b: {  	s6 =	simm.s32 $0x1BFF;
	s21 =	sshll.u32 s5, $0x1;
	s3 =	sadd.s32 s20, s19  }
0x9c: {  	s22 =	simm.s32 $0x0;
	s4 =	sshll.u32 s4, $0x1;
	s5 =	sadd.s32 s21, s3  }
0x9d: {  	[timem:s22], [sflag:s6] =	dma.local [hbm:s5], s4  }
0x9e: {  	_ =	swait.ge [sflag:s6], s4  }
0x9f: {  	s4 =	ssub.s32 $0x0, s4;
	[sflag:s6] =	ssyncset.done $0x0  }
0xa0: {  	[sflag:s6] =	ssyncadd.s32 s4;
	_ =	sdelay $0x1  }
0xa1: {  	s23 =	simm.s32 $0x1B8B  }
0xa2: {  	_ =	swait.ge [sflag:s23], $0x1  }
0xa3: {  	[sflag:s23] =	ssyncset.done $0x0  }
0xa4: {  	[sflag:s23] =	ssyncadd.s32 $0xFFFFFFFF  }
0xa5: {  	s4 =	sld [smem:$0x0]  }
0xa6: {  	s5 =	sand.u32 $0xFFFFFFFE, s1  }
0xa7: {  	p0 =	sne.s32 s1, s5  }
0xa8: {  	s5 =	sshll.u32 @p0 s5, $0xE  }
0xa9: {  	s5 =	sadd.s32 @p0 $0x11B8D, s5;
	s6 =	sshll.u32 @p0 s4, $0x11  }
0xaa: {  	s5 =	sor.u32 @p0 s6, s5  }
0xab: {  	[sflag:s5] =	ssyncadd.remote.s32 @p0 $0x1;
	_ =	sdelay $0x1  }
0xac: {  	s5 =	simm.s32 @p0 $0x1B8D  }
0xad: {  	_ =	swait.eq @p0 [sflag:s5], $0x1  }
0xae: {  	[sflag:s5] =	ssyncadd.s32 @p0 $0xFFFFFFFF  }
0xaf: {  	s6 =	sshll.u32 @!p0 s1, $0xE  }
0xb0: {  	s6 =	sor.u32 @!p0 $0x4000, s6;
	s5 =	simm.s32 @!p0 $0x1B8D  }
0xb1: {  	s4 =	sshll.u32 @!p0 s4, $0x11;
	s6 =	sadd.s32 @!p0 $0x11B8D, s6;
	_ =	swait.eq @!p0 [sflag:s5], $0x1  }
0xb2: {  	s4 =	sor.u32 @!p0 s4, s6;
	[sflag:s5] =	ssyncadd.s32 @!p0 $0xFFFFFFFF  }
0xb3: {  	s25 =	simm.s32 $0x1B8E;
	s24 =	sld [smem:$0x3FFE];
	[sflag:s4] =	ssyncadd.remote.s32 @!p0 $0x1  }
0xb4: {  	s26 =	simm.s32 $execute0_lowered;
	[smem:$0x3FD2] =	sst s25  }
0xb5: {  	s5 =	sshll.u32 s26, $0x1;
	_ =	strace $0x8000004C;
	[dreg:$0x1] =	wrdreg $0xFFFFFFFF  }
0xb6: {  	s28 =	simm.s32 $_size_execute0_lowered;
	s3 =	sadd.s32 s3, s5;
	[dreg:$0x0] =	wrdreg $0x0  }
0xb7: {  	s5 =	sshll.u32 s28, $0x1;
	[dreg:$0x2] =	wrdreg s3  }
0xb8: {  	[dreg:$0x3] =	wrdreg s5  }
0xb9: {  	[dreg:$0x4] =	wrdreg $0xC0  }
0xba: {  	_ =	task [dreg:s22], $0x5FFFF  }
0xbb: {  	[dreg:$0x1] =	wrdreg $0xFFFFFFFF  }
0xbc: {  	[dreg:$0x0] =	wrdreg $0x60  }
0xbd: {  	[dreg:$0x2] =	wrdreg s24  }
0xbe: {  	[dreg:$0x3] =	wrdreg $0xB  }
0xbf: {  	_ =	task.clear_ibuf [dreg:s22], $0x4FFFF;
	_ =	strace $0x9000004C  }
0xc0: {  	s29 =	simm.s32 $0xB;
	_ =	strace $0x8000004E  }
0xc1: {  	_ =	swait.ge [sflag:s29], $0x1  }
0xc2: {  	[sflag:s29] =	ssyncadd.s32 $0xFFFFFFFF  }
0xc3: {  	_ =	strace $0x9000004E  }
0xc4: {  	_ =	sfence  }
0xc5: {  	s30 =	sld [smem:$0x0];
	_ =	sdelay $0x2  }
0xc6: {  	s31 =	sshll.u32 s1, $0xD;
	s1 =	sshrl.u32 s1, $0x2  }
0xc7: {  	s4 =	sand.u32 $0x4000, s31;
	s1 =	sadd.s32 s1, s30  }
0xc8: {  	s0 =	sor.u32 s4, s0;
	s1 =	sshll.u32 s1, $0x11  }
0xc9: {  	s0 =	sor.u32 s1, s0  }
0xca: {  	s0 =	sadd.s32 $0x8F2B, s0  }
0xcb: {  	[sflag:s0] =	ssyncadd.remote.s32 $0x1  }
0xcc: {  	_ =	sfence.sel $0xFFFF  }
0xcd: {  	[dreg:$0x0] =	wrdreg $0xFFFFFFFF;
	(pc) =	sbr.abs _section_cstart, $3  }
0xce: {  	[dreg:$0x1] =	wrdreg $0xFFFFFFFF  }
0xcf: {  	_ =	task.clear_ibuf [dreg:s22], $0x2FFFF;
	_ =	strace $0x9FFFFFFF  }
0xd0: {  	(tm) =	ssettm $0x7FFFFFFF  }
0xd1: {  	_ =	shalt  }
tec
execute0_lowered:
.L_overlay_start_1:
0x0: {  	(tag) =	ssettag $0x1  }
0x1: {  	s0 =	stileid.u32  }
0x2: {  	s1 =	srdreg.scid;
	s4 =	rddreg [dreg:$0x0];
	s2 =	simm.s32 $0x0  }
0x3: {  	s10 =	simm.s32 $0x60;
	s11 =	simm.s32 $0x3300;
	s12 =	simm.s32 $0x4B00  }
0x4: {  	s13 =	simm.s32 $0x6500;
	s14 =	simm.s32 $0x7D00;
	s15 =	simm.s32 $0x9700  }
0x5: {  	s16 =	simm.s32 $0xAF00;
	s17 =	simm.s32 $0xC900;
	s18 =	simm.s32 $0x1  }
0x6: {  	s19 =	simm.s32 $0x0;
	s5 =	sand.u32 $0x1, s1;
	s1 =	rddreg [dreg:$0x1]  }
0x7: {  	s3 =	sshll.u32 s0, $0x1;
	[smem:$0x7FF] =	sst s2;
	s7 =	smul.u32 $0x19000, s0  }
0x8: {  	s3 =	sor.u32 s5, s3;
	s8 =	ssub.s32 $0x2, s5;
	s5 =	smul.u32 $0xC800, s5  }
0x9: {  	_ =	strace $0x8000004D;
	s6 =	smul.u32 $0x1900, s3;
	s9 =	sshrl.u32 s8, $0x1  }
0xa: {  	s3 =	sadd.s32 $0x5000, s4;
	s7 =	sadd.s32 s7, s4;
	s31 =	ssub.s32 s8, s9  }
0xb: {  	s7 =	sadd.s32 s5, s7;
	s8 =	simm.s32 $0x68;
	s6 =	sshrl.u32 s6, $0x3  }
0xc: {  	s9 =	simm.s32 $0x1900;
	s5 =	smax.u32 s31, $0x1;
	s4 =	sadd.s32 s4, s6  }
0xd: {  	s6 =	sadd.s32 $0x64B600, s7;
	s7 =	simm.s32 $0x2;
	s4 =	sadd.s32 $0xD4E00, s4  }
.LBB2_1:
0xe: {  	[tilespmem:s2], [sflag:$0x2] =	stream.linear.gather [hbm4b:s4+s2], $0x1900, $0x38;
	[tilespmem:$0xE100] =	vst v63  }
0xf: {  	_ =	swait.ge [sflag:s7], $0x1900  }
0x10: {  	[sflag:s7] =	ssyncset.done $0x0  }
0x11: {  	s20 =	simm.s32 $0x0;
	[sflag:s7] =	ssyncadd.s32 $0xFFFFE700  }
0x12: {  	[tilespmem:s9], [sflag:$0x1] =	stream.indirect.gather [hbm4b:s3+s8], $0x40, s20, s8, $0xb8;
	[tilespmem:$0xE100] =	vst v63  }
0x13: {  	s24 =	simm.s32 $0x68  }
0x14: {  	[tilespmem:s11], [sflag:$0x1] =	stream.indirect.gather [hbm4b:s3+s10], $0x40, s24, s10, $0xb8;
	[tilespmem:$0xE100] =	vst v63  }
0x15: {  	s25 =	simm.s32 $0xC8  }
0x16: {  	[tilespmem:s12], [sflag:$0x1] =	stream.indirect.gather [hbm4b:s3+s8], $0x40, s25, s8, $0xb8;
	[tilespmem:$0xE100] =	vst v63  }
0x17: {  	s26 =	simm.s32 $0x130  }
0x18: {  	[tilespmem:s13], [sflag:$0x1] =	stream.indirect.gather [hbm4b:s3+s10], $0x40, s26, s10, $0xb8;
	[tilespmem:$0xE100] =	vst v63  }
0x19: {  	s28 =	simm.s32 $0x190  }
0x1a: {  	[tilespmem:s14], [sflag:$0x1] =	stream.indirect.gather [hbm4b:s3+s8], $0x40, s28, s8, $0xb8;
	[tilespmem:$0xE100] =	vst v63  }
0x1b: {  	s29 =	simm.s32 $0x1F8  }
0x1c: {  	[tilespmem:s15], [sflag:$0x1] =	stream.indirect.gather [hbm4b:s3+s10], $0x40, s29, s10, $0xb8;
	[tilespmem:$0xE100] =	vst v63  }
0x1d: {  	s30 =	simm.s32 $0x258  }
0x1e: {  	[tilespmem:s16], [sflag:$0x1] =	stream.indirect.gather [hbm4b:s3+s8], $0x40, s30, s8, $0xb8;
	[tilespmem:$0xE100] =	vst v63  }
0x1f: {  	s31 =	simm.s32 $0x2C0  }
0x20: {  	[tilespmem:s17], [sflag:$0x1] =	stream.indirect.gather [hbm4b:s3+s10], $0x40, s31, s10, $0xb8;
	[tilespmem:$0xE100] =	vst v63  }
0x21: {  	_ =	swait.ge [sflag:s18], $0x1A00  }
0x22: {  	[sflag:s18] =	ssyncset.done $0x0  }
0x23: {  	[sflag:s18] =	ssyncadd.s32 $0xFFFFE600  }
0x24: {  	_ =	swait.ge [sflag:s18], $0x1800  }
0x25: {  	[sflag:s18] =	ssyncset.done $0x0  }
0x26: {  	[sflag:s18] =	ssyncadd.s32 $0xFFFFE800  }
0x27: {  	_ =	swait.ge [sflag:s18], $0x1A00  }
0x28: {  	[sflag:s18] =	ssyncset.done $0x0  }
0x29: {  	[sflag:s18] =	ssyncadd.s32 $0xFFFFE600  }
0x2a: {  	_ =	swait.ge [sflag:s18], $0x1800  }
0x2b: {  	[sflag:s18] =	ssyncset.done $0x0  }
0x2c: {  	[sflag:s18] =	ssyncadd.s32 $0xFFFFE800  }
0x2d: {  	_ =	swait.ge [sflag:s18], $0x1A00  }
0x2e: {  	[sflag:s18] =	ssyncset.done $0x0  }
0x2f: {  	[sflag:s18] =	ssyncadd.s32 $0xFFFFE600  }
0x30: {  	_ =	swait.ge [sflag:s18], $0x1800  }
0x31: {  	[sflag:s18] =	ssyncset.done $0x0  }
0x32: {  	[sflag:s18] =	ssyncadd.s32 $0xFFFFE800  }
0x33: {  	_ =	swait.ge [sflag:s18], $0x1A00  }
0x34: {  	[sflag:s18] =	ssyncset.done $0x0  }
0x35: {  	[sflag:s18] =	ssyncadd.s32 $0xFFFFE600  }
0x36: {  	_ =	swait.ge [sflag:s18], $0x1800  }
0x37: {  	[sflag:s18] =	ssyncset.done $0x0  }
0x38: {  	[sflag:s18] =	ssyncadd.s32 $0xFFFFE800  }
0x39: {  	[hbm4b:s6+s2] =	stream.linear.scatter [tilespmem:s9], [sflag:$0x2], $0xC800, $0x38;
	[tilespmem:$0xE100] =	vst v63  }
0x3a: {  	s21 =	simm.s32 $0xC80;
	_ =	swait.ge [sflag:s7], $0xC800  }
0x3b: {  	s23 =	simm.s32 $0x1900;
	s20 =	sadd.s32 $0x1900, s6;
	[sflag:s7] =	ssyncset.done $0x0  }
.LBB2_2:
0x3c: {  	s24 =	sshra.s32 s21, $0x2  }
0x3d: {  	[sflag:s7] =	ssyncadd.s32 $0xFFFF3800;
	s21 =	smov.u32 s23;
	s22 =	sadd.s32 $0xC80, s23  }
0x3e: {  	[tilespmem:s9], [sflag:$0x1] =	stream.indirect.gather [hbm4b:s3+s8], $0x40, s24, s8, $0xb8;
	[tilespmem:$0xE100] =	vst v63  }
0x3f: {  	p0 =	sne.s32 s23, $0x5780;
	s23 =	sadd.s32 $0x68, s24  }
0x40: {  	[tilespmem:s11], [sflag:$0x1] =	stream.indirect.gather [hbm4b:s3+s10], $0x40, s23, s10, $0xb8;
	[tilespmem:$0xE100] =	vst v63  }
0x41: {  	s23 =	sadd.s32 $0xC8, s24  }
0x42: {  	[tilespmem:s12], [sflag:$0x1] =	stream.indirect.gather [hbm4b:s3+s8], $0x40, s23, s8, $0xb8;
	[tilespmem:$0xE100] =	vst v63  }
0x43: {  	s23 =	sadd.s32 $0x130, s24  }
0x44: {  	[tilespmem:s13], [sflag:$0x1] =	stream.indirect.gather [hbm4b:s3+s10], $0x40, s23, s10, $0xb8;
	[tilespmem:$0xE100] =	vst v63  }
0x45: {  	s23 =	sadd.s32 $0x190, s24  }
0x46: {  	[tilespmem:s14], [sflag:$0x1] =	stream.indirect.gather [hbm4b:s3+s8], $0x40, s23, s8, $0xb8;
	[tilespmem:$0xE100] =	vst v63  }
0x47: {  	s23 =	sadd.s32 $0x1F8, s24  }
0x48: {  	[tilespmem:s15], [sflag:$0x1] =	stream.indirect.gather [hbm4b:s3+s10], $0x40, s23, s10, $0xb8;
	[tilespmem:$0xE100] =	vst v63  }
0x49: {  	s23 =	sadd.s32 $0x258, s24  }
0x4a: {  	[tilespmem:s16], [sflag:$0x1] =	stream.indirect.gather [hbm4b:s3+s8], $0x40, s23, s8, $0xb8;
	[tilespmem:$0xE100] =	vst v63  }
0x4b: {  	s23 =	sadd.s32 $0x2C0, s24  }
0x4c: {  	[tilespmem:s17], [sflag:$0x1] =	stream.indirect.gather [hbm4b:s3+s10], $0x40, s23, s10, $0xb8;
	[tilespmem:$0xE100] =	vst v63  }
0x4d: {  	_ =	swait.ge [sflag:s18], $0x1A00  }
0x4e: {  	[sflag:s18] =	ssyncset.done $0x0  }
0x4f: {  	[sflag:s18] =	ssyncadd.s32 $0xFFFFE600  }
0x50: {  	_ =	swait.ge [sflag:s18], $0x1800  }
0x51: {  	[sflag:s18] =	ssyncset.done $0x0  }
0x52: {  	[sflag:s18] =	ssyncadd.s32 $0xFFFFE800  }
0x53: {  	_ =	swait.ge [sflag:s18], $0x1A00  }
0x54: {  	[sflag:s18] =	ssyncset.done $0x0  }
0x55: {  	[sflag:s18] =	ssyncadd.s32 $0xFFFFE600  }
0x56: {  	_ =	swait.ge [sflag:s18], $0x1800  }
0x57: {  	[sflag:s18] =	ssyncset.done $0x0  }
0x58: {  	[sflag:s18] =	ssyncadd.s32 $0xFFFFE800  }
0x59: {  	_ =	swait.ge [sflag:s18], $0x1A00  }
0x5a: {  	[sflag:s18] =	ssyncset.done $0x0  }
0x5b: {  	[sflag:s18] =	ssyncadd.s32 $0xFFFFE600  }
0x5c: {  	_ =	swait.ge [sflag:s18], $0x1800  }
0x5d: {  	[sflag:s18] =	ssyncset.done $0x0  }
0x5e: {  	[sflag:s18] =	ssyncadd.s32 $0xFFFFE800  }
0x5f: {  	_ =	swait.ge [sflag:s18], $0x1A00  }
0x60: {  	[sflag:s18] =	ssyncset.done $0x0  }
0x61: {  	[sflag:s18] =	ssyncadd.s32 $0xFFFFE600  }
0x62: {  	_ =	swait.ge [sflag:s18], $0x1800  }
.Ltmp0:
0x63: {  	[sflag:s18] =	ssyncset.done $0x0;
	(pc) =	sbr.rel @p0 .LBB2_2-.Ltmp0, $4  }
0x64: {  	[sflag:s18] =	ssyncadd.s32 $0xFFFFE800  }
0x65: {  	[hbm4b:s20+s2] =	stream.linear.scatter [tilespmem:s9], [sflag:$0x2], $0xC800, $0x38;
	[tilespmem:$0xE100] =	vst v63  }
0x66: {  	_ =	swait.ge [sflag:s7], $0xC800  }
0x67: {  	s23 =	smov.u32 s22;
	s20 =	sadd.s32 $0x1900, s20;
	[sflag:s7] =	ssyncset.done $0x0  }
0x68: {  	s21 =	sshra.s32 s21, $0x2;
	[sflag:s7] =	ssyncadd.s32 $0xFFFF3800  }
0x69: {  	[tilespmem:s9], [sflag:$0x1] =	stream.indirect.gather [hbm4b:s3+s8], $0x40, s21, s8, $0xb8;
	[tilespmem:$0xE100] =	vst v63  }
0x6a: {  	s22 =	sadd.s32 $0x68, s21  }
0x6b: {  	[tilespmem:s11], [sflag:$0x1] =	stream.indirect.gather [hbm4b:s3+s10], $0x40, s22, s10, $0xb8;
	[tilespmem:$0xE100] =	vst v63  }
0x6c: {  	s26 =	sadd.s32 $0xC8, s21  }
0x6d: {  	[tilespmem:s12], [sflag:$0x1] =	stream.indirect.gather [hbm4b:s3+s8], $0x40, s26, s8, $0xb8;
	[tilespmem:$0xE100] =	vst v63  }
0x6e: {  	s28 =	sadd.s32 $0x130, s21  }
0x6f: {  	[tilespmem:s13], [sflag:$0x1] =	stream.indirect.gather [hbm4b:s3+s10], $0x40, s28, s10, $0xb8;
	[tilespmem:$0xE100] =	vst v63  }
0x70: {  	s29 =	sadd.s32 $0x190, s21  }
0x71: {  	[tilespmem:s14], [sflag:$0x1] =	stream.indirect.gather [hbm4b:s3+s8], $0x40, s29, s8, $0xb8;
	[tilespmem:$0xE100] =	vst v63  }
0x72: {  	s30 =	sadd.s32 $0x1F8, s21  }
0x73: {  	[tilespmem:s15], [sflag:$0x1] =	stream.indirect.gather [hbm4b:s3+s10], $0x40, s30, s10, $0xb8;
	[tilespmem:$0xE100] =	vst v63  }
0x74: {  	s31 =	sadd.s32 $0x258, s21  }
0x75: {  	[tilespmem:s16], [sflag:$0x1] =	stream.indirect.gather [hbm4b:s3+s8], $0x40, s31, s8, $0xb8;
	[tilespmem:$0xE100] =	vst v63  }
0x76: {  	s21 =	sadd.s32 $0x2C0, s21  }
0x77: {  	[tilespmem:s17], [sflag:$0x1] =	stream.indirect.gather [hbm4b:s3+s10], $0x40, s21, s10, $0xb8;
	[tilespmem:$0xE100] =	vst v63  }
0x78: {  	_ =	swait.ge [sflag:s18], $0x1A00  }
0x79: {  	[sflag:s18] =	ssyncset.done $0x0  }
0x7a: {  	[sflag:s18] =	ssyncadd.s32 $0xFFFFE600  }
0x7b: {  	_ =	swait.ge [sflag:s18], $0x1800  }
0x7c: {  	[sflag:s18] =	ssyncset.done $0x0  }
0x7d: {  	[sflag:s18] =	ssyncadd.s32 $0xFFFFE800  }
0x7e: {  	_ =	swait.ge [sflag:s18], $0x1A00  }
0x7f: {  	[sflag:s18] =	ssyncset.done $0x0  }
0x80: {  	[sflag:s18] =	ssyncadd.s32 $0xFFFFE600  }
0x81: {  	_ =	swait.ge [sflag:s18], $0x1800  }
0x82: {  	[sflag:s18] =	ssyncset.done $0x0  }
0x83: {  	[sflag:s18] =	ssyncadd.s32 $0xFFFFE800  }
0x84: {  	_ =	swait.ge [sflag:s18], $0x1A00  }
0x85: {  	[sflag:s18] =	ssyncset.done $0x0  }
0x86: {  	[sflag:s18] =	ssyncadd.s32 $0xFFFFE600  }
0x87: {  	_ =	swait.ge [sflag:s18], $0x1800  }
0x88: {  	[sflag:s18] =	ssyncset.done $0x0  }
0x89: {  	[sflag:s18] =	ssyncadd.s32 $0xFFFFE800  }
0x8a: {  	_ =	swait.ge [sflag:s18], $0x1A00  }
0x8b: {  	[sflag:s18] =	ssyncset.done $0x0  }
0x8c: {  	[sflag:s18] =	ssyncadd.s32 $0xFFFFE600  }
0x8d: {  	s19 =	sadd.s32 $0x1, s19;
	_ =	swait.ge [sflag:s18], $0x1800  }
0x8e: {  	p0 =	sne.s32 s19, s5;
	[sflag:s18] =	ssyncset.done $0x0  }
.Ltmp1:
0x8f: {  	[sflag:s18] =	ssyncadd.s32 $0xFFFFE800;
	(pc) =	sbr.rel @p0 .LBB2_1-.Ltmp1, $4  }
0x90: {  	[hbm4b:s20+s2] =	stream.linear.scatter [tilespmem:s9], [sflag:$0x2], $0xC800, $0x38;
	[tilespmem:$0xE100] =	vst v63  }
0x91: {  	_ =	swait.ge [sflag:s7], $0xC800  }
0x92: {  	[sflag:s7] =	ssyncset.done $0x0  }
0x93: {  	[sflag:s7] =	ssyncadd.s32 $0xFFFF3800  }
0x94: {  	_ =	sfence.sel $0x180000  }
0x95: {  	[bflag:$0x0] =	sbarrier.arrive $0xFFFF  }
0x96: {  	p0 =	sne.s32 s0, $0x0;
	_ =	strace $0x9000004D  }
0x97: {  	s0 =	sadd.s32 @!p0 $0x100000, s1;
	[bflag:$0x2] =	sbarrier.arrive $0xFFFF  }
0x98: {  	[sflag:s0] =	ssyncadd.tile.s32 @!p0 $0x1;
	_ =	shalt  }
.Lfunc_end2:
_tile_overlayer_lowered:
.L_overlay_start_2:
0x99: {  	(tag) =	ssettag $0x2  }
0x9a: {  	s0 =	rddreg [dreg:$0x0];
	s2 =	stileid.u32  }
0x9b: {  	s1 =	rddreg [dreg:$0x1];
	p0 =	sne.s32 s2, $0x0  }
0x9c: {  	s3 =	rddreg [dreg:$0x2];
	[bflag:$0x3] =	sbarrier.arrive $0xFFFF;
	s2 =	simm.s32 @!p0 $0x1C02  }
0x9d: {  	[timem:s3], [sflag:s2] =	dma.local @!p0 [hbm:s0], s1  }
0x9e: {  	s0 =	simm.s32 @!p0 $0x2  }
0x9f: {  	_ =	swait.ge @!p0 [sflag:s0], s1  }
0xa0: {  	s1 =	ssub.s32 @!p0 $0x0, s1;
	[sflag:s0] =	ssyncset.done @!p0 $0x0  }
0xa1: {  	[sflag:s0] =	ssyncadd.s32 @!p0 s1  }
0xa2: {  	[bflag:$0x3] =	sbarrier.arrive $0xFFFF  }
0xa3: {  	_ =	shalt  }

// kernel: kernel.20.cloned.1.call-start
scs
__scs_entry_jumppad:
0x0: {  	(pc) =	sbr.rel $0x88, $3  }
0x1: {  	(tag) =	ssettag $0x0;
	lr =	simm.s32 $0x1  }
0x2: {  	[smem:$0x3F93] =	sst lr;
	_ =	strace $0xD0000000  }
0x3: {  	_ = 	snop  }
0x4: {  	_ = 	snop  }
0x5: {  	_ = 	snop  }
0x6: {  	_ = 	snop  }
0x7: {  	_ = 	snop  }
__scs_overlays_trampoline_lowered:
0x8: {  	[smem:$0x3FA2] =	sst s0  }
0x9: {  	[smem:$0x3FA3] =	sst s1  }
0xa: {  	[smem:$0x3FA4] =	sst s2  }
0xb: {  	[smem:$0x3FA5] =	sst s3  }
0xc: {  	[smem:$0x3FA6] =	sst s4  }
0xd: {  	[smem:$0x3FA7] =	sst s5  }
0xe: {  	[smem:$0x3FA8] =	sst s6  }
0xf: {  	[smem:$0x3FA9] =	sst s7  }
0x10: {  	[smem:$0x3FAA] =	sst s8  }
0x11: {  	[smem:$0x3FAB] =	sst s9;
	s0 =	simm.s32 @!p0 $0x0  }
0x12: {  	s1 =	sld [smem:$0x3F91];
	s0 =	simm.s32 @p0 $0x1  }
0x13: {  	[smem:$0x3FAC] =	sst s0;
	s0 =	simm.s32 @!p1 $0x0  }
0x14: {  	s2 =	sld [smem:$0x3F90];
	s0 =	simm.s32 @p1 $0x1  }
0x15: {  	[smem:$0x3FAD] =	sst s0;
	s0 =	simm.s32 @!p2 $0x0  }
0x16: {  	s3 =	sld [smem:$0x3FDB];
	s0 =	simm.s32 @p2 $0x1  }
0x17: {  	s4 =	simm.s32 $0x1BF5;
	[smem:$0x3FAF] =	sst s0  }
0x18: {  	s0 =	sld [smem:$0x3F92];
	_ =	swait.ge [sflag:s4], $0x0  }
0x19: {  	s7 =	sld [smem:$0x3F93]  }
0x1a: {  	s8 =	sadd.s32 $0xFFFFE003, lr  }
0x1b: {  	s9 =	sadd.s32 $0xFFFFFEF7, lr;
	s5 =	simm.s32 $0xFFFFFFFF;
	p2 =	slt.u32 s8, $0xFFFFF086  }
0x1c: {  	p1 =	slt.u32 s9, $0xF7A;
	s5 =	simm.s32 @!p2 $0x0  }
0x1d: {  	s5 =	simm.s32 @p1 $0x1;
	p0 =	seq.s32 s7, s2  }
0x1e: {  	s7 =	smul.u32 @!p0 $0xF7A, s2;
	p2 =	seq.s32 @!p0 s5, $0x0  }
0x1f: {  	s9 =	smul.u32 $0xF7A, s1;
	s8 =	simm.s32 @!p0 $0x1BF5;
	p2 =	por !p2, p0  }
0x20: {  	[sflag:s8] =	ssyncset.s32 @!p0 $0xFFFFF086;
	s6 =	sadd.s32 @!p0 s3, s7;
	s7 =	simm.s32 @!p0 $0x108  }
0x21: {  	s3 =	sadd.s32 s3, s9;
	s6 =	sadd.s32 @!p0 $0x88, s6;
	s7 =	simm.s32 @p2 $0x1082  }
0x22: {  	[simem:s7], [sflag:s8] =	dma.local @!p0 [hbm:s6], $0xF7A  }
0x23: {  	s9 =	sor.u32 $0xD0000000, s2;
	s6 =	simm.s32 $0x108;
	_ =	swait.ge @!p0 [sflag:s8], $0x0  }
0x24: {  	s3 =	sadd.s32 $0x88, s3;
	s6 =	simm.s32 @!p1 $0x1082;
	[sflag:s4] =	ssyncset.s32 $0xFFFFF086  }
0x25: {  	[simem:s6], [sflag:s4] =	dma.local [hbm:s3], $0xF7A  }
0x26: {  	[smem:$0x3F93] =	sst s1;
	(tag) =	ssettag s2;
	_ =	strace s9  }
0x27: {  	s1 =	sld [smem:$0x3FA3]  }
0x28: {  	s2 =	sld [smem:$0x3FA4]  }
0x29: {  	s4 =	sld [smem:$0x3FA6]  }
0x2a: {  	p0 =	seq.s32 s5, $0x0;
	s5 =	sld [smem:$0x3FA7]  }
0x2b: {  	s6 =	sld [smem:$0x3FA8]  }
0x2c: {  	s7 =	sld [smem:$0x3FA9]  }
0x2d: {  	s3 =	simm.s32 $0x108;
	s8 =	sld [smem:$0x3FAA]  }
0x2e: {  	s3 =	simm.s32 @!p0 $0x1082;
	s9 =	sld [smem:$0x3FAB]  }
0x2f: {  	lr =	sadd.s32 s0, s3;
	s0 =	sld [smem:$0x3FA2]  }
0x30: {  	s3 =	sld [smem:$0x3FA5]  }
0x31: {  	[smem:$0x3FAE] =	sst s10  }
0x32: {  	s10 =	sld [smem:$0x3FAC];
	_ =	sdelay $0x3  }
0x33: {  	p0 =	seq.s32 s10, $0x1;
	s10 =	sld [smem:$0x3FAE];
	_ =	sdelay $0x3  }
0x34: {  	[smem:$0x3FAE] =	sst s10  }
0x35: {  	s10 =	sld [smem:$0x3FAD];
	_ =	sdelay $0x3  }
0x36: {  	p1 =	seq.s32 s10, $0x1;
	s10 =	sld [smem:$0x3FAE];
	_ =	sdelay $0x3  }
0x37: {  	[smem:$0x3FAE] =	sst s10  }
0x38: {  	s10 =	sld [smem:$0x3FAF]  }
0x39: {  	_ = 	snop;
	(pc) =	sbr.ind lr, $3  }
0x3a: {  	_ = 	snop  }
0x3b: {  	_ = 	snop  }
0x3c: {  	p2 =	seq.s32 s10, $0x1;
	s10 =	sld [smem:$0x3FAE]  }
0x3d: {  	_ =	shalt  }
0x3e: {  	_ =	shalt  }
0x3f: {  	_ =	shalt  }
0x40: {  	_ =	shalt  }
0x41: {  	_ =	shalt  }
0x42: {  	_ =	shalt  }
0x43: {  	_ =	shalt  }
0x44: {  	_ =	shalt  }
0x45: {  	_ =	shalt  }
0x46: {  	_ =	shalt  }
0x47: {  	_ =	shalt  }
0x48: {  	_ =	shalt  }
0x49: {  	_ =	shalt  }
0x4a: {  	_ =	shalt  }
0x4b: {  	_ =	shalt  }
0x4c: {  	_ =	shalt  }
0x4d: {  	_ =	shalt  }
0x4e: {  	_ =	shalt  }
0x4f: {  	_ =	shalt  }
0x50: {  	_ =	shalt  }
0x51: {  	_ =	shalt  }
0x52: {  	_ =	shalt  }
0x53: {  	_ =	shalt  }
0x54: {  	_ =	shalt  }
0x55: {  	_ =	shalt  }
0x56: {  	_ =	shalt  }
0x57: {  	_ =	shalt  }
0x58: {  	_ =	shalt  }
0x59: {  	_ =	shalt  }
0x5a: {  	_ =	shalt  }
0x5b: {  	_ =	shalt  }
0x5c: {  	_ =	shalt  }
0x5d: {  	_ =	shalt  }
0x5e: {  	_ =	shalt  }
0x5f: {  	_ =	shalt  }
0x60: {  	_ =	shalt  }
0x61: {  	_ =	shalt  }
0x62: {  	_ =	shalt  }
0x63: {  	_ =	shalt  }
0x64: {  	_ =	shalt  }
0x65: {  	_ =	shalt  }
0x66: {  	_ =	shalt  }
0x67: {  	_ =	shalt  }
0x68: {  	_ =	shalt  }
0x69: {  	_ =	shalt  }
0x6a: {  	_ =	shalt  }
0x6b: {  	_ =	shalt  }
0x6c: {  	_ =	shalt  }
0x6d: {  	_ =	shalt  }
0x6e: {  	_ =	shalt  }
0x6f: {  	_ =	shalt  }
0x70: {  	_ =	shalt  }
0x71: {  	_ =	shalt  }
0x72: {  	_ =	shalt  }
0x73: {  	_ =	shalt  }
0x74: {  	_ =	shalt  }
0x75: {  	_ =	shalt  }
0x76: {  	_ =	shalt  }
0x77: {  	_ =	shalt  }
0x78: {  	_ =	shalt  }
0x79: {  	_ =	shalt  }
0x7a: {  	_ =	shalt  }
0x7b: {  	_ =	shalt  }
0x7c: {  	_ =	shalt  }
0x7d: {  	_ =	shalt  }
0x7e: {  	_ =	shalt  }
0x7f: {  	_ =	shalt  }
0x80: {  	_ =	shalt  }
0x81: {  	_ =	shalt  }
0x82: {  	_ =	shalt  }
0x83: {  	_ =	shalt  }
0x84: {  	_ =	shalt  }
0x85: {  	_ =	shalt  }
0x86: {  	_ =	shalt  }
0x87: {  	_ =	shalt  }
.Lfunc_end0:
.L_simem_size_0:
called_computation.3_lowered:
.L_overlay_start_0:
0x88: {  	s2 =	sld [smem:$0x3FD9]  }
0x89: {  	s3 =	sld [smem:$0x3FFE];
	_ =	sdelay $0x1  }
0x8a: {  	s1 =	srdreg.scid  }
0x8b: {  	s0 =	sand.u32 $0x1, s1  }
0x8c: {  	s17 =	sshll.u32 s0, $0xA;
	s2 =	sadd.s32 s3, s2  }
0x8d: {  	s2 =	sadd.s32 s2, s17  }
0x8e: {  	[smem:$0x3FBA] =	sst s2  }
0x8f: {  	_ = 	snop  }
0x90: {  	(tm) =	ssettm $0x1  }
0x91: {  	s18 =	sld [smem:$0x3FFB];
	_ =	sdelay $0x3  }
0x92: {  	_ =	strace s18  }
0x93: {  	s2 =	sld [smem:$0x3FFC];
	_ =	sdelay $0x3  }
0x94: {  	_ =	strace s2  }
0x95: {  	s2 =	sld [smem:$0x3FFD];
	_ =	sdelay $0x3  }
0x96: {  	_ =	strace s2  }
0x97: {  	_ =	strace $0x8FFFFFFF  }
0x98: {  	s19 =	sld [smem:$0x3FDB];
	_ =	sdelay $0x1  }
0x99: {  	s20 =	simm.s32 $_scs_section_size  }
0x9a: {  	s4 =	simm.s32 $_size__tile_overlayer_lowered;
	s5 =	simm.s32 $_tile_overlayer_lowered  }
0x9b: {  	s6 =	simm.s32 $0x1BFF;
	s21 =	sshll.u32 s5, $0x1;
	s3 =	sadd.s32 s20, s19  }
0x9c: {  	s22 =	simm.s32 $0x0;
	s4 =	sshll.u32 s4, $0x1;
	s5 =	sadd.s32 s21, s3  }
0x9d: {  	[timem:s22], [sflag:s6] =	dma.local [hbm:s5], s4  }
0x9e: {  	_ =	swait.ge [sflag:s6], s4  }
0x9f: {  	s4 =	ssub.s32 $0x0, s4;
	[sflag:s6] =	ssyncset.done $0x0  }
0xa0: {  	[sflag:s6] =	ssyncadd.s32 s4;
	_ =	sdelay $0x1  }
0xa1: {  	s23 =	simm.s32 $0x1B8B  }
0xa2: {  	_ =	swait.ge [sflag:s23], $0x1  }
0xa3: {  	[sflag:s23] =	ssyncset.done $0x0  }
0xa4: {  	[sflag:s23] =	ssyncadd.s32 $0xFFFFFFFF  }
0xa5: {  	s4 =	sld [smem:$0x0]  }
0xa6: {  	s5 =	sand.u32 $0xFFFFFFFE, s1  }
0xa7: {  	p0 =	sne.s32 s1, s5  }
0xa8: {  	s5 =	sshll.u32 @p0 s5, $0xE  }
0xa9: {  	s5 =	sadd.s32 @p0 $0x11B8D, s5;
	s6 =	sshll.u32 @p0 s4, $0x11  }
0xaa: {  	s5 =	sor.u32 @p0 s6, s5  }
0xab: {  	[sflag:s5] =	ssyncadd.remote.s32 @p0 $0x1;
	_ =	sdelay $0x1  }
0xac: {  	s5 =	simm.s32 @p0 $0x1B8D  }
0xad: {  	_ =	swait.eq @p0 [sflag:s5], $0x1  }
0xae: {  	[sflag:s5] =	ssyncadd.s32 @p0 $0xFFFFFFFF  }
0xaf: {  	s6 =	sshll.u32 @!p0 s1, $0xE  }
0xb0: {  	s6 =	sor.u32 @!p0 $0x4000, s6;
	s5 =	simm.s32 @!p0 $0x1B8D  }
0xb1: {  	s4 =	sshll.u32 @!p0 s4, $0x11;
	s6 =	sadd.s32 @!p0 $0x11B8D, s6;
	_ =	swait.eq @!p0 [sflag:s5], $0x1  }
0xb2: {  	s4 =	sor.u32 @!p0 s4, s6;
	[sflag:s5] =	ssyncadd.s32 @!p0 $0xFFFFFFFF  }
0xb3: {  	s25 =	simm.s32 $0x1B8E;
	s24 =	sld [smem:$0x3FFE];
	[sflag:s4] =	ssyncadd.remote.s32 @!p0 $0x1  }
0xb4: {  	s26 =	simm.s32 $execute0_lowered;
	[smem:$0x3FD2] =	sst s25  }
0xb5: {  	s5 =	sshll.u32 s26, $0x1;
	_ =	strace $0x8000004F;
	[dreg:$0x1] =	wrdreg $0xFFFFFFFF  }
0xb6: {  	s28 =	simm.s32 $_size_execute0_lowered;
	s3 =	sadd.s32 s3, s5;
	[dreg:$0x0] =	wrdreg $0x0  }
0xb7: {  	s5 =	sshll.u32 s28, $0x1;
	[dreg:$0x2] =	wrdreg s3  }
0xb8: {  	[dreg:$0x3] =	wrdreg s5  }
0xb9: {  	[dreg:$0x4] =	wrdreg $0xC0  }
0xba: {  	_ =	task [dreg:s22], $0x5FFFF  }
0xbb: {  	[dreg:$0x1] =	wrdreg $0xFFFFFFFF  }
0xbc: {  	[dreg:$0x0] =	wrdreg $0x60  }
0xbd: {  	[dreg:$0x2] =	wrdreg s24  }
0xbe: {  	[dreg:$0x3] =	wrdreg $0xC  }
0xbf: {  	_ =	task.clear_ibuf [dreg:s22], $0x4FFFF;
	_ =	strace $0x9000004F  }
0xc0: {  	s29 =	simm.s32 $0xC;
	_ =	strace $0x80000051  }
0xc1: {  	_ =	swait.ge [sflag:s29], $0x1  }
0xc2: {  	[sflag:s29] =	ssyncadd.s32 $0xFFFFFFFF  }
0xc3: {  	_ =	strace $0x90000051  }
0xc4: {  	_ =	sfence  }
0xc5: {  	s30 =	sld [smem:$0x0];
	_ =	sdelay $0x2  }
0xc6: {  	s31 =	sshll.u32 s1, $0xD;
	s1 =	sshrl.u32 s1, $0x2  }
0xc7: {  	s4 =	sand.u32 $0x4000, s31;
	s1 =	sadd.s32 s1, s30  }
0xc8: {  	s0 =	sor.u32 s4, s0;
	s1 =	sshll.u32 s1, $0x11  }
0xc9: {  	s0 =	sor.u32 s1, s0  }
0xca: {  	s0 =	sadd.s32 $0x8F2B, s0  }
0xcb: {  	[sflag:s0] =	ssyncadd.remote.s32 $0x1  }
0xcc: {  	_ =	sfence.sel $0xFFFF  }
0xcd: {  	[dreg:$0x0] =	wrdreg $0xFFFFFFFF;
	(pc) =	sbr.abs _section_cstart, $3  }
0xce: {  	[dreg:$0x1] =	wrdreg $0xFFFFFFFF  }
0xcf: {  	_ =	task.clear_ibuf [dreg:s22], $0x2FFFF;
	_ =	strace $0x9FFFFFFF  }
0xd0: {  	(tm) =	ssettm $0x7FFFFFFF  }
0xd1: {  	_ =	shalt  }
tec
execute0_lowered:
.L_overlay_start_1:
0x0: {  	(tag) =	ssettag $0x1  }
0x1: {  	s0 =	stileid.u32  }
0x2: {  	s1 =	srdreg.scid;
	s4 =	rddreg [dreg:$0x0];
	s2 =	simm.s32 $0x0  }
0x3: {  	s10 =	simm.s32 $0x60;
	s11 =	simm.s32 $0x3300;
	s12 =	simm.s32 $0x4B00  }
0x4: {  	s13 =	simm.s32 $0x6500;
	s14 =	simm.s32 $0x7D00;
	s15 =	simm.s32 $0x9700  }
0x5: {  	s16 =	simm.s32 $0xAF00;
	s17 =	simm.s32 $0xC900;
	s18 =	simm.s32 $0x1  }
0x6: {  	s19 =	simm.s32 $0x0;
	s5 =	sand.u32 $0x1, s1;
	s1 =	rddreg [dreg:$0x1]  }
0x7: {  	s3 =	sshll.u32 s0, $0x1;
	[smem:$0x7FF] =	sst s2;
	s7 =	smul.u32 $0x19000, s0  }
0x8: {  	s3 =	sor.u32 s5, s3;
	s8 =	ssub.s32 $0x2, s5;
	s5 =	smul.u32 $0xC800, s5  }
0x9: {  	_ =	strace $0x80000050;
	s6 =	smul.u32 $0x1900, s3;
	s9 =	sshrl.u32 s8, $0x1  }
0xa: {  	s3 =	sadd.s32 $0x5000, s4;
	s7 =	sadd.s32 s7, s4;
	s31 =	ssub.s32 s8, s9  }
0xb: {  	s7 =	sadd.s32 s5, s7;
	s8 =	simm.s32 $0x68;
	s6 =	sshrl.u32 s6, $0x3  }
0xc: {  	s9 =	simm.s32 $0x1900;
	s5 =	smax.u32 s31, $0x1;
	s4 =	sadd.s32 s4, s6  }
0xd: {  	s6 =	sadd.s32 $0x7DB600, s7;
	s7 =	simm.s32 $0x2;
	s4 =	sadd.s32 $0xDB200, s4  }
.LBB2_1:
0xe: {  	[tilespmem:s2], [sflag:$0x2] =	stream.linear.gather [hbm4b:s4+s2], $0x1900, $0x38;
	[tilespmem:$0xE100] =	vst v63  }
0xf: {  	_ =	swait.ge [sflag:s7], $0x1900  }
0x10: {  	[sflag:s7] =	ssyncset.done $0x0  }
0x11: {  	s20 =	simm.s32 $0x0;
	[sflag:s7] =	ssyncadd.s32 $0xFFFFE700  }
0x12: {  	[tilespmem:s9], [sflag:$0x1] =	stream.indirect.gather [hbm4b:s3+s8], $0x40, s20, s8, $0xb8;
	[tilespmem:$0xE100] =	vst v63  }
0x13: {  	s24 =	simm.s32 $0x68  }
0x14: {  	[tilespmem:s11], [sflag:$0x1] =	stream.indirect.gather [hbm4b:s3+s10], $0x40, s24, s10, $0xb8;
	[tilespmem:$0xE100] =	vst v63  }
0x15: {  	s25 =	simm.s32 $0xC8  }
0x16: {  	[tilespmem:s12], [sflag:$0x1] =	stream.indirect.gather [hbm4b:s3+s8], $0x40, s25, s8, $0xb8;
	[tilespmem:$0xE100] =	vst v63  }
0x17: {  	s26 =	simm.s32 $0x130  }
0x18: {  	[tilespmem:s13], [sflag:$0x1] =	stream.indirect.gather [hbm4b:s3+s10], $0x40, s26, s10, $0xb8;
	[tilespmem:$0xE100] =	vst v63  }
0x19: {  	s28 =	simm.s32 $0x190  }
0x1a: {  	[tilespmem:s14], [sflag:$0x1] =	stream.indirect.gather [hbm4b:s3+s8], $0x40, s28, s8, $0xb8;
	[tilespmem:$0xE100] =	vst v63  }
0x1b: {  	s29 =	simm.s32 $0x1F8  }
0x1c: {  	[tilespmem:s15], [sflag:$0x1] =	stream.indirect.gather [hbm4b:s3+s10], $0x40, s29, s10, $0xb8;
	[tilespmem:$0xE100] =	vst v63  }
0x1d: {  	s30 =	simm.s32 $0x258  }
0x1e: {  	[tilespmem:s16], [sflag:$0x1] =	stream.indirect.gather [hbm4b:s3+s8], $0x40, s30, s8, $0xb8;
	[tilespmem:$0xE100] =	vst v63  }
0x1f: {  	s31 =	simm.s32 $0x2C0  }
0x20: {  	[tilespmem:s17], [sflag:$0x1] =	stream.indirect.gather [hbm4b:s3+s10], $0x40, s31, s10, $0xb8;
	[tilespmem:$0xE100] =	vst v63  }
0x21: {  	_ =	swait.ge [sflag:s18], $0x1A00  }
0x22: {  	[sflag:s18] =	ssyncset.done $0x0  }
0x23: {  	[sflag:s18] =	ssyncadd.s32 $0xFFFFE600  }
0x24: {  	_ =	swait.ge [sflag:s18], $0x1800  }
0x25: {  	[sflag:s18] =	ssyncset.done $0x0  }
0x26: {  	[sflag:s18] =	ssyncadd.s32 $0xFFFFE800  }
0x27: {  	_ =	swait.ge [sflag:s18], $0x1A00  }
0x28: {  	[sflag:s18] =	ssyncset.done $0x0  }
0x29: {  	[sflag:s18] =	ssyncadd.s32 $0xFFFFE600  }
0x2a: {  	_ =	swait.ge [sflag:s18], $0x1800  }
0x2b: {  	[sflag:s18] =	ssyncset.done $0x0  }
0x2c: {  	[sflag:s18] =	ssyncadd.s32 $0xFFFFE800  }
0x2d: {  	_ =	swait.ge [sflag:s18], $0x1A00  }
0x2e: {  	[sflag:s18] =	ssyncset.done $0x0  }
0x2f: {  	[sflag:s18] =	ssyncadd.s32 $0xFFFFE600  }
0x30: {  	_ =	swait.ge [sflag:s18], $0x1800  }
0x31: {  	[sflag:s18] =	ssyncset.done $0x0  }
0x32: {  	[sflag:s18] =	ssyncadd.s32 $0xFFFFE800  }
0x33: {  	_ =	swait.ge [sflag:s18], $0x1A00  }
0x34: {  	[sflag:s18] =	ssyncset.done $0x0  }
0x35: {  	[sflag:s18] =	ssyncadd.s32 $0xFFFFE600  }
0x36: {  	_ =	swait.ge [sflag:s18], $0x1800  }
0x37: {  	[sflag:s18] =	ssyncset.done $0x0  }
0x38: {  	[sflag:s18] =	ssyncadd.s32 $0xFFFFE800  }
0x39: {  	[hbm4b:s6+s2] =	stream.linear.scatter [tilespmem:s9], [sflag:$0x2], $0xC800, $0x38;
	[tilespmem:$0xE100] =	vst v63  }
0x3a: {  	s21 =	simm.s32 $0xC80;
	_ =	swait.ge [sflag:s7], $0xC800  }
0x3b: {  	s23 =	simm.s32 $0x1900;
	s20 =	sadd.s32 $0x1900, s6;
	[sflag:s7] =	ssyncset.done $0x0  }
.LBB2_2:
0x3c: {  	s24 =	sshra.s32 s21, $0x2  }
0x3d: {  	[sflag:s7] =	ssyncadd.s32 $0xFFFF3800;
	s21 =	smov.u32 s23;
	s22 =	sadd.s32 $0xC80, s23  }
0x3e: {  	[tilespmem:s9], [sflag:$0x1] =	stream.indirect.gather [hbm4b:s3+s8], $0x40, s24, s8, $0xb8;
	[tilespmem:$0xE100] =	vst v63  }
0x3f: {  	p0 =	sne.s32 s23, $0x5780;
	s23 =	sadd.s32 $0x68, s24  }
0x40: {  	[tilespmem:s11], [sflag:$0x1] =	stream.indirect.gather [hbm4b:s3+s10], $0x40, s23, s10, $0xb8;
	[tilespmem:$0xE100] =	vst v63  }
0x41: {  	s23 =	sadd.s32 $0xC8, s24  }
0x42: {  	[tilespmem:s12], [sflag:$0x1] =	stream.indirect.gather [hbm4b:s3+s8], $0x40, s23, s8, $0xb8;
	[tilespmem:$0xE100] =	vst v63  }
0x43: {  	s23 =	sadd.s32 $0x130, s24  }
0x44: {  	[tilespmem:s13], [sflag:$0x1] =	stream.indirect.gather [hbm4b:s3+s10], $0x40, s23, s10, $0xb8;
	[tilespmem:$0xE100] =	vst v63  }
0x45: {  	s23 =	sadd.s32 $0x190, s24  }
0x46: {  	[tilespmem:s14], [sflag:$0x1] =	stream.indirect.gather [hbm4b:s3+s8], $0x40, s23, s8, $0xb8;
	[tilespmem:$0xE100] =	vst v63  }
0x47: {  	s23 =	sadd.s32 $0x1F8, s24  }
0x48: {  	[tilespmem:s15], [sflag:$0x1] =	stream.indirect.gather [hbm4b:s3+s10], $0x40, s23, s10, $0xb8;
	[tilespmem:$0xE100] =	vst v63  }
0x49: {  	s23 =	sadd.s32 $0x258, s24  }
0x4a: {  	[tilespmem:s16], [sflag:$0x1] =	stream.indirect.gather [hbm4b:s3+s8], $0x40, s23, s8, $0xb8;
	[tilespmem:$0xE100] =	vst v63  }
0x4b: {  	s23 =	sadd.s32 $0x2C0, s24  }
0x4c: {  	[tilespmem:s17], [sflag:$0x1] =	stream.indirect.gather [hbm4b:s3+s10], $0x40, s23, s10, $0xb8;
	[tilespmem:$0xE100] =	vst v63  }
0x4d: {  	_ =	swait.ge [sflag:s18], $0x1A00  }
0x4e: {  	[sflag:s18] =	ssyncset.done $0x0  }
0x4f: {  	[sflag:s18] =	ssyncadd.s32 $0xFFFFE600  }
0x50: {  	_ =	swait.ge [sflag:s18], $0x1800  }
0x51: {  	[sflag:s18] =	ssyncset.done $0x0  }
0x52: {  	[sflag:s18] =	ssyncadd.s32 $0xFFFFE800  }
0x53: {  	_ =	swait.ge [sflag:s18], $0x1A00  }
0x54: {  	[sflag:s18] =	ssyncset.done $0x0  }
0x55: {  	[sflag:s18] =	ssyncadd.s32 $0xFFFFE600  }
0x56: {  	_ =	swait.ge [sflag:s18], $0x1800  }
0x57: {  	[sflag:s18] =	ssyncset.done $0x0  }
0x58: {  	[sflag:s18] =	ssyncadd.s32 $0xFFFFE800  }
0x59: {  	_ =	swait.ge [sflag:s18], $0x1A00  }
0x5a: {  	[sflag:s18] =	ssyncset.done $0x0  }
0x5b: {  	[sflag:s18] =	ssyncadd.s32 $0xFFFFE600  }
0x5c: {  	_ =	swait.ge [sflag:s18], $0x1800  }
0x5d: {  	[sflag:s18] =	ssyncset.done $0x0  }
0x5e: {  	[sflag:s18] =	ssyncadd.s32 $0xFFFFE800  }
0x5f: {  	_ =	swait.ge [sflag:s18], $0x1A00  }
0x60: {  	[sflag:s18] =	ssyncset.done $0x0  }
0x61: {  	[sflag:s18] =	ssyncadd.s32 $0xFFFFE600  }
0x62: {  	_ =	swait.ge [sflag:s18], $0x1800  }
.Ltmp0:
0x63: {  	[sflag:s18] =	ssyncset.done $0x0;
	(pc) =	sbr.rel @p0 .LBB2_2-.Ltmp0, $4  }
0x64: {  	[sflag:s18] =	ssyncadd.s32 $0xFFFFE800  }
0x65: {  	[hbm4b:s20+s2] =	stream.linear.scatter [tilespmem:s9], [sflag:$0x2], $0xC800, $0x38;
	[tilespmem:$0xE100] =	vst v63  }
0x66: {  	_ =	swait.ge [sflag:s7], $0xC800  }
0x67: {  	s23 =	smov.u32 s22;
	s20 =	sadd.s32 $0x1900, s20;
	[sflag:s7] =	ssyncset.done $0x0  }
0x68: {  	s21 =	sshra.s32 s21, $0x2;
	[sflag:s7] =	ssyncadd.s32 $0xFFFF3800  }
0x69: {  	[tilespmem:s9], [sflag:$0x1] =	stream.indirect.gather [hbm4b:s3+s8], $0x40, s21, s8, $0xb8;
	[tilespmem:$0xE100] =	vst v63  }
0x6a: {  	s22 =	sadd.s32 $0x68, s21  }
0x6b: {  	[tilespmem:s11], [sflag:$0x1] =	stream.indirect.gather [hbm4b:s3+s10], $0x40, s22, s10, $0xb8;
	[tilespmem:$0xE100] =	vst v63  }
0x6c: {  	s26 =	sadd.s32 $0xC8, s21  }
0x6d: {  	[tilespmem:s12], [sflag:$0x1] =	stream.indirect.gather [hbm4b:s3+s8], $0x40, s26, s8, $0xb8;
	[tilespmem:$0xE100] =	vst v63  }
0x6e: {  	s28 =	sadd.s32 $0x130, s21  }
0x6f: {  	[tilespmem:s13], [sflag:$0x1] =	stream.indirect.gather [hbm4b:s3+s10], $0x40, s28, s10, $0xb8;
	[tilespmem:$0xE100] =	vst v63  }
0x70: {  	s29 =	sadd.s32 $0x190, s21  }
0x71: {  	[tilespmem:s14], [sflag:$0x1] =	stream.indirect.gather [hbm4b:s3+s8], $0x40, s29, s8, $0xb8;
	[tilespmem:$0xE100] =	vst v63  }
0x72: {  	s30 =	sadd.s32 $0x1F8, s21  }
0x73: {  	[tilespmem:s15], [sflag:$0x1] =	stream.indirect.gather [hbm4b:s3+s10], $0x40, s30, s10, $0xb8;
	[tilespmem:$0xE100] =	vst v63  }
0x74: {  	s31 =	sadd.s32 $0x258, s21  }
0x75: {  	[tilespmem:s16], [sflag:$0x1] =	stream.indirect.gather [hbm4b:s3+s8], $0x40, s31, s8, $0xb8;
	[tilespmem:$0xE100] =	vst v63  }
0x76: {  	s21 =	sadd.s32 $0x2C0, s21  }
0x77: {  	[tilespmem:s17], [sflag:$0x1] =	stream.indirect.gather [hbm4b:s3+s10], $0x40, s21, s10, $0xb8;
	[tilespmem:$0xE100] =	vst v63  }
0x78: {  	_ =	swait.ge [sflag:s18], $0x1A00  }
0x79: {  	[sflag:s18] =	ssyncset.done $0x0  }
0x7a: {  	[sflag:s18] =	ssyncadd.s32 $0xFFFFE600  }
0x7b: {  	_ =	swait.ge [sflag:s18], $0x1800  }
0x7c: {  	[sflag:s18] =	ssyncset.done $0x0  }
0x7d: {  	[sflag:s18] =	ssyncadd.s32 $0xFFFFE800  }
0x7e: {  	_ =	swait.ge [sflag:s18], $0x1A00  }
0x7f: {  	[sflag:s18] =	ssyncset.done $0x0  }
0x80: {  	[sflag:s18] =	ssyncadd.s32 $0xFFFFE600  }
0x81: {  	_ =	swait.ge [sflag:s18], $0x1800  }
0x82: {  	[sflag:s18] =	ssyncset.done $0x0  }
0x83: {  	[sflag:s18] =	ssyncadd.s32 $0xFFFFE800  }
0x84: {  	_ =	swait.ge [sflag:s18], $0x1A00  }
0x85: {  	[sflag:s18] =	ssyncset.done $0x0  }
0x86: {  	[sflag:s18] =	ssyncadd.s32 $0xFFFFE600  }
0x87: {  	_ =	swait.ge [sflag:s18], $0x1800  }
0x88: {  	[sflag:s18] =	ssyncset.done $0x0  }
0x89: {  	[sflag:s18] =	ssyncadd.s32 $0xFFFFE800  }
0x8a: {  	_ =	swait.ge [sflag:s18], $0x1A00  }
0x8b: {  	[sflag:s18] =	ssyncset.done $0x0  }
0x8c: {  	[sflag:s18] =	ssyncadd.s32 $0xFFFFE600  }
0x8d: {  	s19 =	sadd.s32 $0x1, s19;
	_ =	swait.ge [sflag:s18], $0x1800  }
0x8e: {  	p0 =	sne.s32 s19, s5;
	[sflag:s18] =	ssyncset.done $0x0  }
.Ltmp1:
0x8f: {  	[sflag:s18] =	ssyncadd.s32 $0xFFFFE800;
	(pc) =	sbr.rel @p0 .LBB2_1-.Ltmp1, $4  }
0x90: {  	[hbm4b:s20+s2] =	stream.linear.scatter [tilespmem:s9], [sflag:$0x2], $0xC800, $0x38;
	[tilespmem:$0xE100] =	vst v63  }
0x91: {  	_ =	swait.ge [sflag:s7], $0xC800  }
0x92: {  	[sflag:s7] =	ssyncset.done $0x0  }
0x93: {  	[sflag:s7] =	ssyncadd.s32 $0xFFFF3800  }
0x94: {  	_ =	sfence.sel $0x180000  }
0x95: {  	[bflag:$0x0] =	sbarrier.arrive $0xFFFF  }
0x96: {  	p0 =	sne.s32 s0, $0x0;
	_ =	strace $0x90000050  }
0x97: {  	s0 =	sadd.s32 @!p0 $0x100000, s1;
	[bflag:$0x2] =	sbarrier.arrive $0xFFFF  }
0x98: {  	[sflag:s0] =	ssyncadd.tile.s32 @!p0 $0x1;
	_ =	shalt  }
.Lfunc_end2:
_tile_overlayer_lowered:
.L_overlay_start_2:
0x99: {  	(tag) =	ssettag $0x2  }
0x9a: {  	s0 =	rddreg [dreg:$0x0];
	s2 =	stileid.u32  }
0x9b: {  	s1 =	rddreg [dreg:$0x1];
	p0 =	sne.s32 s2, $0x0  }
0x9c: {  	s3 =	rddreg [dreg:$0x2];
	[bflag:$0x3] =	sbarrier.arrive $0xFFFF;
	s2 =	simm.s32 @!p0 $0x1C02  }
0x9d: {  	[timem:s3], [sflag:s2] =	dma.local @!p0 [hbm:s0], s1  }
0x9e: {  	s0 =	simm.s32 @!p0 $0x2  }
0x9f: {  	_ =	swait.ge @!p0 [sflag:s0], s1  }
0xa0: {  	s1 =	ssub.s32 @!p0 $0x0, s1;
	[sflag:s0] =	ssyncset.done @!p0 $0x0  }
0xa1: {  	[sflag:s0] =	ssyncadd.s32 @!p0 s1  }
0xa2: {  	[bflag:$0x3] =	sbarrier.arrive $0xFFFF  }
0xa3: {  	_ =	shalt  }

</sc_bundles>
